<compile_context>
chip_gen: v7x
topology: tpu7x:2x2x1
jax: 0.10.2.dev20260603
libtpu: 0.0.44.dev20260713+nightly
codegen_flags: <defaults>
</compile_context>

<pallas_src>
import functools

import jax
import jax.numpy as jnp
from jax import lax
from jax.experimental import pallas as pl
from jax.experimental.pallas import tpu as pltpu
from jax.experimental.pallas import tpu_sc as plsc

N = 10000
D = 128
G = 64

NC = 2
NS = 16
NW = NC * NS
LANES = 16
CH = 128
NPAD = 10240
RPT_ACC = NPAD // NS

_f32 = jnp.float32
_i32 = jnp.int32


def _sc_mesh():
    return plsc.VectorSubcoreMesh(core_axis_name="c", subcore_axis_name="s")


@functools.lru_cache(maxsize=None)
def _deg_sc(K):

    @functools.partial(
        pl.kernel,
        out_type=jax.ShapeDtypeStruct((NC, NPAD), _f32),
        mesh=_sc_mesh(),
        scratch_types=[
            pltpu.VMEM((K, CH), _i32),
            pltpu.VMEM((CH,), _f32),
            pltpu.VMEM((RPT_ACC,), _f32),
            pltpu.VMEM_SHARED((NPAD,), _f32),
        ],
    )
    def deg_kernel(dst_hbm, out_hbm, dstv, ones_v, zero_v, acc):
        c = lax.axis_index("c")
        s = lax.axis_index("s")
        widx = c * NS + s
        pltpu.sync_copy(dst_hbm.at[widx], dstv)
        for j in range(CH // LANES):
            ones_v[pl.ds(j * LANES, LANES)] = jnp.ones((LANES,), _f32)
        for j in range(RPT_ACC // LANES):
            zero_v[pl.ds(j * LANES, LANES)] = jnp.zeros((LANES,), _f32)
        pltpu.sync_copy(zero_v, acc.at[pl.ds(s * RPT_ACC, RPT_ACC)])
        plsc.subcore_barrier()

        def step(k, carry):
            pltpu.sync_copy(ones_v, acc.at[dstv.at[k]], add=True)
            return carry

        lax.fori_loop(0, K, step, 0)
        plsc.subcore_barrier()
        pltpu.sync_copy(acc.at[pl.ds(s * RPT_ACC, RPT_ACC)],
                        out_hbm.at[c, pl.ds(s * RPT_ACC, RPT_ACC)])

    return deg_kernel


@functools.lru_cache(maxsize=None)
def _spmm_sc(K0, K1):
    KM = max(K0, K1)

    @functools.partial(
        pl.kernel,
        out_type=jax.ShapeDtypeStruct((NC, NPAD, D), _f32),
        mesh=_sc_mesh(),
        scratch_types=[
            pltpu.VMEM((KM, CH), _i32),
            pltpu.VMEM((1, CH), _i32),
            pltpu.VMEM((1, CH), _i32),
            pltpu.VMEM((CH, D), _f32),
            pltpu.VMEM_SHARED((NPAD, D), _f32),
            pltpu.SemaphoreType.DMA,
        ],
    )
    def spmm_kernel(hw_hbm, pidx0_hbm, pidx1_hbm, out_hbm,
                    pidx, srcb, dstb, rows, acc, gsem):
        c = lax.axis_index("c")
        s = lax.axis_index("s")

        @pl.when(c == 0)
        def _():
            pltpu.sync_copy(pidx0_hbm.at[s], pidx)

        @pl.when(c == 1)
        def _():
            pltpu.sync_copy(pidx1_hbm.at[s], pidx)

        def zrow(r, carry):
            for j in range(D // LANES):
                rows[r, pl.ds(j * LANES, LANES)] = jnp.zeros((LANES,), _f32)
            return carry

        lax.fori_loop(0, CH, zrow, 0)
        for j in range(RPT_ACC // CH):
            pltpu.sync_copy(rows, acc.at[pl.ds(s * RPT_ACC + j * CH, CH)])
        plsc.subcore_barrier()

        def step(k, carry):
            for j in range(CH // LANES):
                v = pidx[k, pl.ds(j * LANES, LANES)]
                srcb[0, pl.ds(j * LANES, LANES)] = v & 0xFFFF
                dstb[0, pl.ds(j * LANES, LANES)] = v >> 16
            pltpu.async_copy(hw_hbm.at[srcb.at[0]], rows, gsem).wait()
            pltpu.sync_copy(rows, acc.at[dstb.at[0]], add=True)
            return carry

        nk = jnp.where(c == 0, K0, K1)
        lax.fori_loop(0, nk, step, 0)
        plsc.subcore_barrier()
        pltpu.sync_copy(acc.at[pl.ds(s * RPT_ACC, RPT_ACC)],
                        out_hbm.at[c, pl.ds(s * RPT_ACC, RPT_ACC)])

    return spmm_kernel



BM = 1000


def _hw1_tc(x, W, d0, d1):

    def body(x_ref, w_ref, d0_ref, d1_ref, hw_ref, dv_ref):
        deg = d0_ref[...] + d1_ref[...]
        dinv = jnp.where(deg > 0.0, lax.rsqrt(deg), 0.0)
        dv_ref[...] = dinv
        hw = jnp.dot(x_ref[...], w_ref[...], preferred_element_type=_f32)
        hw_ref[...] = hw * dinv

    return pl.pallas_call(
        body,
        grid=(N // BM,),
        in_specs=[
            pl.BlockSpec((BM, D), lambda i: (i, 0)),
            pl.BlockSpec((D, D), lambda i: (0, 0)),
            pl.BlockSpec((BM, 1), lambda i: (i, 0)),
            pl.BlockSpec((BM, 1), lambda i: (i, 0)),
        ],
        out_specs=[
            pl.BlockSpec((BM, D), lambda i: (i, 0)),
            pl.BlockSpec((BM, 1), lambda i: (i, 0)),
        ],
        out_shape=[
            jax.ShapeDtypeStruct((N, D), _f32),
            jax.ShapeDtypeStruct((N, 1), _f32),
        ],
    )(x, W, d0, d1)


def _pool_tc(v, batch2d):

    def body(v_ref, b_ref, pool_ref):
        i = pl.program_id(0)
        onehot = (b_ref[...] == lax.broadcasted_iota(_i32, (1, G), 1)
                  ).astype(_f32)
        p = lax.dot_general(onehot, v_ref[...], (((0,), (0,)), ((), ())),
                            preferred_element_type=_f32)

        @pl.when(i == 0)
        def _():
            pool_ref[...] = p

        @pl.when(i > 0)
        def _():
            pool_ref[...] += p

    return pl.pallas_call(
        body,
        grid=(N // BM,),
        in_specs=[
            pl.BlockSpec((BM, D), lambda i: (i, 0)),
            pl.BlockSpec((BM, 1), lambda i: (i, 0)),
        ],
        out_specs=pl.BlockSpec((G, D), lambda i: (0, 0)),
        out_shape=jax.ShapeDtypeStruct((G, D), _f32),
    )(v, batch2d)


def _t_sums(p0, p1, dinv_col, bias_row):

    def body(p0_ref, p1_ref, dv_ref, b_ref, t_ref, s_ref):
        i = pl.program_id(0)
        t = (p0_ref[...] + p1_ref[...]) * dv_ref[...] + b_ref[...]
        t_ref[...] = t
        st = jnp.sum(t, axis=0, keepdims=True)
        st2 = jnp.sum(t * t, axis=0, keepdims=True)
        blk = jnp.concatenate(
            [st, st2, jnp.zeros((6, 128), _f32)], axis=0)

        @pl.when(i == 0)
        def _():
            s_ref[...] = blk

        @pl.when(i > 0)
        def _():
            s_ref[...] += blk

    return pl.pallas_call(
        body,
        grid=(N // BM,),
        in_specs=[
            pl.BlockSpec((BM, D), lambda i: (i, 0)),
            pl.BlockSpec((BM, D), lambda i: (i, 0)),
            pl.BlockSpec((BM, 1), lambda i: (i, 0)),
            pl.BlockSpec((1, D), lambda i: (0, 0)),
        ],
        out_specs=[
            pl.BlockSpec((BM, D), lambda i: (i, 0)),
            pl.BlockSpec((8, D), lambda i: (0, 0)),
        ],
        out_shape=[
            jax.ShapeDtypeStruct((N, D), _f32),
            jax.ShapeDtypeStruct((8, D), _f32),
        ],
    )(p0, p1, dinv_col, bias_row)


def _bn_stats(s_ref):
    m = s_ref[0:1, :] * (1.0 / N)
    ex2 = s_ref[1:2, :] * (1.0 / N)
    var = ex2 - m * m
    inv = lax.rsqrt(var + 1e-5)
    return m, inv


def _bn_mm(t, sums, gamma_row, beta_row, W, dinv_col):

    def body(t_ref, s_ref, g_ref, be_ref, w_ref, dv_ref, hw_ref):
        m, inv = _bn_stats(s_ref)
        h = jnp.maximum((t_ref[...] - m) * inv * g_ref[...] + be_ref[...],
                        0.0)
        hw = jnp.dot(h, w_ref[...], preferred_element_type=_f32)
        hw_ref[...] = hw * dv_ref[...]

    return pl.pallas_call(
        body,
        grid=(N // BM,),
        in_specs=[
            pl.BlockSpec((BM, D), lambda i: (i, 0)),
            pl.BlockSpec((8, D), lambda i: (0, 0)),
            pl.BlockSpec((1, D), lambda i: (0, 0)),
            pl.BlockSpec((1, D), lambda i: (0, 0)),
            pl.BlockSpec((D, D), lambda i: (0, 0)),
            pl.BlockSpec((BM, 1), lambda i: (i, 0)),
        ],
        out_specs=pl.BlockSpec((BM, D), lambda i: (i, 0)),
        out_shape=jax.ShapeDtypeStruct((N, D), _f32),
    )(t, sums, gamma_row, beta_row, W, dinv_col)


def _bn_pool(t, sums, gamma_row, beta_row, batch2d):

    def body(t_ref, s_ref, g_ref, be_ref, b_ref, pool_ref):
        i = pl.program_id(0)
        m, inv = _bn_stats(s_ref)
        h = jnp.maximum((t_ref[...] - m) * inv * g_ref[...] + be_ref[...],
                        0.0)
        onehot = (b_ref[...] == lax.broadcasted_iota(_i32, (1, G), 1)
                  ).astype(_f32)
        p = lax.dot_general(onehot, h, (((0,), (0,)), ((), ())),
                            preferred_element_type=_f32)

        @pl.when(i == 0)
        def _():
            pool_ref[...] = p

        @pl.when(i > 0)
        def _():
            pool_ref[...] += p

    return pl.pallas_call(
        body,
        grid=(N // BM,),
        in_specs=[
            pl.BlockSpec((BM, D), lambda i: (i, 0)),
            pl.BlockSpec((8, D), lambda i: (0, 0)),
            pl.BlockSpec((1, D), lambda i: (0, 0)),
            pl.BlockSpec((1, D), lambda i: (0, 0)),
            pl.BlockSpec((BM, 1), lambda i: (i, 0)),
        ],
        out_specs=pl.BlockSpec((G, D), lambda i: (0, 0)),
        out_shape=jax.ShapeDtypeStruct((G, D), _f32),
    )(t, sums, gamma_row, beta_row, batch2d)


def _bn_pool_final(t, sums, gamma_row, beta_row, batch2d,
                   px, p1, Wp0, Wp1, Wp2, b0r, b1r, b2r):

    def body(t_ref, s_ref, g_ref, be_ref, b_ref, px_ref, p1_ref,
             w0_ref, w1_ref, w2_ref, b0_ref, b1_ref, b2_ref,
             o_ref, pool_acc):
        i = pl.program_id(0)
        m, inv = _bn_stats(s_ref)
        h = jnp.maximum((t_ref[...] - m) * inv * g_ref[...] + be_ref[...],
                        0.0)
        onehot = (b_ref[...] == lax.broadcasted_iota(_i32, (1, G), 1)
                  ).astype(_f32)
        p = lax.dot_general(onehot, h, (((0,), (0,)), ((), ())),
                            preferred_element_type=_f32)

        @pl.when(i == 0)
        def _():
            pool_acc[...] = p

        @pl.when(i > 0)
        def _():
            pool_acc[...] += p

        @pl.when(i == N // BM - 1)
        def _():
            o_ref[...] = (
                jnp.dot(px_ref[...], w0_ref[...],
                        preferred_element_type=_f32)
                + jnp.dot(p1_ref[...], w1_ref[...],
                          preferred_element_type=_f32)
                + jnp.dot(pool_acc[...], w2_ref[...],
                          preferred_element_type=_f32)
                + b0_ref[...] + b1_ref[...] + b2_ref[...])

    return pl.pallas_call(
        body,
        grid=(N // BM,),
        in_specs=[
            pl.BlockSpec((BM, D), lambda i: (i, 0)),
            pl.BlockSpec((8, D), lambda i: (0, 0)),
            pl.BlockSpec((1, D), lambda i: (0, 0)),
            pl.BlockSpec((1, D), lambda i: (0, 0)),
            pl.BlockSpec((BM, 1), lambda i: (i, 0)),
            pl.BlockSpec((G, D), lambda i: (0, 0)),
            pl.BlockSpec((G, D), lambda i: (0, 0)),
            pl.BlockSpec((D, D), lambda i: (0, 0)),
            pl.BlockSpec((D, D), lambda i: (0, 0)),
            pl.BlockSpec((D, D), lambda i: (0, 0)),
            pl.BlockSpec((1, D), lambda i: (0, 0)),
            pl.BlockSpec((1, D), lambda i: (0, 0)),
            pl.BlockSpec((1, D), lambda i: (0, 0)),
        ],
        out_specs=pl.BlockSpec((G, D), lambda i: (0, 0)),
        out_shape=jax.ShapeDtypeStruct((G, D), _f32),
        scratch_shapes=[pltpu.VMEM((G, D), _f32)],
    )(t, sums, gamma_row, beta_row, batch2d, px, p1,
      Wp0, Wp1, Wp2, b0r, b1r, b2r)


def kernel(x, edge_index, batch, W1, b1, W2, b2, gamma1, beta1,
           gamma2, beta2, Wp0, bp0, Wp1, bp1, Wp2, bp2):
    E = edge_index.shape[1]
    etot = E + N
    loop = jnp.arange(N, dtype=_i32)
    src_flat = jnp.concatenate([edge_index[0].astype(_i32), loop])
    dst_flat = jnp.concatenate([edge_index[1].astype(_i32), loop])

    KD = -(-etot // (NW * CH))
    epd = NW * KD * CH
    dst_d = jnp.concatenate(
        [dst_flat, jnp.full((epd - etot,), N, _i32)]).reshape(NW, KD, CH)

    tot = -(-etot // CH)
    per_tile = -(-tot // NS)
    K0 = int(round(per_tile * 0.6235))
    K1 = per_tile - K0
    while NS * (K0 + K1) * CH < etot:
        K1 += 1
    tot0 = NS * K0 * CH
    tot1 = NS * K1 * CH
    packed_flat = src_flat | (dst_flat << 16)
    packed_p = jnp.concatenate(
        [packed_flat, jnp.full((tot0 + tot1 - etot,), N << 16, _i32)])
    pidx0 = packed_p[:tot0].reshape(NS, K0, CH)
    pidx1 = packed_p[tot0:].reshape(NS, K1, CH)
    pidx1 = jnp.concatenate(
        [pidx1, jnp.full((NS, K0 - K1, CH), N << 16, _i32)], axis=1)

    degp = _deg_sc(KD)(dst_d)
    d0 = degp[0, :N].reshape(N, 1)
    d1 = degp[1, :N].reshape(N, 1)
    batch2d = batch.astype(_i32).reshape(N, 1)

    hw1, dinv_col = _hw1_tc(x, W1, d0, d1)
    s1 = _spmm_sc(K0, K1)(hw1, pidx0, pidx1)
    poolx = _pool_tc(x, batch2d)
    t1, sums1 = _t_sums(s1[0, :N], s1[1, :N], dinv_col, b1.reshape(1, D))
    hw2 = _bn_mm(t1, sums1, gamma1.reshape(1, D),
                 beta1.reshape(1, D), W2, dinv_col)
    s2 = _spmm_sc(K0, K1)(hw2, pidx0, pidx1)
    pool1 = _bn_pool(t1, sums1, gamma1.reshape(1, D),
                     beta1.reshape(1, D), batch2d)
    t2, sums2 = _t_sums(s2[0, :N], s2[1, :N], dinv_col, b2.reshape(1, D))
    return _bn_pool_final(t2, sums2, gamma2.reshape(1, D),
                          beta2.reshape(1, D), batch2d, poolx, pool1,
                          Wp0, Wp1, Wp2, bp0.reshape(1, D),
                          bp1.reshape(1, D), bp2.reshape(1, D))

# --- scband reference (transcript-rebuilt; emitter-appended) ---
"""Pipeline reference for scband-gcn-214748365116 (READ-ONLY COPY).

The authoritative reference and input builder live on the scoring server;
editing this copy changes nothing except your own understanding.
"""

import jax, jax.numpy as jnp
import numpy as np

N = 10000
E = 320000
D = 128
H = 128
O = 128
G = 64

def setup_inputs(seed: int = 0) -> dict:
    key = jax.random.key(seed)
    ks = jax.random.split(key, 12)
    x = jax.random.normal(ks[0], (N, D), dtype=jnp.float32)
    edge_index = jax.random.randint(ks[1], (2, E), 0, N)
    batch = jnp.sort(jax.random.randint(ks[2], (N,), 0, G))
    def lin(k, fi, fo):
        return (jax.random.normal(k, (fi, fo), dtype=jnp.float32) / np.sqrt(fi)).astype(jnp.float32)
    W1 = lin(ks[3], D, H); b1 = jnp.zeros((H,), jnp.float32)
    W2 = lin(ks[4], H, H); b2 = jnp.zeros((H,), jnp.float32)
    gamma1 = jnp.ones((H,), jnp.float32); beta1 = jnp.zeros((H,), jnp.float32)
    gamma2 = jnp.ones((H,), jnp.float32); beta2 = jnp.zeros((H,), jnp.float32)
    Wp0 = lin(ks[5], D, O); bp0 = jnp.zeros((O,), jnp.float32)
    Wp1 = lin(ks[6], H, O); bp1 = jnp.zeros((O,), jnp.float32)
    Wp2 = lin(ks[7], H, O); bp2 = jnp.zeros((O,), jnp.float32)
    return {"x": x, "edge_index": edge_index, "batch": batch,
            "W1": W1, "b1": b1, "W2": W2, "b2": b2,
            "gamma1": gamma1, "beta1": beta1, "gamma2": gamma2, "beta2": beta2,
            "Wp0": Wp0, "bp0": bp0, "Wp1": Wp1, "bp1": bp1, "Wp2": Wp2, "bp2": bp2}

def reference(x, edge_index, batch, W1, b1, W2, b2, gamma1, beta1, gamma2, beta2, Wp0, bp0, Wp1, bp1, Wp2, bp2):
    loop = jnp.arange(N)
    src = jnp.concatenate([edge_index[0], loop])
    dst = jnp.concatenate([edge_index[1], loop])
    deg = jax.ops.segment_sum(jnp.ones_like(src, dtype=jnp.float32), dst, num_segments=N)
    dinv = jnp.where(deg > 0, 1.0 / jnp.sqrt(deg), 0.0)
    norm = dinv[src] * dinv[dst]

    def conv(h, W, b):
        hw = h @ W
        msg = hw[src] * norm[:, None]
        return jax.ops.segment_sum(msg, dst, num_segments=N) + b

    def bnrelu(h, g, b):
        m = jnp.mean(h, axis=0)
        v = jnp.var(h, axis=0)
        return jax.nn.relu((h - m) / jnp.sqrt(v + 1e-5) * g + b)

    h1 = bnrelu(conv(x, W1, b1), gamma1, beta1)
    h2 = bnrelu(conv(h1, W2, b2), gamma2, beta2)
    score = jax.ops.segment_sum(x, batch, num_segments=G) @ Wp0 + bp0
    score = score + jax.ops.segment_sum(h1, batch, num_segments=G) @ Wp1 + bp1
    score = score + jax.ops.segment_sum(h2, batch, num_segments=G) @ Wp2 + bp2
    return score

if __name__ == "__main__":
    import jax
    _d = setup_inputs()
    print(jax.jit(kernel)(*tuple(_d.values())))

</pallas_src>

<mosaic_0001>
#map = affine_map<(d0, d1) -> (0, 0)>
#map1 = affine_map<(d0, d1) -> (0, 0, 0)>
module attributes {stable_mosaic.version = 14 : i64} {
  func.func @spmm_kernel(%arg0: i32, %arg1: i32, %arg2: memref<10000x128xf32, #tpu.memory_space<hbm>>, %arg3: memref<16x101x128xi32, #tpu.memory_space<hbm>>, %arg4: memref<16x101x128xi32, #tpu.memory_space<hbm>>, %arg5: memref<2x10240x128xf32, #tpu.memory_space<hbm>>, %arg6: memref<101x128xi32, #tpu.memory_space<vmem>>, %arg7: memref<1x128xi32, #tpu.memory_space<vmem>>, %arg8: memref<1x128xi32, #tpu.memory_space<vmem>>, %arg9: memref<128x128xf32, #tpu.memory_space<vmem>>, %arg10: memref<10240x128xf32, #tpu.memory_space<vmem_shared>>, %arg11: memref<!tpu.dma_semaphore, #tpu.memory_space<semaphore_mem>>) attributes {dimension_semantics = [#tpu.dimension_semantics<core_parallel>, #tpu.dimension_semantics<subcore_parallel>], iteration_bounds = array<i64: 2, 16>, scalar_prefetch = 0 : i64, scratch_operands = 6 : i64, tpu.core_type = #tpu.core_type<sc_vector_subcore>, window_params = [{transform_indices = #map}, {transform_indices = #map1}, {transform_indices = #map1}, {transform_indices = #map1}]} {
    %eq3A = arith.constant 0 : i32
    %eq3A_0 = arith.cmpi eq, %arg0, %eq3A : i32
    %convert_element_type3A = arith.extui %eq3A_0 : i1 to i32
    %cond3A = arith.constant 0 : i32
    %cond3A_1 = arith.cmpi ne, %convert_element_type3A, %cond3A : i32
    scf.if %cond3A_1 {
      "tpu.region"() ({
        %run_scoped3A = tpu.sem_alloc : memref<!tpu.dma_semaphore, #tpu.memory_space<semaphore_mem>>
        %dma_start3A = arith.constant 0 : i32
        %dma_start3A_47 = arith.constant 0 : i32
        %dma_start3A_48 = tpu.memref_slice %arg3[%arg1, %dma_start3A, %dma_start3A_47] : memref<16x101x128xi32, #tpu.memory_space<hbm>> -> memref<1x101x128xi32, #tpu.memory_space<hbm>>
        %dma_start3A_49 = tpu.memref_squeeze %dma_start3A_48 : memref<1x101x128xi32, #tpu.memory_space<hbm>> -> memref<101x128xi32, #tpu.memory_space<hbm>>
        %dma_start3A_50 = arith.constant 0 : i32
        %dma_start3A_51 = arith.constant 0 : i32
        %dma_start3A_52 = tpu.memref_slice %arg3[%arg1, %dma_start3A_50, %dma_start3A_51] : memref<16x101x128xi32, #tpu.memory_space<hbm>> -> memref<1x101x128xi32, #tpu.memory_space<hbm>>
        %dma_start3A_53 = tpu.memref_squeeze %dma_start3A_52 : memref<1x101x128xi32, #tpu.memory_space<hbm>> -> memref<101x128xi32, #tpu.memory_space<hbm>>
        tpu.enqueue_dma source(%dma_start3A_53 : memref<101x128xi32, #tpu.memory_space<hbm>>) target(%arg6 : memref<101x128xi32, #tpu.memory_space<vmem>>) target_semaphore(%run_scoped3A : memref<!tpu.dma_semaphore, #tpu.memory_space<semaphore_mem>>)
        %dma_wait3A = arith.constant 0 : i32
        %dma_wait3A_54 = arith.constant 0 : i32
        %dma_wait3A_55 = tpu.memref_slice %arg3[%arg1, %dma_wait3A, %dma_wait3A_54] : memref<16x101x128xi32, #tpu.memory_space<hbm>> -> memref<1x101x128xi32, #tpu.memory_space<hbm>>
        %dma_wait3A_56 = tpu.memref_squeeze %dma_wait3A_55 : memref<1x101x128xi32, #tpu.memory_space<hbm>> -> memref<101x128xi32, #tpu.memory_space<hbm>>
        %dma_wait3A_57 = arith.constant 0 : i32
        %dma_wait3A_58 = arith.constant 0 : i32
        %dma_wait3A_59 = tpu.memref_slice %arg3[%arg1, %dma_wait3A_57, %dma_wait3A_58] : memref<16x101x128xi32, #tpu.memory_space<hbm>> -> memref<1x101x128xi32, #tpu.memory_space<hbm>>
        %dma_wait3A_60 = tpu.memref_squeeze %dma_wait3A_59 : memref<1x101x128xi32, #tpu.memory_space<hbm>> -> memref<101x128xi32, #tpu.memory_space<hbm>>
        tpu.wait_dma2 semaphore(%run_scoped3A : memref<!tpu.dma_semaphore, #tpu.memory_space<semaphore_mem>>) src(%dma_wait3A_60 : memref<101x128xi32, #tpu.memory_space<hbm>>) dst(%arg6 : memref<101x128xi32, #tpu.memory_space<vmem>>)
        tpu.yield
      }) : () -> ()
    } else {
    }
    %eq3A_2 = arith.constant 1 : i32
    %eq3A_3 = arith.cmpi eq, %arg0, %eq3A_2 : i32
    %convert_element_type3A_4 = arith.extui %eq3A_3 : i1 to i32
    %cond3A_5 = arith.constant 0 : i32
    %cond3A_6 = arith.cmpi ne, %convert_element_type3A_4, %cond3A_5 : i32
    scf.if %cond3A_6 {
      "tpu.region"() ({
        %run_scoped3A = tpu.sem_alloc : memref<!tpu.dma_semaphore, #tpu.memory_space<semaphore_mem>>
        %dma_start3A = arith.constant 0 : i32
        %dma_start3A_47 = arith.constant 0 : i32
        %dma_start3A_48 = tpu.memref_slice %arg4[%arg1, %dma_start3A, %dma_start3A_47] : memref<16x101x128xi32, #tpu.memory_space<hbm>> -> memref<1x101x128xi32, #tpu.memory_space<hbm>>
        %dma_start3A_49 = tpu.memref_squeeze %dma_start3A_48 : memref<1x101x128xi32, #tpu.memory_space<hbm>> -> memref<101x128xi32, #tpu.memory_space<hbm>>
        %dma_start3A_50 = arith.constant 0 : i32
        %dma_start3A_51 = arith.constant 0 : i32
        %dma_start3A_52 = tpu.memref_slice %arg4[%arg1, %dma_start3A_50, %dma_start3A_51] : memref<16x101x128xi32, #tpu.memory_space<hbm>> -> memref<1x101x128xi32, #tpu.memory_space<hbm>>
        %dma_start3A_53 = tpu.memref_squeeze %dma_start3A_52 : memref<1x101x128xi32, #tpu.memory_space<hbm>> -> memref<101x128xi32, #tpu.memory_space<hbm>>
        tpu.enqueue_dma source(%dma_start3A_53 : memref<101x128xi32, #tpu.memory_space<hbm>>) target(%arg6 : memref<101x128xi32, #tpu.memory_space<vmem>>) target_semaphore(%run_scoped3A : memref<!tpu.dma_semaphore, #tpu.memory_space<semaphore_mem>>)
        %dma_wait3A = arith.constant 0 : i32
        %dma_wait3A_54 = arith.constant 0 : i32
        %dma_wait3A_55 = tpu.memref_slice %arg4[%arg1, %dma_wait3A, %dma_wait3A_54] : memref<16x101x128xi32, #tpu.memory_space<hbm>> -> memref<1x101x128xi32, #tpu.memory_space<hbm>>
        %dma_wait3A_56 = tpu.memref_squeeze %dma_wait3A_55 : memref<1x101x128xi32, #tpu.memory_space<hbm>> -> memref<101x128xi32, #tpu.memory_space<hbm>>
        %dma_wait3A_57 = arith.constant 0 : i32
        %dma_wait3A_58 = arith.constant 0 : i32
        %dma_wait3A_59 = tpu.memref_slice %arg4[%arg1, %dma_wait3A_57, %dma_wait3A_58] : memref<16x101x128xi32, #tpu.memory_space<hbm>> -> memref<1x101x128xi32, #tpu.memory_space<hbm>>
        %dma_wait3A_60 = tpu.memref_squeeze %dma_wait3A_59 : memref<1x101x128xi32, #tpu.memory_space<hbm>> -> memref<101x128xi32, #tpu.memory_space<hbm>>
        tpu.wait_dma2 semaphore(%run_scoped3A : memref<!tpu.dma_semaphore, #tpu.memory_space<semaphore_mem>>) src(%dma_wait3A_60 : memref<101x128xi32, #tpu.memory_space<hbm>>) dst(%arg6 : memref<101x128xi32, #tpu.memory_space<vmem>>)
        tpu.yield
      }) : () -> ()
    } else {
    }
    %scan3A = arith.constant 0 : i32
    %scan3A_7 = arith.constant 0 : i32
    %scan3A_8 = arith.constant 128 : i32
    %scan3A_9 = arith.addi %scan3A_7, %scan3A_8 : i32
    %scan3A_10 = arith.constant 1 : i32
    scf.for %scan3A_47 = %scan3A_7 to %scan3A_9 step %scan3A_10  : i32 {
      %broadcast_in_dim3A = arith.constant 0.000000e+00 : f32
      %broadcast_in_dim3A_48 = vector.broadcast %broadcast_in_dim3A : f32 to vector<16xf32>
      %swap3A = arith.index_cast %scan3A_47 : i32 to index
      %swap3A_49 = arith.constant 0 : index
      %swap3A_50 = tpu.vector_load %arg9[%swap3A, %swap3A_49] {strides = array<i32>} : memref<128x128xf32, #tpu.memory_space<vmem>>, vector<1x16xf32>,
      %swap3A_51 = vector.shape_cast %swap3A_50 : vector<1x16xf32> to vector<16xf32>
      %swap3A_52 = vector.shape_cast %broadcast_in_dim3A_48 : vector<16xf32> to vector<1x16xf32>
      tpu.vector_store %arg9[%swap3A, %swap3A_49], %swap3A_52 {strides = array<i32>} : memref<128x128xf32, #tpu.memory_space<vmem>>, vector<1x16xf32>,
      %broadcast_in_dim3A_53 = arith.constant 0.000000e+00 : f32
      %broadcast_in_dim3A_54 = vector.broadcast %broadcast_in_dim3A_53 : f32 to vector<16xf32>
      %swap3A_55 = arith.index_cast %scan3A_47 : i32 to index
      %swap3A_56 = arith.constant 16 : index
      %swap3A_57 = tpu.vector_load %arg9[%swap3A_55, %swap3A_56] {strides = array<i32>} : memref<128x128xf32, #tpu.memory_space<vmem>>, vector<1x16xf32>,
      %swap3A_58 = vector.shape_cast %swap3A_57 : vector<1x16xf32> to vector<16xf32>
      %swap3A_59 = vector.shape_cast %broadcast_in_dim3A_54 : vector<16xf32> to vector<1x16xf32>
      tpu.vector_store %arg9[%swap3A_55, %swap3A_56], %swap3A_59 {strides = array<i32>} : memref<128x128xf32, #tpu.memory_space<vmem>>, vector<1x16xf32>,
      %broadcast_in_dim3A_60 = arith.constant 0.000000e+00 : f32
      %broadcast_in_dim3A_61 = vector.broadcast %broadcast_in_dim3A_60 : f32 to vector<16xf32>
      %swap3A_62 = arith.index_cast %scan3A_47 : i32 to index
      %swap3A_63 = arith.constant 32 : index
      %swap3A_64 = tpu.vector_load %arg9[%swap3A_62, %swap3A_63] {strides = array<i32>} : memref<128x128xf32, #tpu.memory_space<vmem>>, vector<1x16xf32>,
      %swap3A_65 = vector.shape_cast %swap3A_64 : vector<1x16xf32> to vector<16xf32>
      %swap3A_66 = vector.shape_cast %broadcast_in_dim3A_61 : vector<16xf32> to vector<1x16xf32>
      tpu.vector_store %arg9[%swap3A_62, %swap3A_63], %swap3A_66 {strides = array<i32>} : memref<128x128xf32, #tpu.memory_space<vmem>>, vector<1x16xf32>,
      %broadcast_in_dim3A_67 = arith.constant 0.000000e+00 : f32
      %broadcast_in_dim3A_68 = vector.broadcast %broadcast_in_dim3A_67 : f32 to vector<16xf32>
      %swap3A_69 = arith.index_cast %scan3A_47 : i32 to index
      %swap3A_70 = arith.constant 48 : index
      %swap3A_71 = tpu.vector_load %arg9[%swap3A_69, %swap3A_70] {strides = array<i32>} : memref<128x128xf32, #tpu.memory_space<vmem>>, vector<1x16xf32>,
      %swap3A_72 = vector.shape_cast %swap3A_71 : vector<1x16xf32> to vector<16xf32>
      %swap3A_73 = vector.shape_cast %broadcast_in_dim3A_68 : vector<16xf32> to vector<1x16xf32>
      tpu.vector_store %arg9[%swap3A_69, %swap3A_70], %swap3A_73 {strides = array<i32>} : memref<128x128xf32, #tpu.memory_space<vmem>>, vector<1x16xf32>,
      %broadcast_in_dim3A_74 = arith.constant 0.000000e+00 : f32
      %broadcast_in_dim3A_75 = vector.broadcast %broadcast_in_dim3A_74 : f32 to vector<16xf32>
      %swap3A_76 = arith.index_cast %scan3A_47 : i32 to index
      %swap3A_77 = arith.constant 64 : index
      %swap3A_78 = tpu.vector_load %arg9[%swap3A_76, %swap3A_77] {strides = array<i32>} : memref<128x128xf32, #tpu.memory_space<vmem>>, vector<1x16xf32>,
      %swap3A_79 = vector.shape_cast %swap3A_78 : vector<1x16xf32> to vector<16xf32>
      %swap3A_80 = vector.shape_cast %broadcast_in_dim3A_75 : vector<16xf32> to vector<1x16xf32>
      tpu.vector_store %arg9[%swap3A_76, %swap3A_77], %swap3A_80 {strides = array<i32>} : memref<128x128xf32, #tpu.memory_space<vmem>>, vector<1x16xf32>,
      %broadcast_in_dim3A_81 = arith.constant 0.000000e+00 : f32
      %broadcast_in_dim3A_82 = vector.broadcast %broadcast_in_dim3A_81 : f32 to vector<16xf32>
      %swap3A_83 = arith.index_cast %scan3A_47 : i32 to index
      %swap3A_84 = arith.constant 80 : index
      %swap3A_85 = tpu.vector_load %arg9[%swap3A_83, %swap3A_84] {strides = array<i32>} : memref<128x128xf32, #tpu.memory_space<vmem>>, vector<1x16xf32>,
      %swap3A_86 = vector.shape_cast %swap3A_85 : vector<1x16xf32> to vector<16xf32>
      %swap3A_87 = vector.shape_cast %broadcast_in_dim3A_82 : vector<16xf32> to vector<1x16xf32>
      tpu.vector_store %arg9[%swap3A_83, %swap3A_84], %swap3A_87 {strides = array<i32>} : memref<128x128xf32, #tpu.memory_space<vmem>>, vector<1x16xf32>,
      %broadcast_in_dim3A_88 = arith.constant 0.000000e+00 : f32
      %broadcast_in_dim3A_89 = vector.broadcast %broadcast_in_dim3A_88 : f32 to vector<16xf32>
      %swap3A_90 = arith.index_cast %scan3A_47 : i32 to index
      %swap3A_91 = arith.constant 96 : index
      %swap3A_92 = tpu.vector_load %arg9[%swap3A_90, %swap3A_91] {strides = array<i32>} : memref<128x128xf32, #tpu.memory_space<vmem>>, vector<1x16xf32>,
      %swap3A_93 = vector.shape_cast %swap3A_92 : vector<1x16xf32> to vector<16xf32>
      %swap3A_94 = vector.shape_cast %broadcast_in_dim3A_89 : vector<16xf32> to vector<1x16xf32>
      tpu.vector_store %arg9[%swap3A_90, %swap3A_91], %swap3A_94 {strides = array<i32>} : memref<128x128xf32, #tpu.memory_space<vmem>>, vector<1x16xf32>,
      %broadcast_in_dim3A_95 = arith.constant 0.000000e+00 : f32
      %broadcast_in_dim3A_96 = vector.broadcast %broadcast_in_dim3A_95 : f32 to vector<16xf32>
      %swap3A_97 = arith.index_cast %scan3A_47 : i32 to index
      %swap3A_98 = arith.constant 112 : index
      %swap3A_99 = tpu.vector_load %arg9[%swap3A_97, %swap3A_98] {strides = array<i32>} : memref<128x128xf32, #tpu.memory_space<vmem>>, vector<1x16xf32>,
      %swap3A_100 = vector.shape_cast %swap3A_99 : vector<1x16xf32> to vector<16xf32>
      %swap3A_101 = vector.shape_cast %broadcast_in_dim3A_96 : vector<16xf32> to vector<1x16xf32>
      tpu.vector_store %arg9[%swap3A_97, %swap3A_98], %swap3A_101 {strides = array<i32>} : memref<128x128xf32, #tpu.memory_space<vmem>>, vector<1x16xf32>,
    }
    %scan3A_11 = arith.constant 128 : i32
    %mul3A = arith.constant 640 : i32
    %mul3A_12 = arith.muli %arg1, %mul3A : i32
    %add3A = arith.constant 0 : i32
    %add3A_13 = arith.addi %mul3A_12, %add3A : i32
    "tpu.region"() ({
      %run_scoped3A = tpu.sem_alloc : memref<!tpu.dma_semaphore, #tpu.memory_space<semaphore_mem>>
      %dma_start3A = arith.constant 0 : i32
      %dma_start3A_47 = tpu.memref_slice %arg10[%add3A_13, %dma_start3A] : memref<10240x128xf32, #tpu.memory_space<vmem_shared>> -> memref<128x128xf32, #tpu.memory_space<vmem_shared>>
      %dma_start3A_48 = arith.constant 0 : i32
      %dma_start3A_49 = tpu.memref_slice %arg10[%add3A_13, %dma_start3A_48] : memref<10240x128xf32, #tpu.memory_space<vmem_shared>> -> memref<128x128xf32, #tpu.memory_space<vmem_shared>>
      tpu.enqueue_dma source(%arg9 : memref<128x128xf32, #tpu.memory_space<vmem>>) target(%dma_start3A_49 : memref<128x128xf32, #tpu.memory_space<vmem_shared>>) target_semaphore(%run_scoped3A : memref<!tpu.dma_semaphore, #tpu.memory_space<semaphore_mem>>)
      %dma_wait3A = arith.constant 0 : i32
      %dma_wait3A_50 = tpu.memref_slice %arg10[%add3A_13, %dma_wait3A] : memref<10240x128xf32, #tpu.memory_space<vmem_shared>> -> memref<128x128xf32, #tpu.memory_space<vmem_shared>>
      %dma_wait3A_51 = arith.constant 0 : i32
      %dma_wait3A_52 = tpu.memref_slice %arg10[%add3A_13, %dma_wait3A_51] : memref<10240x128xf32, #tpu.memory_space<vmem_shared>> -> memref<128x128xf32, #tpu.memory_space<vmem_shared>>
      tpu.wait_dma2 semaphore(%run_scoped3A : memref<!tpu.dma_semaphore, #tpu.memory_space<semaphore_mem>>) src(%arg9 : memref<128x128xf32, #tpu.memory_space<vmem>>) dst(%dma_wait3A_52 : memref<128x128xf32, #tpu.memory_space<vmem_shared>>)
      tpu.yield
    }) : () -> ()
    %mul3A_14 = arith.constant 640 : i32
    %mul3A_15 = arith.muli %arg1, %mul3A_14 : i32
    %add3A_16 = arith.constant 128 : i32
    %add3A_17 = arith.addi %mul3A_15, %add3A_16 : i32
    "tpu.region"() ({
      %run_scoped3A = tpu.sem_alloc : memref<!tpu.dma_semaphore, #tpu.memory_space<semaphore_mem>>
      %dma_start3A = arith.constant 0 : i32
      %dma_start3A_47 = tpu.memref_slice %arg10[%add3A_17, %dma_start3A] : memref<10240x128xf32, #tpu.memory_space<vmem_shared>> -> memref<128x128xf32, #tpu.memory_space<vmem_shared>>
      %dma_start3A_48 = arith.constant 0 : i32
      %dma_start3A_49 = tpu.memref_slice %arg10[%add3A_17, %dma_start3A_48] : memref<10240x128xf32, #tpu.memory_space<vmem_shared>> -> memref<128x128xf32, #tpu.memory_space<vmem_shared>>
      tpu.enqueue_dma source(%arg9 : memref<128x128xf32, #tpu.memory_space<vmem>>) target(%dma_start3A_49 : memref<128x128xf32, #tpu.memory_space<vmem_shared>>) target_semaphore(%run_scoped3A : memref<!tpu.dma_semaphore, #tpu.memory_space<semaphore_mem>>)
      %dma_wait3A = arith.constant 0 : i32
      %dma_wait3A_50 = tpu.memref_slice %arg10[%add3A_17, %dma_wait3A] : memref<10240x128xf32, #tpu.memory_space<vmem_shared>> -> memref<128x128xf32, #tpu.memory_space<vmem_shared>>
      %dma_wait3A_51 = arith.constant 0 : i32
      %dma_wait3A_52 = tpu.memref_slice %arg10[%add3A_17, %dma_wait3A_51] : memref<10240x128xf32, #tpu.memory_space<vmem_shared>> -> memref<128x128xf32, #tpu.memory_space<vmem_shared>>
      tpu.wait_dma2 semaphore(%run_scoped3A : memref<!tpu.dma_semaphore, #tpu.memory_space<semaphore_mem>>) src(%arg9 : memref<128x128xf32, #tpu.memory_space<vmem>>) dst(%dma_wait3A_52 : memref<128x128xf32, #tpu.memory_space<vmem_shared>>)
      tpu.yield
    }) : () -> ()
    %mul3A_18 = arith.constant 640 : i32
    %mul3A_19 = arith.muli %arg1, %mul3A_18 : i32
    %add3A_20 = arith.constant 256 : i32
    %add3A_21 = arith.addi %mul3A_19, %add3A_20 : i32
    "tpu.region"() ({
      %run_scoped3A = tpu.sem_alloc : memref<!tpu.dma_semaphore, #tpu.memory_space<semaphore_mem>>
      %dma_start3A = arith.constant 0 : i32
      %dma_start3A_47 = tpu.memref_slice %arg10[%add3A_21, %dma_start3A] : memref<10240x128xf32, #tpu.memory_space<vmem_shared>> -> memref<128x128xf32, #tpu.memory_space<vmem_shared>>
      %dma_start3A_48 = arith.constant 0 : i32
      %dma_start3A_49 = tpu.memref_slice %arg10[%add3A_21, %dma_start3A_48] : memref<10240x128xf32, #tpu.memory_space<vmem_shared>> -> memref<128x128xf32, #tpu.memory_space<vmem_shared>>
      tpu.enqueue_dma source(%arg9 : memref<128x128xf32, #tpu.memory_space<vmem>>) target(%dma_start3A_49 : memref<128x128xf32, #tpu.memory_space<vmem_shared>>) target_semaphore(%run_scoped3A : memref<!tpu.dma_semaphore, #tpu.memory_space<semaphore_mem>>)
      %dma_wait3A = arith.constant 0 : i32
      %dma_wait3A_50 = tpu.memref_slice %arg10[%add3A_21, %dma_wait3A] : memref<10240x128xf32, #tpu.memory_space<vmem_shared>> -> memref<128x128xf32, #tpu.memory_space<vmem_shared>>
      %dma_wait3A_51 = arith.constant 0 : i32
      %dma_wait3A_52 = tpu.memref_slice %arg10[%add3A_21, %dma_wait3A_51] : memref<10240x128xf32, #tpu.memory_space<vmem_shared>> -> memref<128x128xf32, #tpu.memory_space<vmem_shared>>
      tpu.wait_dma2 semaphore(%run_scoped3A : memref<!tpu.dma_semaphore, #tpu.memory_space<semaphore_mem>>) src(%arg9 : memref<128x128xf32, #tpu.memory_space<vmem>>) dst(%dma_wait3A_52 : memref<128x128xf32, #tpu.memory_space<vmem_shared>>)
      tpu.yield
    }) : () -> ()
    %mul3A_22 = arith.constant 640 : i32
    %mul3A_23 = arith.muli %arg1, %mul3A_22 : i32
    %add3A_24 = arith.constant 384 : i32
    %add3A_25 = arith.addi %mul3A_23, %add3A_24 : i32
    "tpu.region"() ({
      %run_scoped3A = tpu.sem_alloc : memref<!tpu.dma_semaphore, #tpu.memory_space<semaphore_mem>>
      %dma_start3A = arith.constant 0 : i32
      %dma_start3A_47 = tpu.memref_slice %arg10[%add3A_25, %dma_start3A] : memref<10240x128xf32, #tpu.memory_space<vmem_shared>> -> memref<128x128xf32, #tpu.memory_space<vmem_shared>>
      %dma_start3A_48 = arith.constant 0 : i32
      %dma_start3A_49 = tpu.memref_slice %arg10[%add3A_25, %dma_start3A_48] : memref<10240x128xf32, #tpu.memory_space<vmem_shared>> -> memref<128x128xf32, #tpu.memory_space<vmem_shared>>
      tpu.enqueue_dma source(%arg9 : memref<128x128xf32, #tpu.memory_space<vmem>>) target(%dma_start3A_49 : memref<128x128xf32, #tpu.memory_space<vmem_shared>>) target_semaphore(%run_scoped3A : memref<!tpu.dma_semaphore, #tpu.memory_space<semaphore_mem>>)
      %dma_wait3A = arith.constant 0 : i32
      %dma_wait3A_50 = tpu.memref_slice %arg10[%add3A_25, %dma_wait3A] : memref<10240x128xf32, #tpu.memory_space<vmem_shared>> -> memref<128x128xf32, #tpu.memory_space<vmem_shared>>
      %dma_wait3A_51 = arith.constant 0 : i32
      %dma_wait3A_52 = tpu.memref_slice %arg10[%add3A_25, %dma_wait3A_51] : memref<10240x128xf32, #tpu.memory_space<vmem_shared>> -> memref<128x128xf32, #tpu.memory_space<vmem_shared>>
      tpu.wait_dma2 semaphore(%run_scoped3A : memref<!tpu.dma_semaphore, #tpu.memory_space<semaphore_mem>>) src(%arg9 : memref<128x128xf32, #tpu.memory_space<vmem>>) dst(%dma_wait3A_52 : memref<128x128xf32, #tpu.memory_space<vmem_shared>>)
      tpu.yield
    }) : () -> ()
    %mul3A_26 = arith.constant 640 : i32
    %mul3A_27 = arith.muli %arg1, %mul3A_26 : i32
    %add3A_28 = arith.constant 512 : i32
    %add3A_29 = arith.addi %mul3A_27, %add3A_28 : i32
    "tpu.region"() ({
      %run_scoped3A = tpu.sem_alloc : memref<!tpu.dma_semaphore, #tpu.memory_space<semaphore_mem>>
      %dma_start3A = arith.constant 0 : i32
      %dma_start3A_47 = tpu.memref_slice %arg10[%add3A_29, %dma_start3A] : memref<10240x128xf32, #tpu.memory_space<vmem_shared>> -> memref<128x128xf32, #tpu.memory_space<vmem_shared>>
      %dma_start3A_48 = arith.constant 0 : i32
      %dma_start3A_49 = tpu.memref_slice %arg10[%add3A_29, %dma_start3A_48] : memref<10240x128xf32, #tpu.memory_space<vmem_shared>> -> memref<128x128xf32, #tpu.memory_space<vmem_shared>>
      tpu.enqueue_dma source(%arg9 : memref<128x128xf32, #tpu.memory_space<vmem>>) target(%dma_start3A_49 : memref<128x128xf32, #tpu.memory_space<vmem_shared>>) target_semaphore(%run_scoped3A : memref<!tpu.dma_semaphore, #tpu.memory_space<semaphore_mem>>)
      %dma_wait3A = arith.constant 0 : i32
      %dma_wait3A_50 = tpu.memref_slice %arg10[%add3A_29, %dma_wait3A] : memref<10240x128xf32, #tpu.memory_space<vmem_shared>> -> memref<128x128xf32, #tpu.memory_space<vmem_shared>>
      %dma_wait3A_51 = arith.constant 0 : i32
      %dma_wait3A_52 = tpu.memref_slice %arg10[%add3A_29, %dma_wait3A_51] : memref<10240x128xf32, #tpu.memory_space<vmem_shared>> -> memref<128x128xf32, #tpu.memory_space<vmem_shared>>
      tpu.wait_dma2 semaphore(%run_scoped3A : memref<!tpu.dma_semaphore, #tpu.memory_space<semaphore_mem>>) src(%arg9 : memref<128x128xf32, #tpu.memory_space<vmem>>) dst(%dma_wait3A_52 : memref<128x128xf32, #tpu.memory_space<vmem_shared>>)
      tpu.yield
    }) : () -> ()
    %barrier3A = arith.constant 0 : index
    tpu.barrier barrier_id(%barrier3A)
    %eq3A_30 = arith.constant 0 : i32
    %eq3A_31 = arith.cmpi eq, %arg0, %eq3A_30 : i32
    %jit3A = arith.constant 101 : i32
    %jit3A_32 = arith.constant 61 : i32
    %select_n3A = arith.select %eq3A_31, %jit3A, %jit3A_32 : i32
    %while3A = arith.constant 0 : i32
    %while3A_33 = arith.constant 0 : i32
    %while3A_34 = arith.subi %select_n3A, %while3A_33 : i32
    %while3A_35 = arith.addi %while3A_33, %while3A_34 : i32
    %while3A_36 = arith.constant 1 : i32
    %while3A_37 = arith.divsi %while3A_34, %while3A_36 : i32
    %while3A_38 = arith.muli %while3A_37, %while3A_36 : i32
    %while3A_39 = arith.addi %while3A_33, %while3A_38 : i32
    %while3A_40 = arith.constant 1 : i32
    scf.for %while3A_47 = %while3A_33 to %while3A_39 step %while3A_40  : i32 {
      %get3A = arith.index_cast %while3A_47 : i32 to index
      %get3A_48 = arith.constant 0 : index
      %get3A_49 = tpu.vector_load %arg6[%get3A, %get3A_48] {strides = array<i32>} : memref<101x128xi32, #tpu.memory_space<vmem>>, vector<1x16xi32>,
      %get3A_50 = vector.shape_cast %get3A_49 : vector<1x16xi32> to vector<16xi32>
      %and3A = arith.constant 65535 : i32
      %and3A_51 = vector.broadcast %and3A : i32 to vector<16xi32>
      %and3A_52 = arith.andi %get3A_50, %and3A_51 : vector<16xi32>
      %swap3A = arith.constant 0 : i32
      %swap3A_53 = arith.index_cast %swap3A : i32 to index
      %swap3A_54 = arith.constant 0 : index
      %swap3A_55 = tpu.vector_load %arg7[%swap3A_53, %swap3A_54] {strides = array<i32>} : memref<1x128xi32, #tpu.memory_space<vmem>>, vector<1x16xi32>,
      %swap3A_56 = vector.shape_cast %swap3A_55 : vector<1x16xi32> to vector<16xi32>
      %swap3A_57 = vector.shape_cast %and3A_52 : vector<16xi32> to vector<1x16xi32>
      tpu.vector_store %arg7[%swap3A_53, %swap3A_54], %swap3A_57 {strides = array<i32>} : memref<1x128xi32, #tpu.memory_space<vmem>>, vector<1x16xi32>,
      %shift_right_arithmetic3A = arith.constant 16 : i32
      %shift_right_arithmetic3A_58 = vector.broadcast %shift_right_arithmetic3A : i32 to vector<16xi32>
      %shift_right_arithmetic3A_59 = arith.shrsi %get3A_50, %shift_right_arithmetic3A_58 : vector<16xi32>
      %swap3A_60 = arith.constant 0 : i32
      %swap3A_61 = arith.index_cast %swap3A_60 : i32 to index
      %swap3A_62 = arith.constant 0 : index
      %swap3A_63 = tpu.vector_load %arg8[%swap3A_61, %swap3A_62] {strides = array<i32>} : memref<1x128xi32, #tpu.memory_space<vmem>>, vector<1x16xi32>,
      %swap3A_64 = vector.shape_cast %swap3A_63 : vector<1x16xi32> to vector<16xi32>
      %swap3A_65 = vector.shape_cast %shift_right_arithmetic3A_59 : vector<16xi32> to vector<1x16xi32>
      tpu.vector_store %arg8[%swap3A_61, %swap3A_62], %swap3A_65 {strides = array<i32>} : memref<1x128xi32, #tpu.memory_space<vmem>>, vector<1x16xi32>,
      %get3A_66 = arith.index_cast %while3A_47 : i32 to index
      %get3A_67 = arith.constant 16 : index
      %get3A_68 = tpu.vector_load %arg6[%get3A_66, %get3A_67] {strides = array<i32>} : memref<101x128xi32, #tpu.memory_space<vmem>>, vector<1x16xi32>,
      %get3A_69 = vector.shape_cast %get3A_68 : vector<1x16xi32> to vector<16xi32>
      %and3A_70 = arith.constant 65535 : i32
      %and3A_71 = vector.broadcast %and3A_70 : i32 to vector<16xi32>
      %and3A_72 = arith.andi %get3A_69, %and3A_71 : vector<16xi32>
      %swap3A_73 = arith.constant 0 : i32
      %swap3A_74 = arith.index_cast %swap3A_73 : i32 to index
      %swap3A_75 = arith.constant 16 : index
      %swap3A_76 = tpu.vector_load %arg7[%swap3A_74, %swap3A_75] {strides = array<i32>} : memref<1x128xi32, #tpu.memory_space<vmem>>, vector<1x16xi32>,
      %swap3A_77 = vector.shape_cast %swap3A_76 : vector<1x16xi32> to vector<16xi32>
      %swap3A_78 = vector.shape_cast %and3A_72 : vector<16xi32> to vector<1x16xi32>
      tpu.vector_store %arg7[%swap3A_74, %swap3A_75], %swap3A_78 {strides = array<i32>} : memref<1x128xi32, #tpu.memory_space<vmem>>, vector<1x16xi32>,
      %shift_right_arithmetic3A_79 = arith.constant 16 : i32
      %shift_right_arithmetic3A_80 = vector.broadcast %shift_right_arithmetic3A_79 : i32 to vector<16xi32>
      %shift_right_arithmetic3A_81 = arith.shrsi %get3A_69, %shift_right_arithmetic3A_80 : vector<16xi32>
      %swap3A_82 = arith.constant 0 : i32
      %swap3A_83 = arith.index_cast %swap3A_82 : i32 to index
      %swap3A_84 = arith.constant 16 : index
      %swap3A_85 = tpu.vector_load %arg8[%swap3A_83, %swap3A_84] {strides = array<i32>} : memref<1x128xi32, #tpu.memory_space<vmem>>, vector<1x16xi32>,
      %swap3A_86 = vector.shape_cast %swap3A_85 : vector<1x16xi32> to vector<16xi32>
      %swap3A_87 = vector.shape_cast %shift_right_arithmetic3A_81 : vector<16xi32> to vector<1x16xi32>
      tpu.vector_store %arg8[%swap3A_83, %swap3A_84], %swap3A_87 {strides = array<i32>} : memref<1x128xi32, #tpu.memory_space<vmem>>, vector<1x16xi32>,
      %get3A_88 = arith.index_cast %while3A_47 : i32 to index
      %get3A_89 = arith.constant 32 : index
      %get3A_90 = tpu.vector_load %arg6[%get3A_88, %get3A_89] {strides = array<i32>} : memref<101x128xi32, #tpu.memory_space<vmem>>, vector<1x16xi32>,
      %get3A_91 = vector.shape_cast %get3A_90 : vector<1x16xi32> to vector<16xi32>
      %and3A_92 = arith.constant 65535 : i32
      %and3A_93 = vector.broadcast %and3A_92 : i32 to vector<16xi32>
      %and3A_94 = arith.andi %get3A_91, %and3A_93 : vector<16xi32>
      %swap3A_95 = arith.constant 0 : i32
      %swap3A_96 = arith.index_cast %swap3A_95 : i32 to index
      %swap3A_97 = arith.constant 32 : index
      %swap3A_98 = tpu.vector_load %arg7[%swap3A_96, %swap3A_97] {strides = array<i32>} : memref<1x128xi32, #tpu.memory_space<vmem>>, vector<1x16xi32>,
      %swap3A_99 = vector.shape_cast %swap3A_98 : vector<1x16xi32> to vector<16xi32>
      %swap3A_100 = vector.shape_cast %and3A_94 : vector<16xi32> to vector<1x16xi32>
      tpu.vector_store %arg7[%swap3A_96, %swap3A_97], %swap3A_100 {strides = array<i32>} : memref<1x128xi32, #tpu.memory_space<vmem>>, vector<1x16xi32>,
      %shift_right_arithmetic3A_101 = arith.constant 16 : i32
      %shift_right_arithmetic3A_102 = vector.broadcast %shift_right_arithmetic3A_101 : i32 to vector<16xi32>
      %shift_right_arithmetic3A_103 = arith.shrsi %get3A_91, %shift_right_arithmetic3A_102 : vector<16xi32>
      %swap3A_104 = arith.constant 0 : i32
      %swap3A_105 = arith.index_cast %swap3A_104 : i32 to index
      %swap3A_106 = arith.constant 32 : index
      %swap3A_107 = tpu.vector_load %arg8[%swap3A_105, %swap3A_106] {strides = array<i32>} : memref<1x128xi32, #tpu.memory_space<vmem>>, vector<1x16xi32>,
      %swap3A_108 = vector.shape_cast %swap3A_107 : vector<1x16xi32> to vector<16xi32>
      %swap3A_109 = vector.shape_cast %shift_right_arithmetic3A_103 : vector<16xi32> to vector<1x16xi32>
      tpu.vector_store %arg8[%swap3A_105, %swap3A_106], %swap3A_109 {strides = array<i32>} : memref<1x128xi32, #tpu.memory_space<vmem>>, vector<1x16xi32>,
      %get3A_110 = arith.index_cast %while3A_47 : i32 to index
      %get3A_111 = arith.constant 48 : index
      %get3A_112 = tpu.vector_load %arg6[%get3A_110, %get3A_111] {strides = array<i32>} : memref<101x128xi32, #tpu.memory_space<vmem>>, vector<1x16xi32>,
      %get3A_113 = vector.shape_cast %get3A_112 : vector<1x16xi32> to vector<16xi32>
      %and3A_114 = arith.constant 65535 : i32
      %and3A_115 = vector.broadcast %and3A_114 : i32 to vector<16xi32>
      %and3A_116 = arith.andi %get3A_113, %and3A_115 : vector<16xi32>
      %swap3A_117 = arith.constant 0 : i32
      %swap3A_118 = arith.index_cast %swap3A_117 : i32 to index
      %swap3A_119 = arith.constant 48 : index
      %swap3A_120 = tpu.vector_load %arg7[%swap3A_118, %swap3A_119] {strides = array<i32>} : memref<1x128xi32, #tpu.memory_space<vmem>>, vector<1x16xi32>,
      %swap3A_121 = vector.shape_cast %swap3A_120 : vector<1x16xi32> to vector<16xi32>
      %swap3A_122 = vector.shape_cast %and3A_116 : vector<16xi32> to vector<1x16xi32>
      tpu.vector_store %arg7[%swap3A_118, %swap3A_119], %swap3A_122 {strides = array<i32>} : memref<1x128xi32, #tpu.memory_space<vmem>>, vector<1x16xi32>,
      %shift_right_arithmetic3A_123 = arith.constant 16 : i32
      %shift_right_arithmetic3A_124 = vector.broadcast %shift_right_arithmetic3A_123 : i32 to vector<16xi32>
      %shift_right_arithmetic3A_125 = arith.shrsi %get3A_113, %shift_right_arithmetic3A_124 : vector<16xi32>
      %swap3A_126 = arith.constant 0 : i32
      %swap3A_127 = arith.index_cast %swap3A_126 : i32 to index
      %swap3A_128 = arith.constant 48 : index
      %swap3A_129 = tpu.vector_load %arg8[%swap3A_127, %swap3A_128] {strides = array<i32>} : memref<1x128xi32, #tpu.memory_space<vmem>>, vector<1x16xi32>,
      %swap3A_130 = vector.shape_cast %swap3A_129 : vector<1x16xi32> to vector<16xi32>
      %swap3A_131 = vector.shape_cast %shift_right_arithmetic3A_125 : vector<16xi32> to vector<1x16xi32>
      tpu.vector_store %arg8[%swap3A_127, %swap3A_128], %swap3A_131 {strides = array<i32>} : memref<1x128xi32, #tpu.memory_space<vmem>>, vector<1x16xi32>,
      %get3A_132 = arith.index_cast %while3A_47 : i32 to index
      %get3A_133 = arith.constant 64 : index
      %get3A_134 = tpu.vector_load %arg6[%get3A_132, %get3A_133] {strides = array<i32>} : memref<101x128xi32, #tpu.memory_space<vmem>>, vector<1x16xi32>,
      %get3A_135 = vector.shape_cast %get3A_134 : vector<1x16xi32> to vector<16xi32>
      %and3A_136 = arith.constant 65535 : i32
      %and3A_137 = vector.broadcast %and3A_136 : i32 to vector<16xi32>
      %and3A_138 = arith.andi %get3A_135, %and3A_137 : vector<16xi32>
      %swap3A_139 = arith.constant 0 : i32
      %swap3A_140 = arith.index_cast %swap3A_139 : i32 to index
      %swap3A_141 = arith.constant 64 : index
      %swap3A_142 = tpu.vector_load %arg7[%swap3A_140, %swap3A_141] {strides = array<i32>} : memref<1x128xi32, #tpu.memory_space<vmem>>, vector<1x16xi32>,
      %swap3A_143 = vector.shape_cast %swap3A_142 : vector<1x16xi32> to vector<16xi32>
      %swap3A_144 = vector.shape_cast %and3A_138 : vector<16xi32> to vector<1x16xi32>
      tpu.vector_store %arg7[%swap3A_140, %swap3A_141], %swap3A_144 {strides = array<i32>} : memref<1x128xi32, #tpu.memory_space<vmem>>, vector<1x16xi32>,
      %shift_right_arithmetic3A_145 = arith.constant 16 : i32
      %shift_right_arithmetic3A_146 = vector.broadcast %shift_right_arithmetic3A_145 : i32 to vector<16xi32>
      %shift_right_arithmetic3A_147 = arith.shrsi %get3A_135, %shift_right_arithmetic3A_146 : vector<16xi32>
      %swap3A_148 = arith.constant 0 : i32
      %swap3A_149 = arith.index_cast %swap3A_148 : i32 to index
      %swap3A_150 = arith.constant 64 : index
      %swap3A_151 = tpu.vector_load %arg8[%swap3A_149, %swap3A_150] {strides = array<i32>} : memref<1x128xi32, #tpu.memory_space<vmem>>, vector<1x16xi32>,
      %swap3A_152 = vector.shape_cast %swap3A_151 : vector<1x16xi32> to vector<16xi32>
      %swap3A_153 = vector.shape_cast %shift_right_arithmetic3A_147 : vector<16xi32> to vector<1x16xi32>
      tpu.vector_store %arg8[%swap3A_149, %swap3A_150], %swap3A_153 {strides = array<i32>} : memref<1x128xi32, #tpu.memory_space<vmem>>, vector<1x16xi32>,
      %get3A_154 = arith.index_cast %while3A_47 : i32 to index
      %get3A_155 = arith.constant 80 : index
      %get3A_156 = tpu.vector_load %arg6[%get3A_154, %get3A_155] {strides = array<i32>} : memref<101x128xi32, #tpu.memory_space<vmem>>, vector<1x16xi32>,
      %get3A_157 = vector.shape_cast %get3A_156 : vector<1x16xi32> to vector<16xi32>
      %and3A_158 = arith.constant 65535 : i32
      %and3A_159 = vector.broadcast %and3A_158 : i32 to vector<16xi32>
      %and3A_160 = arith.andi %get3A_157, %and3A_159 : vector<16xi32>
      %swap3A_161 = arith.constant 0 : i32
      %swap3A_162 = arith.index_cast %swap3A_161 : i32 to index
      %swap3A_163 = arith.constant 80 : index
      %swap3A_164 = tpu.vector_load %arg7[%swap3A_162, %swap3A_163] {strides = array<i32>} : memref<1x128xi32, #tpu.memory_space<vmem>>, vector<1x16xi32>,
      %swap3A_165 = vector.shape_cast %swap3A_164 : vector<1x16xi32> to vector<16xi32>
      %swap3A_166 = vector.shape_cast %and3A_160 : vector<16xi32> to vector<1x16xi32>
      tpu.vector_store %arg7[%swap3A_162, %swap3A_163], %swap3A_166 {strides = array<i32>} : memref<1x128xi32, #tpu.memory_space<vmem>>, vector<1x16xi32>,
      %shift_right_arithmetic3A_167 = arith.constant 16 : i32
      %shift_right_arithmetic3A_168 = vector.broadcast %shift_right_arithmetic3A_167 : i32 to vector<16xi32>
      %shift_right_arithmetic3A_169 = arith.shrsi %get3A_157, %shift_right_arithmetic3A_168 : vector<16xi32>
      %swap3A_170 = arith.constant 0 : i32
      %swap3A_171 = arith.index_cast %swap3A_170 : i32 to index
      %swap3A_172 = arith.constant 80 : index
      %swap3A_173 = tpu.vector_load %arg8[%swap3A_171, %swap3A_172] {strides = array<i32>} : memref<1x128xi32, #tpu.memory_space<vmem>>, vector<1x16xi32>,
      %swap3A_174 = vector.shape_cast %swap3A_173 : vector<1x16xi32> to vector<16xi32>
      %swap3A_175 = vector.shape_cast %shift_right_arithmetic3A_169 : vector<16xi32> to vector<1x16xi32>
      tpu.vector_store %arg8[%swap3A_171, %swap3A_172], %swap3A_175 {strides = array<i32>} : memref<1x128xi32, #tpu.memory_space<vmem>>, vector<1x16xi32>,
      %get3A_176 = arith.index_cast %while3A_47 : i32 to index
      %get3A_177 = arith.constant 96 : index
      %get3A_178 = tpu.vector_load %arg6[%get3A_176, %get3A_177] {strides = array<i32>} : memref<101x128xi32, #tpu.memory_space<vmem>>, vector<1x16xi32>,
      %get3A_179 = vector.shape_cast %get3A_178 : vector<1x16xi32> to vector<16xi32>
      %and3A_180 = arith.constant 65535 : i32
      %and3A_181 = vector.broadcast %and3A_180 : i32 to vector<16xi32>
      %and3A_182 = arith.andi %get3A_179, %and3A_181 : vector<16xi32>
      %swap3A_183 = arith.constant 0 : i32
      %swap3A_184 = arith.index_cast %swap3A_183 : i32 to index
      %swap3A_185 = arith.constant 96 : index
      %swap3A_186 = tpu.vector_load %arg7[%swap3A_184, %swap3A_185] {strides = array<i32>} : memref<1x128xi32, #tpu.memory_space<vmem>>, vector<1x16xi32>,
      %swap3A_187 = vector.shape_cast %swap3A_186 : vector<1x16xi32> to vector<16xi32>
      %swap3A_188 = vector.shape_cast %and3A_182 : vector<16xi32> to vector<1x16xi32>
      tpu.vector_store %arg7[%swap3A_184, %swap3A_185], %swap3A_188 {strides = array<i32>} : memref<1x128xi32, #tpu.memory_space<vmem>>, vector<1x16xi32>,
      %shift_right_arithmetic3A_189 = arith.constant 16 : i32
      %shift_right_arithmetic3A_190 = vector.broadcast %shift_right_arithmetic3A_189 : i32 to vector<16xi32>
      %shift_right_arithmetic3A_191 = arith.shrsi %get3A_179, %shift_right_arithmetic3A_190 : vector<16xi32>
      %swap3A_192 = arith.constant 0 : i32
      %swap3A_193 = arith.index_cast %swap3A_192 : i32 to index
      %swap3A_194 = arith.constant 96 : index
      %swap3A_195 = tpu.vector_load %arg8[%swap3A_193, %swap3A_194] {strides = array<i32>} : memref<1x128xi32, #tpu.memory_space<vmem>>, vector<1x16xi32>,
      %swap3A_196 = vector.shape_cast %swap3A_195 : vector<1x16xi32> to vector<16xi32>
      %swap3A_197 = vector.shape_cast %shift_right_arithmetic3A_191 : vector<16xi32> to vector<1x16xi32>
      tpu.vector_store %arg8[%swap3A_193, %swap3A_194], %swap3A_197 {strides = array<i32>} : memref<1x128xi32, #tpu.memory_space<vmem>>, vector<1x16xi32>,
      %get3A_198 = arith.index_cast %while3A_47 : i32 to index
      %get3A_199 = arith.constant 112 : index
      %get3A_200 = tpu.vector_load %arg6[%get3A_198, %get3A_199] {strides = array<i32>} : memref<101x128xi32, #tpu.memory_space<vmem>>, vector<1x16xi32>,
      %get3A_201 = vector.shape_cast %get3A_200 : vector<1x16xi32> to vector<16xi32>
      %and3A_202 = arith.constant 65535 : i32
      %and3A_203 = vector.broadcast %and3A_202 : i32 to vector<16xi32>
      %and3A_204 = arith.andi %get3A_201, %and3A_203 : vector<16xi32>
      %swap3A_205 = arith.constant 0 : i32
      %swap3A_206 = arith.index_cast %swap3A_205 : i32 to index
      %swap3A_207 = arith.constant 112 : index
      %swap3A_208 = tpu.vector_load %arg7[%swap3A_206, %swap3A_207] {strides = array<i32>} : memref<1x128xi32, #tpu.memory_space<vmem>>, vector<1x16xi32>,
      %swap3A_209 = vector.shape_cast %swap3A_208 : vector<1x16xi32> to vector<16xi32>
      %swap3A_210 = vector.shape_cast %and3A_204 : vector<16xi32> to vector<1x16xi32>
      tpu.vector_store %arg7[%swap3A_206, %swap3A_207], %swap3A_210 {strides = array<i32>} : memref<1x128xi32, #tpu.memory_space<vmem>>, vector<1x16xi32>,
      %shift_right_arithmetic3A_211 = arith.constant 16 : i32
      %shift_right_arithmetic3A_212 = vector.broadcast %shift_right_arithmetic3A_211 : i32 to vector<16xi32>
      %shift_right_arithmetic3A_213 = arith.shrsi %get3A_201, %shift_right_arithmetic3A_212 : vector<16xi32>
      %swap3A_214 = arith.constant 0 : i32
      %swap3A_215 = arith.index_cast %swap3A_214 : i32 to index
      %swap3A_216 = arith.constant 112 : index
      %swap3A_217 = tpu.vector_load %arg8[%swap3A_215, %swap3A_216] {strides = array<i32>} : memref<1x128xi32, #tpu.memory_space<vmem>>, vector<1x16xi32>,
      %swap3A_218 = vector.shape_cast %swap3A_217 : vector<1x16xi32> to vector<16xi32>
      %swap3A_219 = vector.shape_cast %shift_right_arithmetic3A_213 : vector<16xi32> to vector<1x16xi32>
      tpu.vector_store %arg8[%swap3A_215, %swap3A_216], %swap3A_219 {strides = array<i32>} : memref<1x128xi32, #tpu.memory_space<vmem>>, vector<1x16xi32>,
      %dma_start3A = arith.constant 0 : i32
      %dma_start3A_220 = arith.constant 0 : i32
      %dma_start3A_221 = tpu.memref_slice %arg7[%dma_start3A, %dma_start3A_220] : memref<1x128xi32, #tpu.memory_space<vmem>> -> memref<1x128xi32, #tpu.memory_space<vmem>>
      %dma_start3A_222 = tpu.memref_squeeze %dma_start3A_221 : memref<1x128xi32, #tpu.memory_space<vmem>> -> memref<128xi32, #tpu.memory_space<vmem>>
      %dma_start3A_223 = arith.constant 0 : i32
      %dma_start3A_224 = arith.constant 0 : i32
      %dma_start3A_225 = tpu.memref_slice %arg2[%dma_start3A_223, %dma_start3A_224] : memref<10000x128xf32, #tpu.memory_space<hbm>> -> memref<10000x128xf32, #tpu.memory_space<hbm>>
      tpu.enqueue_indirect_dma source(%dma_start3A_225 : memref<10000x128xf32, #tpu.memory_space<hbm>>) target(%arg9 : memref<128x128xf32, #tpu.memory_space<vmem>>) offsets(%dma_start3A_222 : memref<128xi32, #tpu.memory_space<vmem>>) semaphore(%arg11 : memref<!tpu.dma_semaphore, #tpu.memory_space<semaphore_mem>>)
      %dma_wait3A = arith.constant 0 : i32
      %dma_wait3A_226 = arith.constant 0 : i32
      %dma_wait3A_227 = tpu.memref_slice %arg7[%dma_wait3A, %dma_wait3A_226] : memref<1x128xi32, #tpu.memory_space<vmem>> -> memref<1x128xi32, #tpu.memory_space<vmem>>
      %dma_wait3A_228 = tpu.memref_squeeze %dma_wait3A_227 : memref<1x128xi32, #tpu.memory_space<vmem>> -> memref<128xi32, #tpu.memory_space<vmem>>
      %dma_wait3A_229 = arith.constant 0 : i32
      %dma_wait3A_230 = arith.constant 0 : i32
      %dma_wait3A_231 = tpu.memref_slice %arg2[%dma_wait3A_229, %dma_wait3A_230] : memref<10000x128xf32, #tpu.memory_space<hbm>> -> memref<10000x128xf32, #tpu.memory_space<hbm>>
      tpu.wait_indirect_dma semaphore(%arg11 : memref<!tpu.dma_semaphore, #tpu.memory_space<semaphore_mem>>) src(%dma_wait3A_231 : memref<10000x128xf32, #tpu.memory_space<hbm>>) dst(%arg9 : memref<128x128xf32, #tpu.memory_space<vmem>>)
      %run_scoped3A = arith.constant 0 : i32
      "tpu.region"() ({
        %run_scoped3A_232 = tpu.sem_alloc : memref<!tpu.dma_semaphore, #tpu.memory_space<semaphore_mem>>
        %dma_start3A_233 = arith.constant 0 : i32
        %dma_start3A_234 = tpu.memref_slice %arg8[%run_scoped3A, %dma_start3A_233] : memref<1x128xi32, #tpu.memory_space<vmem>> -> memref<1x128xi32, #tpu.memory_space<vmem>>
        %dma_start3A_235 = tpu.memref_squeeze %dma_start3A_234 : memref<1x128xi32, #tpu.memory_space<vmem>> -> memref<128xi32, #tpu.memory_space<vmem>>
        %dma_start3A_236 = arith.constant 0 : i32
        %dma_start3A_237 = arith.constant 0 : i32
        %dma_start3A_238 = tpu.memref_slice %arg10[%dma_start3A_236, %dma_start3A_237] : memref<10240x128xf32, #tpu.memory_space<vmem_shared>> -> memref<10240x128xf32, #tpu.memory_space<vmem_shared>>
        tpu.enqueue_indirect_dma source(%arg9 : memref<128x128xf32, #tpu.memory_space<vmem>>) target(%dma_start3A_238 : memref<10240x128xf32, #tpu.memory_space<vmem_shared>>) offsets(%dma_start3A_235 : memref<128xi32, #tpu.memory_space<vmem>>) semaphore(%run_scoped3A_232 : memref<!tpu.dma_semaphore, #tpu.memory_space<semaphore_mem>>) {add = true}
        %dma_wait3A_239 = arith.constant 0 : i32
        %dma_wait3A_240 = tpu.memref_slice %arg8[%run_scoped3A, %dma_wait3A_239] : memref<1x128xi32, #tpu.memory_space<vmem>> -> memref<1x128xi32, #tpu.memory_space<vmem>>
        %dma_wait3A_241 = tpu.memref_squeeze %dma_wait3A_240 : memref<1x128xi32, #tpu.memory_space<vmem>> -> memref<128xi32, #tpu.memory_space<vmem>>
        %dma_wait3A_242 = arith.constant 0 : i32
        %dma_wait3A_243 = arith.constant 0 : i32
        %dma_wait3A_244 = tpu.memref_slice %arg10[%dma_wait3A_242, %dma_wait3A_243] : memref<10240x128xf32, #tpu.memory_space<vmem_shared>> -> memref<10240x128xf32, #tpu.memory_space<vmem_shared>>
        tpu.wait_indirect_dma semaphore(%run_scoped3A_232 : memref<!tpu.dma_semaphore, #tpu.memory_space<semaphore_mem>>) src(%arg9 : memref<128x128xf32, #tpu.memory_space<vmem>>) dst(%dma_wait3A_244 : memref<10240x128xf32, #tpu.memory_space<vmem_shared>>)
        tpu.yield
      }) : () -> ()
    }
    %while3A_41 = arith.constant 1 : i32
    scf.for %while3A_47 = %while3A_39 to %while3A_35 step %while3A_41  : i32 {
      %get3A = arith.index_cast %while3A_47 : i32 to index
      %get3A_48 = arith.constant 0 : index
      %get3A_49 = tpu.vector_load %arg6[%get3A, %get3A_48] {strides = array<i32>} : memref<101x128xi32, #tpu.memory_space<vmem>>, vector<1x16xi32>,
      %get3A_50 = vector.shape_cast %get3A_49 : vector<1x16xi32> to vector<16xi32>
      %and3A = arith.constant 65535 : i32
      %and3A_51 = vector.broadcast %and3A : i32 to vector<16xi32>
      %and3A_52 = arith.andi %get3A_50, %and3A_51 : vector<16xi32>
      %swap3A = arith.constant 0 : i32
      %swap3A_53 = arith.index_cast %swap3A : i32 to index
      %swap3A_54 = arith.constant 0 : index
      %swap3A_55 = tpu.vector_load %arg7[%swap3A_53, %swap3A_54] {strides = array<i32>} : memref<1x128xi32, #tpu.memory_space<vmem>>, vector<1x16xi32>,
      %swap3A_56 = vector.shape_cast %swap3A_55 : vector<1x16xi32> to vector<16xi32>
      %swap3A_57 = vector.shape_cast %and3A_52 : vector<16xi32> to vector<1x16xi32>
      tpu.vector_store %arg7[%swap3A_53, %swap3A_54], %swap3A_57 {strides = array<i32>} : memref<1x128xi32, #tpu.memory_space<vmem>>, vector<1x16xi32>,
      %shift_right_arithmetic3A = arith.constant 16 : i32
      %shift_right_arithmetic3A_58 = vector.broadcast %shift_right_arithmetic3A : i32 to vector<16xi32>
      %shift_right_arithmetic3A_59 = arith.shrsi %get3A_50, %shift_right_arithmetic3A_58 : vector<16xi32>
      %swap3A_60 = arith.constant 0 : i32
      %swap3A_61 = arith.index_cast %swap3A_60 : i32 to index
      %swap3A_62 = arith.constant 0 : index
      %swap3A_63 = tpu.vector_load %arg8[%swap3A_61, %swap3A_62] {strides = array<i32>} : memref<1x128xi32, #tpu.memory_space<vmem>>, vector<1x16xi32>,
      %swap3A_64 = vector.shape_cast %swap3A_63 : vector<1x16xi32> to vector<16xi32>
      %swap3A_65 = vector.shape_cast %shift_right_arithmetic3A_59 : vector<16xi32> to vector<1x16xi32>
      tpu.vector_store %arg8[%swap3A_61, %swap3A_62], %swap3A_65 {strides = array<i32>} : memref<1x128xi32, #tpu.memory_space<vmem>>, vector<1x16xi32>,
      %get3A_66 = arith.index_cast %while3A_47 : i32 to index
      %get3A_67 = arith.constant 16 : index
      %get3A_68 = tpu.vector_load %arg6[%get3A_66, %get3A_67] {strides = array<i32>} : memref<101x128xi32, #tpu.memory_space<vmem>>, vector<1x16xi32>,
      %get3A_69 = vector.shape_cast %get3A_68 : vector<1x16xi32> to vector<16xi32>
      %and3A_70 = arith.constant 65535 : i32
      %and3A_71 = vector.broadcast %and3A_70 : i32 to vector<16xi32>
      %and3A_72 = arith.andi %get3A_69, %and3A_71 : vector<16xi32>
      %swap3A_73 = arith.constant 0 : i32
      %swap3A_74 = arith.index_cast %swap3A_73 : i32 to index
      %swap3A_75 = arith.constant 16 : index
      %swap3A_76 = tpu.vector_load %arg7[%swap3A_74, %swap3A_75] {strides = array<i32>} : memref<1x128xi32, #tpu.memory_space<vmem>>, vector<1x16xi32>,
      %swap3A_77 = vector.shape_cast %swap3A_76 : vector<1x16xi32> to vector<16xi32>
      %swap3A_78 = vector.shape_cast %and3A_72 : vector<16xi32> to vector<1x16xi32>
      tpu.vector_store %arg7[%swap3A_74, %swap3A_75], %swap3A_78 {strides = array<i32>} : memref<1x128xi32, #tpu.memory_space<vmem>>, vector<1x16xi32>,
      %shift_right_arithmetic3A_79 = arith.constant 16 : i32
      %shift_right_arithmetic3A_80 = vector.broadcast %shift_right_arithmetic3A_79 : i32 to vector<16xi32>
      %shift_right_arithmetic3A_81 = arith.shrsi %get3A_69, %shift_right_arithmetic3A_80 : vector<16xi32>
      %swap3A_82 = arith.constant 0 : i32
      %swap3A_83 = arith.index_cast %swap3A_82 : i32 to index
      %swap3A_84 = arith.constant 16 : index
      %swap3A_85 = tpu.vector_load %arg8[%swap3A_83, %swap3A_84] {strides = array<i32>} : memref<1x128xi32, #tpu.memory_space<vmem>>, vector<1x16xi32>,
      %swap3A_86 = vector.shape_cast %swap3A_85 : vector<1x16xi32> to vector<16xi32>
      %swap3A_87 = vector.shape_cast %shift_right_arithmetic3A_81 : vector<16xi32> to vector<1x16xi32>
      tpu.vector_store %arg8[%swap3A_83, %swap3A_84], %swap3A_87 {strides = array<i32>} : memref<1x128xi32, #tpu.memory_space<vmem>>, vector<1x16xi32>,
      %get3A_88 = arith.index_cast %while3A_47 : i32 to index
      %get3A_89 = arith.constant 32 : index
      %get3A_90 = tpu.vector_load %arg6[%get3A_88, %get3A_89] {strides = array<i32>} : memref<101x128xi32, #tpu.memory_space<vmem>>, vector<1x16xi32>,
      %get3A_91 = vector.shape_cast %get3A_90 : vector<1x16xi32> to vector<16xi32>
      %and3A_92 = arith.constant 65535 : i32
      %and3A_93 = vector.broadcast %and3A_92 : i32 to vector<16xi32>
      %and3A_94 = arith.andi %get3A_91, %and3A_93 : vector<16xi32>
      %swap3A_95 = arith.constant 0 : i32
      %swap3A_96 = arith.index_cast %swap3A_95 : i32 to index
      %swap3A_97 = arith.constant 32 : index
      %swap3A_98 = tpu.vector_load %arg7[%swap3A_96, %swap3A_97] {strides = array<i32>} : memref<1x128xi32, #tpu.memory_space<vmem>>, vector<1x16xi32>,
      %swap3A_99 = vector.shape_cast %swap3A_98 : vector<1x16xi32> to vector<16xi32>
      %swap3A_100 = vector.shape_cast %and3A_94 : vector<16xi32> to vector<1x16xi32>
      tpu.vector_store %arg7[%swap3A_96, %swap3A_97], %swap3A_100 {strides = array<i32>} : memref<1x128xi32, #tpu.memory_space<vmem>>, vector<1x16xi32>,
      %shift_right_arithmetic3A_101 = arith.constant 16 : i32
      %shift_right_arithmetic3A_102 = vector.broadcast %shift_right_arithmetic3A_101 : i32 to vector<16xi32>
      %shift_right_arithmetic3A_103 = arith.shrsi %get3A_91, %shift_right_arithmetic3A_102 : vector<16xi32>
      %swap3A_104 = arith.constant 0 : i32
      %swap3A_105 = arith.index_cast %swap3A_104 : i32 to index
      %swap3A_106 = arith.constant 32 : index
      %swap3A_107 = tpu.vector_load %arg8[%swap3A_105, %swap3A_106] {strides = array<i32>} : memref<1x128xi32, #tpu.memory_space<vmem>>, vector<1x16xi32>,
      %swap3A_108 = vector.shape_cast %swap3A_107 : vector<1x16xi32> to vector<16xi32>
      %swap3A_109 = vector.shape_cast %shift_right_arithmetic3A_103 : vector<16xi32> to vector<1x16xi32>
      tpu.vector_store %arg8[%swap3A_105, %swap3A_106], %swap3A_109 {strides = array<i32>} : memref<1x128xi32, #tpu.memory_space<vmem>>, vector<1x16xi32>,
      %get3A_110 = arith.index_cast %while3A_47 : i32 to index
      %get3A_111 = arith.constant 48 : index
      %get3A_112 = tpu.vector_load %arg6[%get3A_110, %get3A_111] {strides = array<i32>} : memref<101x128xi32, #tpu.memory_space<vmem>>, vector<1x16xi32>,
      %get3A_113 = vector.shape_cast %get3A_112 : vector<1x16xi32> to vector<16xi32>
      %and3A_114 = arith.constant 65535 : i32
      %and3A_115 = vector.broadcast %and3A_114 : i32 to vector<16xi32>
      %and3A_116 = arith.andi %get3A_113, %and3A_115 : vector<16xi32>
      %swap3A_117 = arith.constant 0 : i32
      %swap3A_118 = arith.index_cast %swap3A_117 : i32 to index
      %swap3A_119 = arith.constant 48 : index
      %swap3A_120 = tpu.vector_load %arg7[%swap3A_118, %swap3A_119] {strides = array<i32>} : memref<1x128xi32, #tpu.memory_space<vmem>>, vector<1x16xi32>,
      %swap3A_121 = vector.shape_cast %swap3A_120 : vector<1x16xi32> to vector<16xi32>
      %swap3A_122 = vector.shape_cast %and3A_116 : vector<16xi32> to vector<1x16xi32>
      tpu.vector_store %arg7[%swap3A_118, %swap3A_119], %swap3A_122 {strides = array<i32>} : memref<1x128xi32, #tpu.memory_space<vmem>>, vector<1x16xi32>,
      %shift_right_arithmetic3A_123 = arith.constant 16 : i32
      %shift_right_arithmetic3A_124 = vector.broadcast %shift_right_arithmetic3A_123 : i32 to vector<16xi32>
      %shift_right_arithmetic3A_125 = arith.shrsi %get3A_113, %shift_right_arithmetic3A_124 : vector<16xi32>
      %swap3A_126 = arith.constant 0 : i32
      %swap3A_127 = arith.index_cast %swap3A_126 : i32 to index
      %swap3A_128 = arith.constant 48 : index
      %swap3A_129 = tpu.vector_load %arg8[%swap3A_127, %swap3A_128] {strides = array<i32>} : memref<1x128xi32, #tpu.memory_space<vmem>>, vector<1x16xi32>,
      %swap3A_130 = vector.shape_cast %swap3A_129 : vector<1x16xi32> to vector<16xi32>
      %swap3A_131 = vector.shape_cast %shift_right_arithmetic3A_125 : vector<16xi32> to vector<1x16xi32>
      tpu.vector_store %arg8[%swap3A_127, %swap3A_128], %swap3A_131 {strides = array<i32>} : memref<1x128xi32, #tpu.memory_space<vmem>>, vector<1x16xi32>,
      %get3A_132 = arith.index_cast %while3A_47 : i32 to index
      %get3A_133 = arith.constant 64 : index
      %get3A_134 = tpu.vector_load %arg6[%get3A_132, %get3A_133] {strides = array<i32>} : memref<101x128xi32, #tpu.memory_space<vmem>>, vector<1x16xi32>,
      %get3A_135 = vector.shape_cast %get3A_134 : vector<1x16xi32> to vector<16xi32>
      %and3A_136 = arith.constant 65535 : i32
      %and3A_137 = vector.broadcast %and3A_136 : i32 to vector<16xi32>
      %and3A_138 = arith.andi %get3A_135, %and3A_137 : vector<16xi32>
      %swap3A_139 = arith.constant 0 : i32
      %swap3A_140 = arith.index_cast %swap3A_139 : i32 to index
      %swap3A_141 = arith.constant 64 : index
      %swap3A_142 = tpu.vector_load %arg7[%swap3A_140, %swap3A_141] {strides = array<i32>} : memref<1x128xi32, #tpu.memory_space<vmem>>, vector<1x16xi32>,
      %swap3A_143 = vector.shape_cast %swap3A_142 : vector<1x16xi32> to vector<16xi32>
      %swap3A_144 = vector.shape_cast %and3A_138 : vector<16xi32> to vector<1x16xi32>
      tpu.vector_store %arg7[%swap3A_140, %swap3A_141], %swap3A_144 {strides = array<i32>} : memref<1x128xi32, #tpu.memory_space<vmem>>, vector<1x16xi32>,
      %shift_right_arithmetic3A_145 = arith.constant 16 : i32
      %shift_right_arithmetic3A_146 = vector.broadcast %shift_right_arithmetic3A_145 : i32 to vector<16xi32>
      %shift_right_arithmetic3A_147 = arith.shrsi %get3A_135, %shift_right_arithmetic3A_146 : vector<16xi32>
      %swap3A_148 = arith.constant 0 : i32
      %swap3A_149 = arith.index_cast %swap3A_148 : i32 to index
      %swap3A_150 = arith.constant 64 : index
      %swap3A_151 = tpu.vector_load %arg8[%swap3A_149, %swap3A_150] {strides = array<i32>} : memref<1x128xi32, #tpu.memory_space<vmem>>, vector<1x16xi32>,
      %swap3A_152 = vector.shape_cast %swap3A_151 : vector<1x16xi32> to vector<16xi32>
      %swap3A_153 = vector.shape_cast %shift_right_arithmetic3A_147 : vector<16xi32> to vector<1x16xi32>
      tpu.vector_store %arg8[%swap3A_149, %swap3A_150], %swap3A_153 {strides = array<i32>} : memref<1x128xi32, #tpu.memory_space<vmem>>, vector<1x16xi32>,
      %get3A_154 = arith.index_cast %while3A_47 : i32 to index
      %get3A_155 = arith.constant 80 : index
      %get3A_156 = tpu.vector_load %arg6[%get3A_154, %get3A_155] {strides = array<i32>} : memref<101x128xi32, #tpu.memory_space<vmem>>, vector<1x16xi32>,
      %get3A_157 = vector.shape_cast %get3A_156 : vector<1x16xi32> to vector<16xi32>
      %and3A_158 = arith.constant 65535 : i32
      %and3A_159 = vector.broadcast %and3A_158 : i32 to vector<16xi32>
      %and3A_160 = arith.andi %get3A_157, %and3A_159 : vector<16xi32>
      %swap3A_161 = arith.constant 0 : i32
      %swap3A_162 = arith.index_cast %swap3A_161 : i32 to index
      %swap3A_163 = arith.constant 80 : index
      %swap3A_164 = tpu.vector_load %arg7[%swap3A_162, %swap3A_163] {strides = array<i32>} : memref<1x128xi32, #tpu.memory_space<vmem>>, vector<1x16xi32>,
      %swap3A_165 = vector.shape_cast %swap3A_164 : vector<1x16xi32> to vector<16xi32>
      %swap3A_166 = vector.shape_cast %and3A_160 : vector<16xi32> to vector<1x16xi32>
      tpu.vector_store %arg7[%swap3A_162, %swap3A_163], %swap3A_166 {strides = array<i32>} : memref<1x128xi32, #tpu.memory_space<vmem>>, vector<1x16xi32>,
      %shift_right_arithmetic3A_167 = arith.constant 16 : i32
      %shift_right_arithmetic3A_168 = vector.broadcast %shift_right_arithmetic3A_167 : i32 to vector<16xi32>
      %shift_right_arithmetic3A_169 = arith.shrsi %get3A_157, %shift_right_arithmetic3A_168 : vector<16xi32>
      %swap3A_170 = arith.constant 0 : i32
      %swap3A_171 = arith.index_cast %swap3A_170 : i32 to index
      %swap3A_172 = arith.constant 80 : index
      %swap3A_173 = tpu.vector_load %arg8[%swap3A_171, %swap3A_172] {strides = array<i32>} : memref<1x128xi32, #tpu.memory_space<vmem>>, vector<1x16xi32>,
      %swap3A_174 = vector.shape_cast %swap3A_173 : vector<1x16xi32> to vector<16xi32>
      %swap3A_175 = vector.shape_cast %shift_right_arithmetic3A_169 : vector<16xi32> to vector<1x16xi32>
      tpu.vector_store %arg8[%swap3A_171, %swap3A_172], %swap3A_175 {strides = array<i32>} : memref<1x128xi32, #tpu.memory_space<vmem>>, vector<1x16xi32>,
      %get3A_176 = arith.index_cast %while3A_47 : i32 to index
      %get3A_177 = arith.constant 96 : index
      %get3A_178 = tpu.vector_load %arg6[%get3A_176, %get3A_177] {strides = array<i32>} : memref<101x128xi32, #tpu.memory_space<vmem>>, vector<1x16xi32>,
      %get3A_179 = vector.shape_cast %get3A_178 : vector<1x16xi32> to vector<16xi32>
      %and3A_180 = arith.constant 65535 : i32
      %and3A_181 = vector.broadcast %and3A_180 : i32 to vector<16xi32>
      %and3A_182 = arith.andi %get3A_179, %and3A_181 : vector<16xi32>
      %swap3A_183 = arith.constant 0 : i32
      %swap3A_184 = arith.index_cast %swap3A_183 : i32 to index
      %swap3A_185 = arith.constant 96 : index
      %swap3A_186 = tpu.vector_load %arg7[%swap3A_184, %swap3A_185] {strides = array<i32>} : memref<1x128xi32, #tpu.memory_space<vmem>>, vector<1x16xi32>,
      %swap3A_187 = vector.shape_cast %swap3A_186 : vector<1x16xi32> to vector<16xi32>
      %swap3A_188 = vector.shape_cast %and3A_182 : vector<16xi32> to vector<1x16xi32>
      tpu.vector_store %arg7[%swap3A_184, %swap3A_185], %swap3A_188 {strides = array<i32>} : memref<1x128xi32, #tpu.memory_space<vmem>>, vector<1x16xi32>,
      %shift_right_arithmetic3A_189 = arith.constant 16 : i32
      %shift_right_arithmetic3A_190 = vector.broadcast %shift_right_arithmetic3A_189 : i32 to vector<16xi32>
      %shift_right_arithmetic3A_191 = arith.shrsi %get3A_179, %shift_right_arithmetic3A_190 : vector<16xi32>
      %swap3A_192 = arith.constant 0 : i32
      %swap3A_193 = arith.index_cast %swap3A_192 : i32 to index
      %swap3A_194 = arith.constant 96 : index
      %swap3A_195 = tpu.vector_load %arg8[%swap3A_193, %swap3A_194] {strides = array<i32>} : memref<1x128xi32, #tpu.memory_space<vmem>>, vector<1x16xi32>,
      %swap3A_196 = vector.shape_cast %swap3A_195 : vector<1x16xi32> to vector<16xi32>
      %swap3A_197 = vector.shape_cast %shift_right_arithmetic3A_191 : vector<16xi32> to vector<1x16xi32>
      tpu.vector_store %arg8[%swap3A_193, %swap3A_194], %swap3A_197 {strides = array<i32>} : memref<1x128xi32, #tpu.memory_space<vmem>>, vector<1x16xi32>,
      %get3A_198 = arith.index_cast %while3A_47 : i32 to index
      %get3A_199 = arith.constant 112 : index
      %get3A_200 = tpu.vector_load %arg6[%get3A_198, %get3A_199] {strides = array<i32>} : memref<101x128xi32, #tpu.memory_space<vmem>>, vector<1x16xi32>,
      %get3A_201 = vector.shape_cast %get3A_200 : vector<1x16xi32> to vector<16xi32>
      %and3A_202 = arith.constant 65535 : i32
      %and3A_203 = vector.broadcast %and3A_202 : i32 to vector<16xi32>
      %and3A_204 = arith.andi %get3A_201, %and3A_203 : vector<16xi32>
      %swap3A_205 = arith.constant 0 : i32
      %swap3A_206 = arith.index_cast %swap3A_205 : i32 to index
      %swap3A_207 = arith.constant 112 : index
      %swap3A_208 = tpu.vector_load %arg7[%swap3A_206, %swap3A_207] {strides = array<i32>} : memref<1x128xi32, #tpu.memory_space<vmem>>, vector<1x16xi32>,
      %swap3A_209 = vector.shape_cast %swap3A_208 : vector<1x16xi32> to vector<16xi32>
      %swap3A_210 = vector.shape_cast %and3A_204 : vector<16xi32> to vector<1x16xi32>
      tpu.vector_store %arg7[%swap3A_206, %swap3A_207], %swap3A_210 {strides = array<i32>} : memref<1x128xi32, #tpu.memory_space<vmem>>, vector<1x16xi32>,
      %shift_right_arithmetic3A_211 = arith.constant 16 : i32
      %shift_right_arithmetic3A_212 = vector.broadcast %shift_right_arithmetic3A_211 : i32 to vector<16xi32>
      %shift_right_arithmetic3A_213 = arith.shrsi %get3A_201, %shift_right_arithmetic3A_212 : vector<16xi32>
      %swap3A_214 = arith.constant 0 : i32
      %swap3A_215 = arith.index_cast %swap3A_214 : i32 to index
      %swap3A_216 = arith.constant 112 : index
      %swap3A_217 = tpu.vector_load %arg8[%swap3A_215, %swap3A_216] {strides = array<i32>} : memref<1x128xi32, #tpu.memory_space<vmem>>, vector<1x16xi32>,
      %swap3A_218 = vector.shape_cast %swap3A_217 : vector<1x16xi32> to vector<16xi32>
      %swap3A_219 = vector.shape_cast %shift_right_arithmetic3A_213 : vector<16xi32> to vector<1x16xi32>
      tpu.vector_store %arg8[%swap3A_215, %swap3A_216], %swap3A_219 {strides = array<i32>} : memref<1x128xi32, #tpu.memory_space<vmem>>, vector<1x16xi32>,
      %dma_start3A = arith.constant 0 : i32
      %dma_start3A_220 = arith.constant 0 : i32
      %dma_start3A_221 = tpu.memref_slice %arg7[%dma_start3A, %dma_start3A_220] : memref<1x128xi32, #tpu.memory_space<vmem>> -> memref<1x128xi32, #tpu.memory_space<vmem>>
      %dma_start3A_222 = tpu.memref_squeeze %dma_start3A_221 : memref<1x128xi32, #tpu.memory_space<vmem>> -> memref<128xi32, #tpu.memory_space<vmem>>
      %dma_start3A_223 = arith.constant 0 : i32
      %dma_start3A_224 = arith.constant 0 : i32
      %dma_start3A_225 = tpu.memref_slice %arg2[%dma_start3A_223, %dma_start3A_224] : memref<10000x128xf32, #tpu.memory_space<hbm>> -> memref<10000x128xf32, #tpu.memory_space<hbm>>
      tpu.enqueue_indirect_dma source(%dma_start3A_225 : memref<10000x128xf32, #tpu.memory_space<hbm>>) target(%arg9 : memref<128x128xf32, #tpu.memory_space<vmem>>) offsets(%dma_start3A_222 : memref<128xi32, #tpu.memory_space<vmem>>) semaphore(%arg11 : memref<!tpu.dma_semaphore, #tpu.memory_space<semaphore_mem>>)
      %dma_wait3A = arith.constant 0 : i32
      %dma_wait3A_226 = arith.constant 0 : i32
      %dma_wait3A_227 = tpu.memref_slice %arg7[%dma_wait3A, %dma_wait3A_226] : memref<1x128xi32, #tpu.memory_space<vmem>> -> memref<1x128xi32, #tpu.memory_space<vmem>>
      %dma_wait3A_228 = tpu.memref_squeeze %dma_wait3A_227 : memref<1x128xi32, #tpu.memory_space<vmem>> -> memref<128xi32, #tpu.memory_space<vmem>>
      %dma_wait3A_229 = arith.constant 0 : i32
      %dma_wait3A_230 = arith.constant 0 : i32
      %dma_wait3A_231 = tpu.memref_slice %arg2[%dma_wait3A_229, %dma_wait3A_230] : memref<10000x128xf32, #tpu.memory_space<hbm>> -> memref<10000x128xf32, #tpu.memory_space<hbm>>
      tpu.wait_indirect_dma semaphore(%arg11 : memref<!tpu.dma_semaphore, #tpu.memory_space<semaphore_mem>>) src(%dma_wait3A_231 : memref<10000x128xf32, #tpu.memory_space<hbm>>) dst(%arg9 : memref<128x128xf32, #tpu.memory_space<vmem>>)
      %run_scoped3A = arith.constant 0 : i32
      "tpu.region"() ({
        %run_scoped3A_232 = tpu.sem_alloc : memref<!tpu.dma_semaphore, #tpu.memory_space<semaphore_mem>>
        %dma_start3A_233 = arith.constant 0 : i32
        %dma_start3A_234 = tpu.memref_slice %arg8[%run_scoped3A, %dma_start3A_233] : memref<1x128xi32, #tpu.memory_space<vmem>> -> memref<1x128xi32, #tpu.memory_space<vmem>>
        %dma_start3A_235 = tpu.memref_squeeze %dma_start3A_234 : memref<1x128xi32, #tpu.memory_space<vmem>> -> memref<128xi32, #tpu.memory_space<vmem>>
        %dma_start3A_236 = arith.constant 0 : i32
        %dma_start3A_237 = arith.constant 0 : i32
        %dma_start3A_238 = tpu.memref_slice %arg10[%dma_start3A_236, %dma_start3A_237] : memref<10240x128xf32, #tpu.memory_space<vmem_shared>> -> memref<10240x128xf32, #tpu.memory_space<vmem_shared>>
        tpu.enqueue_indirect_dma source(%arg9 : memref<128x128xf32, #tpu.memory_space<vmem>>) target(%dma_start3A_238 : memref<10240x128xf32, #tpu.memory_space<vmem_shared>>) offsets(%dma_start3A_235 : memref<128xi32, #tpu.memory_space<vmem>>) semaphore(%run_scoped3A_232 : memref<!tpu.dma_semaphore, #tpu.memory_space<semaphore_mem>>) {add = true}
        %dma_wait3A_239 = arith.constant 0 : i32
        %dma_wait3A_240 = tpu.memref_slice %arg8[%run_scoped3A, %dma_wait3A_239] : memref<1x128xi32, #tpu.memory_space<vmem>> -> memref<1x128xi32, #tpu.memory_space<vmem>>
        %dma_wait3A_241 = tpu.memref_squeeze %dma_wait3A_240 : memref<1x128xi32, #tpu.memory_space<vmem>> -> memref<128xi32, #tpu.memory_space<vmem>>
        %dma_wait3A_242 = arith.constant 0 : i32
        %dma_wait3A_243 = arith.constant 0 : i32
        %dma_wait3A_244 = tpu.memref_slice %arg10[%dma_wait3A_242, %dma_wait3A_243] : memref<10240x128xf32, #tpu.memory_space<vmem_shared>> -> memref<10240x128xf32, #tpu.memory_space<vmem_shared>>
        tpu.wait_indirect_dma semaphore(%run_scoped3A_232 : memref<!tpu.dma_semaphore, #tpu.memory_space<semaphore_mem>>) src(%arg9 : memref<128x128xf32, #tpu.memory_space<vmem>>) dst(%dma_wait3A_244 : memref<10240x128xf32, #tpu.memory_space<vmem_shared>>)
        tpu.yield
      }) : () -> ()
    }
    %barrier3A_42 = arith.constant 0 : index
    tpu.barrier barrier_id(%barrier3A_42)
    %mul3A_43 = arith.constant 640 : i32
    %mul3A_44 = arith.muli %arg1, %mul3A_43 : i32
    %mul3A_45 = arith.constant 640 : i32
    %mul3A_46 = arith.muli %arg1, %mul3A_45 : i32
    "tpu.region"() ({
      %run_scoped3A = tpu.sem_alloc : memref<!tpu.dma_semaphore, #tpu.memory_space<semaphore_mem>>
      %dma_start3A = arith.constant 0 : i32
      %dma_start3A_47 = tpu.memref_slice %arg5[%arg0, %mul3A_46, %dma_start3A] : memref<2x10240x128xf32, #tpu.memory_space<hbm>> -> memref<1x640x128xf32, #tpu.memory_space<hbm>>
      %dma_start3A_48 = tpu.memref_squeeze %dma_start3A_47 : memref<1x640x128xf32, #tpu.memory_space<hbm>> -> memref<640x128xf32, #tpu.memory_space<hbm>>
      %dma_start3A_49 = arith.constant 0 : i32
      %dma_start3A_50 = tpu.memref_slice %arg10[%mul3A_44, %dma_start3A_49] : memref<10240x128xf32, #tpu.memory_space<vmem_shared>> -> memref<640x128xf32, #tpu.memory_space<vmem_shared>>
      tpu.enqueue_dma source(%dma_start3A_50 : memref<640x128xf32, #tpu.memory_space<vmem_shared>>) target(%dma_start3A_48 : memref<640x128xf32, #tpu.memory_space<hbm>>) target_semaphore(%run_scoped3A : memref<!tpu.dma_semaphore, #tpu.memory_space<semaphore_mem>>)
      %dma_wait3A = arith.constant 0 : i32
      %dma_wait3A_51 = tpu.memref_slice %arg5[%arg0, %mul3A_46, %dma_wait3A] : memref<2x10240x128xf32, #tpu.memory_space<hbm>> -> memref<1x640x128xf32, #tpu.memory_space<hbm>>
      %dma_wait3A_52 = tpu.memref_squeeze %dma_wait3A_51 : memref<1x640x128xf32, #tpu.memory_space<hbm>> -> memref<640x128xf32, #tpu.memory_space<hbm>>
      %dma_wait3A_53 = arith.constant 0 : i32
      %dma_wait3A_54 = tpu.memref_slice %arg10[%mul3A_44, %dma_wait3A_53] : memref<10240x128xf32, #tpu.memory_space<vmem_shared>> -> memref<640x128xf32, #tpu.memory_space<vmem_shared>>
      tpu.wait_dma2 semaphore(%run_scoped3A : memref<!tpu.dma_semaphore, #tpu.memory_space<semaphore_mem>>) src(%dma_wait3A_54 : memref<640x128xf32, #tpu.memory_space<vmem_shared>>) dst(%dma_wait3A_52 : memref<640x128xf32, #tpu.memory_space<hbm>>)
      tpu.yield
    }) : () -> ()
    return
  }
}

#map = affine_map<(d0, d1) -> (0, 0, 0)>
#map1 = affine_map<(d0, d1) -> (0, 0)>
module attributes {stable_mosaic.version = 14 : i64} {
  func.func @deg_kernel(%arg0: i32, %arg1: i32, %arg2: memref<32x81x128xi32, #tpu.memory_space<hbm>>, %arg3: memref<2x10240xf32, #tpu.memory_space<hbm>>, %arg4: memref<81x128xi32, #tpu.memory_space<vmem>>, %arg5: memref<128xf32, #tpu.memory_space<vmem>>, %arg6: memref<640xf32, #tpu.memory_space<vmem>>, %arg7: memref<10240xf32, #tpu.memory_space<vmem_shared>>) attributes {dimension_semantics = [#tpu.dimension_semantics<core_parallel>, #tpu.dimension_semantics<subcore_parallel>], iteration_bounds = array<i64: 2, 16>, scalar_prefetch = 0 : i64, scratch_operands = 4 : i64, tpu.core_type = #tpu.core_type<sc_vector_subcore>, window_params = [{transform_indices = #map}, {transform_indices = #map1}]} {
    %mul3A = arith.constant 16 : i32
    %mul3A_0 = arith.muli %arg0, %mul3A : i32
    %add3A = arith.addi %mul3A_0, %arg1 : i32
    "tpu.region"() ({
      %run_scoped3A = tpu.sem_alloc : memref<!tpu.dma_semaphore, #tpu.memory_space<semaphore_mem>>
      %dma_start3A = arith.constant 0 : i32
      %dma_start3A_299 = arith.constant 0 : i32
      %dma_start3A_300 = tpu.memref_slice %arg2[%add3A, %dma_start3A, %dma_start3A_299] : memref<32x81x128xi32, #tpu.memory_space<hbm>> -> memref<1x81x128xi32, #tpu.memory_space<hbm>>
      %dma_start3A_301 = tpu.memref_squeeze %dma_start3A_300 : memref<1x81x128xi32, #tpu.memory_space<hbm>> -> memref<81x128xi32, #tpu.memory_space<hbm>>
      %dma_start3A_302 = arith.constant 0 : i32
      %dma_start3A_303 = arith.constant 0 : i32
      %dma_start3A_304 = tpu.memref_slice %arg2[%add3A, %dma_start3A_302, %dma_start3A_303] : memref<32x81x128xi32, #tpu.memory_space<hbm>> -> memref<1x81x128xi32, #tpu.memory_space<hbm>>
      %dma_start3A_305 = tpu.memref_squeeze %dma_start3A_304 : memref<1x81x128xi32, #tpu.memory_space<hbm>> -> memref<81x128xi32, #tpu.memory_space<hbm>>
      tpu.enqueue_dma source(%dma_start3A_305 : memref<81x128xi32, #tpu.memory_space<hbm>>) target(%arg4 : memref<81x128xi32, #tpu.memory_space<vmem>>) target_semaphore(%run_scoped3A : memref<!tpu.dma_semaphore, #tpu.memory_space<semaphore_mem>>)
      %dma_wait3A = arith.constant 0 : i32
      %dma_wait3A_306 = arith.constant 0 : i32
      %dma_wait3A_307 = tpu.memref_slice %arg2[%add3A, %dma_wait3A, %dma_wait3A_306] : memref<32x81x128xi32, #tpu.memory_space<hbm>> -> memref<1x81x128xi32, #tpu.memory_space<hbm>>
      %dma_wait3A_308 = tpu.memref_squeeze %dma_wait3A_307 : memref<1x81x128xi32, #tpu.memory_space<hbm>> -> memref<81x128xi32, #tpu.memory_space<hbm>>
      %dma_wait3A_309 = arith.constant 0 : i32
      %dma_wait3A_310 = arith.constant 0 : i32
      %dma_wait3A_311 = tpu.memref_slice %arg2[%add3A, %dma_wait3A_309, %dma_wait3A_310] : memref<32x81x128xi32, #tpu.memory_space<hbm>> -> memref<1x81x128xi32, #tpu.memory_space<hbm>>
      %dma_wait3A_312 = tpu.memref_squeeze %dma_wait3A_311 : memref<1x81x128xi32, #tpu.memory_space<hbm>> -> memref<81x128xi32, #tpu.memory_space<hbm>>
      tpu.wait_dma2 semaphore(%run_scoped3A : memref<!tpu.dma_semaphore, #tpu.memory_space<semaphore_mem>>) src(%dma_wait3A_312 : memref<81x128xi32, #tpu.memory_space<hbm>>) dst(%arg4 : memref<81x128xi32, #tpu.memory_space<vmem>>)
      tpu.yield
    }) : () -> ()
    %broadcast_in_dim3A = arith.constant 1.000000e+00 : f32
    %broadcast_in_dim3A_1 = vector.broadcast %broadcast_in_dim3A : f32 to vector<16xf32>
    %swap3A = arith.constant 0 : index
    %swap3A_2 = tpu.vector_load %arg5[%swap3A] {strides = array<i32>} : memref<128xf32, #tpu.memory_space<vmem>>, vector<16xf32>,
    %swap3A_3 = vector.shape_cast %swap3A_2 : vector<16xf32> to vector<16xf32>
    %swap3A_4 = vector.shape_cast %broadcast_in_dim3A_1 : vector<16xf32> to vector<16xf32>
    tpu.vector_store %arg5[%swap3A], %swap3A_4 {strides = array<i32>} : memref<128xf32, #tpu.memory_space<vmem>>, vector<16xf32>,
    %broadcast_in_dim3A_5 = arith.constant 1.000000e+00 : f32
    %broadcast_in_dim3A_6 = vector.broadcast %broadcast_in_dim3A_5 : f32 to vector<16xf32>
    %swap3A_7 = arith.constant 16 : index
    %swap3A_8 = tpu.vector_load %arg5[%swap3A_7] {strides = array<i32>} : memref<128xf32, #tpu.memory_space<vmem>>, vector<16xf32>,
    %swap3A_9 = vector.shape_cast %swap3A_8 : vector<16xf32> to vector<16xf32>
    %swap3A_10 = vector.shape_cast %broadcast_in_dim3A_6 : vector<16xf32> to vector<16xf32>
    tpu.vector_store %arg5[%swap3A_7], %swap3A_10 {strides = array<i32>} : memref<128xf32, #tpu.memory_space<vmem>>, vector<16xf32>,
    %broadcast_in_dim3A_11 = arith.constant 1.000000e+00 : f32
    %broadcast_in_dim3A_12 = vector.broadcast %broadcast_in_dim3A_11 : f32 to vector<16xf32>
    %swap3A_13 = arith.constant 32 : index
    %swap3A_14 = tpu.vector_load %arg5[%swap3A_13] {strides = array<i32>} : memref<128xf32, #tpu.memory_space<vmem>>, vector<16xf32>,
    %swap3A_15 = vector.shape_cast %swap3A_14 : vector<16xf32> to vector<16xf32>
    %swap3A_16 = vector.shape_cast %broadcast_in_dim3A_12 : vector<16xf32> to vector<16xf32>
    tpu.vector_store %arg5[%swap3A_13], %swap3A_16 {strides = array<i32>} : memref<128xf32, #tpu.memory_space<vmem>>, vector<16xf32>,
    %broadcast_in_dim3A_17 = arith.constant 1.000000e+00 : f32
    %broadcast_in_dim3A_18 = vector.broadcast %broadcast_in_dim3A_17 : f32 to vector<16xf32>
    %swap3A_19 = arith.constant 48 : index
    %swap3A_20 = tpu.vector_load %arg5[%swap3A_19] {strides = array<i32>} : memref<128xf32, #tpu.memory_space<vmem>>, vector<16xf32>,
    %swap3A_21 = vector.shape_cast %swap3A_20 : vector<16xf32> to vector<16xf32>
    %swap3A_22 = vector.shape_cast %broadcast_in_dim3A_18 : vector<16xf32> to vector<16xf32>
    tpu.vector_store %arg5[%swap3A_19], %swap3A_22 {strides = array<i32>} : memref<128xf32, #tpu.memory_space<vmem>>, vector<16xf32>,
    %broadcast_in_dim3A_23 = arith.constant 1.000000e+00 : f32
    %broadcast_in_dim3A_24 = vector.broadcast %broadcast_in_dim3A_23 : f32 to vector<16xf32>
    %swap3A_25 = arith.constant 64 : index
    %swap3A_26 = tpu.vector_load %arg5[%swap3A_25] {strides = array<i32>} : memref<128xf32, #tpu.memory_space<vmem>>, vector<16xf32>,
    %swap3A_27 = vector.shape_cast %swap3A_26 : vector<16xf32> to vector<16xf32>
    %swap3A_28 = vector.shape_cast %broadcast_in_dim3A_24 : vector<16xf32> to vector<16xf32>
    tpu.vector_store %arg5[%swap3A_25], %swap3A_28 {strides = array<i32>} : memref<128xf32, #tpu.memory_space<vmem>>, vector<16xf32>,
    %broadcast_in_dim3A_29 = arith.constant 1.000000e+00 : f32
    %broadcast_in_dim3A_30 = vector.broadcast %broadcast_in_dim3A_29 : f32 to vector<16xf32>
    %swap3A_31 = arith.constant 80 : index
    %swap3A_32 = tpu.vector_load %arg5[%swap3A_31] {strides = array<i32>} : memref<128xf32, #tpu.memory_space<vmem>>, vector<16xf32>,
    %swap3A_33 = vector.shape_cast %swap3A_32 : vector<16xf32> to vector<16xf32>
    %swap3A_34 = vector.shape_cast %broadcast_in_dim3A_30 : vector<16xf32> to vector<16xf32>
    tpu.vector_store %arg5[%swap3A_31], %swap3A_34 {strides = array<i32>} : memref<128xf32, #tpu.memory_space<vmem>>, vector<16xf32>,
    %broadcast_in_dim3A_35 = arith.constant 1.000000e+00 : f32
    %broadcast_in_dim3A_36 = vector.broadcast %broadcast_in_dim3A_35 : f32 to vector<16xf32>
    %swap3A_37 = arith.constant 96 : index
    %swap3A_38 = tpu.vector_load %arg5[%swap3A_37] {strides = array<i32>} : memref<128xf32, #tpu.memory_space<vmem>>, vector<16xf32>,
    %swap3A_39 = vector.shape_cast %swap3A_38 : vector<16xf32> to vector<16xf32>
    %swap3A_40 = vector.shape_cast %broadcast_in_dim3A_36 : vector<16xf32> to vector<16xf32>
    tpu.vector_store %arg5[%swap3A_37], %swap3A_40 {strides = array<i32>} : memref<128xf32, #tpu.memory_space<vmem>>, vector<16xf32>,
    %broadcast_in_dim3A_41 = arith.constant 1.000000e+00 : f32
    %broadcast_in_dim3A_42 = vector.broadcast %broadcast_in_dim3A_41 : f32 to vector<16xf32>
    %swap3A_43 = arith.constant 112 : index
    %swap3A_44 = tpu.vector_load %arg5[%swap3A_43] {strides = array<i32>} : memref<128xf32, #tpu.memory_space<vmem>>, vector<16xf32>,
    %swap3A_45 = vector.shape_cast %swap3A_44 : vector<16xf32> to vector<16xf32>
    %swap3A_46 = vector.shape_cast %broadcast_in_dim3A_42 : vector<16xf32> to vector<16xf32>
    tpu.vector_store %arg5[%swap3A_43], %swap3A_46 {strides = array<i32>} : memref<128xf32, #tpu.memory_space<vmem>>, vector<16xf32>,
    %broadcast_in_dim3A_47 = arith.constant 0.000000e+00 : f32
    %broadcast_in_dim3A_48 = vector.broadcast %broadcast_in_dim3A_47 : f32 to vector<16xf32>
    %swap3A_49 = arith.constant 0 : index
    %swap3A_50 = tpu.vector_load %arg6[%swap3A_49] {strides = array<i32>} : memref<640xf32, #tpu.memory_space<vmem>>, vector<16xf32>,
    %swap3A_51 = vector.shape_cast %swap3A_50 : vector<16xf32> to vector<16xf32>
    %swap3A_52 = vector.shape_cast %broadcast_in_dim3A_48 : vector<16xf32> to vector<16xf32>
    tpu.vector_store %arg6[%swap3A_49], %swap3A_52 {strides = array<i32>} : memref<640xf32, #tpu.memory_space<vmem>>, vector<16xf32>,
    %broadcast_in_dim3A_53 = arith.constant 0.000000e+00 : f32
    %broadcast_in_dim3A_54 = vector.broadcast %broadcast_in_dim3A_53 : f32 to vector<16xf32>
    %swap3A_55 = arith.constant 16 : index
    %swap3A_56 = tpu.vector_load %arg6[%swap3A_55] {strides = array<i32>} : memref<640xf32, #tpu.memory_space<vmem>>, vector<16xf32>,
    %swap3A_57 = vector.shape_cast %swap3A_56 : vector<16xf32> to vector<16xf32>
    %swap3A_58 = vector.shape_cast %broadcast_in_dim3A_54 : vector<16xf32> to vector<16xf32>
    tpu.vector_store %arg6[%swap3A_55], %swap3A_58 {strides = array<i32>} : memref<640xf32, #tpu.memory_space<vmem>>, vector<16xf32>,
    %broadcast_in_dim3A_59 = arith.constant 0.000000e+00 : f32
    %broadcast_in_dim3A_60 = vector.broadcast %broadcast_in_dim3A_59 : f32 to vector<16xf32>
    %swap3A_61 = arith.constant 32 : index
    %swap3A_62 = tpu.vector_load %arg6[%swap3A_61] {strides = array<i32>} : memref<640xf32, #tpu.memory_space<vmem>>, vector<16xf32>,
    %swap3A_63 = vector.shape_cast %swap3A_62 : vector<16xf32> to vector<16xf32>
    %swap3A_64 = vector.shape_cast %broadcast_in_dim3A_60 : vector<16xf32> to vector<16xf32>
    tpu.vector_store %arg6[%swap3A_61], %swap3A_64 {strides = array<i32>} : memref<640xf32, #tpu.memory_space<vmem>>, vector<16xf32>,
    %broadcast_in_dim3A_65 = arith.constant 0.000000e+00 : f32
    %broadcast_in_dim3A_66 = vector.broadcast %broadcast_in_dim3A_65 : f32 to vector<16xf32>
    %swap3A_67 = arith.constant 48 : index
    %swap3A_68 = tpu.vector_load %arg6[%swap3A_67] {strides = array<i32>} : memref<640xf32, #tpu.memory_space<vmem>>, vector<16xf32>,
    %swap3A_69 = vector.shape_cast %swap3A_68 : vector<16xf32> to vector<16xf32>
    %swap3A_70 = vector.shape_cast %broadcast_in_dim3A_66 : vector<16xf32> to vector<16xf32>
    tpu.vector_store %arg6[%swap3A_67], %swap3A_70 {strides = array<i32>} : memref<640xf32, #tpu.memory_space<vmem>>, vector<16xf32>,
    %broadcast_in_dim3A_71 = arith.constant 0.000000e+00 : f32
    %broadcast_in_dim3A_72 = vector.broadcast %broadcast_in_dim3A_71 : f32 to vector<16xf32>
    %swap3A_73 = arith.constant 64 : index
    %swap3A_74 = tpu.vector_load %arg6[%swap3A_73] {strides = array<i32>} : memref<640xf32, #tpu.memory_space<vmem>>, vector<16xf32>,
    %swap3A_75 = vector.shape_cast %swap3A_74 : vector<16xf32> to vector<16xf32>
    %swap3A_76 = vector.shape_cast %broadcast_in_dim3A_72 : vector<16xf32> to vector<16xf32>
    tpu.vector_store %arg6[%swap3A_73], %swap3A_76 {strides = array<i32>} : memref<640xf32, #tpu.memory_space<vmem>>, vector<16xf32>,
    %broadcast_in_dim3A_77 = arith.constant 0.000000e+00 : f32
    %broadcast_in_dim3A_78 = vector.broadcast %broadcast_in_dim3A_77 : f32 to vector<16xf32>
    %swap3A_79 = arith.constant 80 : index
    %swap3A_80 = tpu.vector_load %arg6[%swap3A_79] {strides = array<i32>} : memref<640xf32, #tpu.memory_space<vmem>>, vector<16xf32>,
    %swap3A_81 = vector.shape_cast %swap3A_80 : vector<16xf32> to vector<16xf32>
    %swap3A_82 = vector.shape_cast %broadcast_in_dim3A_78 : vector<16xf32> to vector<16xf32>
    tpu.vector_store %arg6[%swap3A_79], %swap3A_82 {strides = array<i32>} : memref<640xf32, #tpu.memory_space<vmem>>, vector<16xf32>,
    %broadcast_in_dim3A_83 = arith.constant 0.000000e+00 : f32
    %broadcast_in_dim3A_84 = vector.broadcast %broadcast_in_dim3A_83 : f32 to vector<16xf32>
    %swap3A_85 = arith.constant 96 : index
    %swap3A_86 = tpu.vector_load %arg6[%swap3A_85] {strides = array<i32>} : memref<640xf32, #tpu.memory_space<vmem>>, vector<16xf32>,
    %swap3A_87 = vector.shape_cast %swap3A_86 : vector<16xf32> to vector<16xf32>
    %swap3A_88 = vector.shape_cast %broadcast_in_dim3A_84 : vector<16xf32> to vector<16xf32>
    tpu.vector_store %arg6[%swap3A_85], %swap3A_88 {strides = array<i32>} : memref<640xf32, #tpu.memory_space<vmem>>, vector<16xf32>,
    %broadcast_in_dim3A_89 = arith.constant 0.000000e+00 : f32
    %broadcast_in_dim3A_90 = vector.broadcast %broadcast_in_dim3A_89 : f32 to vector<16xf32>
    %swap3A_91 = arith.constant 112 : index
    %swap3A_92 = tpu.vector_load %arg6[%swap3A_91] {strides = array<i32>} : memref<640xf32, #tpu.memory_space<vmem>>, vector<16xf32>,
    %swap3A_93 = vector.shape_cast %swap3A_92 : vector<16xf32> to vector<16xf32>
    %swap3A_94 = vector.shape_cast %broadcast_in_dim3A_90 : vector<16xf32> to vector<16xf32>
    tpu.vector_store %arg6[%swap3A_91], %swap3A_94 {strides = array<i32>} : memref<640xf32, #tpu.memory_space<vmem>>, vector<16xf32>,
    %broadcast_in_dim3A_95 = arith.constant 0.000000e+00 : f32
    %broadcast_in_dim3A_96 = vector.broadcast %broadcast_in_dim3A_95 : f32 to vector<16xf32>
    %swap3A_97 = arith.constant 128 : index
    %swap3A_98 = tpu.vector_load %arg6[%swap3A_97] {strides = array<i32>} : memref<640xf32, #tpu.memory_space<vmem>>, vector<16xf32>,
    %swap3A_99 = vector.shape_cast %swap3A_98 : vector<16xf32> to vector<16xf32>
    %swap3A_100 = vector.shape_cast %broadcast_in_dim3A_96 : vector<16xf32> to vector<16xf32>
    tpu.vector_store %arg6[%swap3A_97], %swap3A_100 {strides = array<i32>} : memref<640xf32, #tpu.memory_space<vmem>>, vector<16xf32>,
    %broadcast_in_dim3A_101 = arith.constant 0.000000e+00 : f32
    %broadcast_in_dim3A_102 = vector.broadcast %broadcast_in_dim3A_101 : f32 to vector<16xf32>
    %swap3A_103 = arith.constant 144 : index
    %swap3A_104 = tpu.vector_load %arg6[%swap3A_103] {strides = array<i32>} : memref<640xf32, #tpu.memory_space<vmem>>, vector<16xf32>,
    %swap3A_105 = vector.shape_cast %swap3A_104 : vector<16xf32> to vector<16xf32>
    %swap3A_106 = vector.shape_cast %broadcast_in_dim3A_102 : vector<16xf32> to vector<16xf32>
    tpu.vector_store %arg6[%swap3A_103], %swap3A_106 {strides = array<i32>} : memref<640xf32, #tpu.memory_space<vmem>>, vector<16xf32>,
    %broadcast_in_dim3A_107 = arith.constant 0.000000e+00 : f32
    %broadcast_in_dim3A_108 = vector.broadcast %broadcast_in_dim3A_107 : f32 to vector<16xf32>
    %swap3A_109 = arith.constant 160 : index
    %swap3A_110 = tpu.vector_load %arg6[%swap3A_109] {strides = array<i32>} : memref<640xf32, #tpu.memory_space<vmem>>, vector<16xf32>,
    %swap3A_111 = vector.shape_cast %swap3A_110 : vector<16xf32> to vector<16xf32>
    %swap3A_112 = vector.shape_cast %broadcast_in_dim3A_108 : vector<16xf32> to vector<16xf32>
    tpu.vector_store %arg6[%swap3A_109], %swap3A_112 {strides = array<i32>} : memref<640xf32, #tpu.memory_space<vmem>>, vector<16xf32>,
    %broadcast_in_dim3A_113 = arith.constant 0.000000e+00 : f32
    %broadcast_in_dim3A_114 = vector.broadcast %broadcast_in_dim3A_113 : f32 to vector<16xf32>
    %swap3A_115 = arith.constant 176 : index
    %swap3A_116 = tpu.vector_load %arg6[%swap3A_115] {strides = array<i32>} : memref<640xf32, #tpu.memory_space<vmem>>, vector<16xf32>,
    %swap3A_117 = vector.shape_cast %swap3A_116 : vector<16xf32> to vector<16xf32>
    %swap3A_118 = vector.shape_cast %broadcast_in_dim3A_114 : vector<16xf32> to vector<16xf32>
    tpu.vector_store %arg6[%swap3A_115], %swap3A_118 {strides = array<i32>} : memref<640xf32, #tpu.memory_space<vmem>>, vector<16xf32>,
    %broadcast_in_dim3A_119 = arith.constant 0.000000e+00 : f32
    %broadcast_in_dim3A_120 = vector.broadcast %broadcast_in_dim3A_119 : f32 to vector<16xf32>
    %swap3A_121 = arith.constant 192 : index
    %swap3A_122 = tpu.vector_load %arg6[%swap3A_121] {strides = array<i32>} : memref<640xf32, #tpu.memory_space<vmem>>, vector<16xf32>,
    %swap3A_123 = vector.shape_cast %swap3A_122 : vector<16xf32> to vector<16xf32>
    %swap3A_124 = vector.shape_cast %broadcast_in_dim3A_120 : vector<16xf32> to vector<16xf32>
    tpu.vector_store %arg6[%swap3A_121], %swap3A_124 {strides = array<i32>} : memref<640xf32, #tpu.memory_space<vmem>>, vector<16xf32>,
    %broadcast_in_dim3A_125 = arith.constant 0.000000e+00 : f32
    %broadcast_in_dim3A_126 = vector.broadcast %broadcast_in_dim3A_125 : f32 to vector<16xf32>
    %swap3A_127 = arith.constant 208 : index
    %swap3A_128 = tpu.vector_load %arg6[%swap3A_127] {strides = array<i32>} : memref<640xf32, #tpu.memory_space<vmem>>, vector<16xf32>,
    %swap3A_129 = vector.shape_cast %swap3A_128 : vector<16xf32> to vector<16xf32>
    %swap3A_130 = vector.shape_cast %broadcast_in_dim3A_126 : vector<16xf32> to vector<16xf32>
    tpu.vector_store %arg6[%swap3A_127], %swap3A_130 {strides = array<i32>} : memref<640xf32, #tpu.memory_space<vmem>>, vector<16xf32>,
    %broadcast_in_dim3A_131 = arith.constant 0.000000e+00 : f32
    %broadcast_in_dim3A_132 = vector.broadcast %broadcast_in_dim3A_131 : f32 to vector<16xf32>
    %swap3A_133 = arith.constant 224 : index
    %swap3A_134 = tpu.vector_load %arg6[%swap3A_133] {strides = array<i32>} : memref<640xf32, #tpu.memory_space<vmem>>, vector<16xf32>,
    %swap3A_135 = vector.shape_cast %swap3A_134 : vector<16xf32> to vector<16xf32>
    %swap3A_136 = vector.shape_cast %broadcast_in_dim3A_132 : vector<16xf32> to vector<16xf32>
    tpu.vector_store %arg6[%swap3A_133], %swap3A_136 {strides = array<i32>} : memref<640xf32, #tpu.memory_space<vmem>>, vector<16xf32>,
    %broadcast_in_dim3A_137 = arith.constant 0.000000e+00 : f32
    %broadcast_in_dim3A_138 = vector.broadcast %broadcast_in_dim3A_137 : f32 to vector<16xf32>
    %swap3A_139 = arith.constant 240 : index
    %swap3A_140 = tpu.vector_load %arg6[%swap3A_139] {strides = array<i32>} : memref<640xf32, #tpu.memory_space<vmem>>, vector<16xf32>,
    %swap3A_141 = vector.shape_cast %swap3A_140 : vector<16xf32> to vector<16xf32>
    %swap3A_142 = vector.shape_cast %broadcast_in_dim3A_138 : vector<16xf32> to vector<16xf32>
    tpu.vector_store %arg6[%swap3A_139], %swap3A_142 {strides = array<i32>} : memref<640xf32, #tpu.memory_space<vmem>>, vector<16xf32>,
    %broadcast_in_dim3A_143 = arith.constant 0.000000e+00 : f32
    %broadcast_in_dim3A_144 = vector.broadcast %broadcast_in_dim3A_143 : f32 to vector<16xf32>
    %swap3A_145 = arith.constant 256 : index
    %swap3A_146 = tpu.vector_load %arg6[%swap3A_145] {strides = array<i32>} : memref<640xf32, #tpu.memory_space<vmem>>, vector<16xf32>,
    %swap3A_147 = vector.shape_cast %swap3A_146 : vector<16xf32> to vector<16xf32>
    %swap3A_148 = vector.shape_cast %broadcast_in_dim3A_144 : vector<16xf32> to vector<16xf32>
    tpu.vector_store %arg6[%swap3A_145], %swap3A_148 {strides = array<i32>} : memref<640xf32, #tpu.memory_space<vmem>>, vector<16xf32>,
    %broadcast_in_dim3A_149 = arith.constant 0.000000e+00 : f32
    %broadcast_in_dim3A_150 = vector.broadcast %broadcast_in_dim3A_149 : f32 to vector<16xf32>
    %swap3A_151 = arith.constant 272 : index
    %swap3A_152 = tpu.vector_load %arg6[%swap3A_151] {strides = array<i32>} : memref<640xf32, #tpu.memory_space<vmem>>, vector<16xf32>,
    %swap3A_153 = vector.shape_cast %swap3A_152 : vector<16xf32> to vector<16xf32>
    %swap3A_154 = vector.shape_cast %broadcast_in_dim3A_150 : vector<16xf32> to vector<16xf32>
    tpu.vector_store %arg6[%swap3A_151], %swap3A_154 {strides = array<i32>} : memref<640xf32, #tpu.memory_space<vmem>>, vector<16xf32>,
    %broadcast_in_dim3A_155 = arith.constant 0.000000e+00 : f32
    %broadcast_in_dim3A_156 = vector.broadcast %broadcast_in_dim3A_155 : f32 to vector<16xf32>
    %swap3A_157 = arith.constant 288 : index
    %swap3A_158 = tpu.vector_load %arg6[%swap3A_157] {strides = array<i32>} : memref<640xf32, #tpu.memory_space<vmem>>, vector<16xf32>,
    %swap3A_159 = vector.shape_cast %swap3A_158 : vector<16xf32> to vector<16xf32>
    %swap3A_160 = vector.shape_cast %broadcast_in_dim3A_156 : vector<16xf32> to vector<16xf32>
    tpu.vector_store %arg6[%swap3A_157], %swap3A_160 {strides = array<i32>} : memref<640xf32, #tpu.memory_space<vmem>>, vector<16xf32>,
    %broadcast_in_dim3A_161 = arith.constant 0.000000e+00 : f32
    %broadcast_in_dim3A_162 = vector.broadcast %broadcast_in_dim3A_161 : f32 to vector<16xf32>
    %swap3A_163 = arith.constant 304 : index
    %swap3A_164 = tpu.vector_load %arg6[%swap3A_163] {strides = array<i32>} : memref<640xf32, #tpu.memory_space<vmem>>, vector<16xf32>,
    %swap3A_165 = vector.shape_cast %swap3A_164 : vector<16xf32> to vector<16xf32>
    %swap3A_166 = vector.shape_cast %broadcast_in_dim3A_162 : vector<16xf32> to vector<16xf32>
    tpu.vector_store %arg6[%swap3A_163], %swap3A_166 {strides = array<i32>} : memref<640xf32, #tpu.memory_space<vmem>>, vector<16xf32>,
    %broadcast_in_dim3A_167 = arith.constant 0.000000e+00 : f32
    %broadcast_in_dim3A_168 = vector.broadcast %broadcast_in_dim3A_167 : f32 to vector<16xf32>
    %swap3A_169 = arith.constant 320 : index
    %swap3A_170 = tpu.vector_load %arg6[%swap3A_169] {strides = array<i32>} : memref<640xf32, #tpu.memory_space<vmem>>, vector<16xf32>,
    %swap3A_171 = vector.shape_cast %swap3A_170 : vector<16xf32> to vector<16xf32>
    %swap3A_172 = vector.shape_cast %broadcast_in_dim3A_168 : vector<16xf32> to vector<16xf32>
    tpu.vector_store %arg6[%swap3A_169], %swap3A_172 {strides = array<i32>} : memref<640xf32, #tpu.memory_space<vmem>>, vector<16xf32>,
    %broadcast_in_dim3A_173 = arith.constant 0.000000e+00 : f32
    %broadcast_in_dim3A_174 = vector.broadcast %broadcast_in_dim3A_173 : f32 to vector<16xf32>
    %swap3A_175 = arith.constant 336 : index
    %swap3A_176 = tpu.vector_load %arg6[%swap3A_175] {strides = array<i32>} : memref<640xf32, #tpu.memory_space<vmem>>, vector<16xf32>,
    %swap3A_177 = vector.shape_cast %swap3A_176 : vector<16xf32> to vector<16xf32>
    %swap3A_178 = vector.shape_cast %broadcast_in_dim3A_174 : vector<16xf32> to vector<16xf32>
    tpu.vector_store %arg6[%swap3A_175], %swap3A_178 {strides = array<i32>} : memref<640xf32, #tpu.memory_space<vmem>>, vector<16xf32>,
    %broadcast_in_dim3A_179 = arith.constant 0.000000e+00 : f32
    %broadcast_in_dim3A_180 = vector.broadcast %broadcast_in_dim3A_179 : f32 to vector<16xf32>
    %swap3A_181 = arith.constant 352 : index
    %swap3A_182 = tpu.vector_load %arg6[%swap3A_181] {strides = array<i32>} : memref<640xf32, #tpu.memory_space<vmem>>, vector<16xf32>,
    %swap3A_183 = vector.shape_cast %swap3A_182 : vector<16xf32> to vector<16xf32>
    %swap3A_184 = vector.shape_cast %broadcast_in_dim3A_180 : vector<16xf32> to vector<16xf32>
    tpu.vector_store %arg6[%swap3A_181], %swap3A_184 {strides = array<i32>} : memref<640xf32, #tpu.memory_space<vmem>>, vector<16xf32>,
    %broadcast_in_dim3A_185 = arith.constant 0.000000e+00 : f32
    %broadcast_in_dim3A_186 = vector.broadcast %broadcast_in_dim3A_185 : f32 to vector<16xf32>
    %swap3A_187 = arith.constant 368 : index
    %swap3A_188 = tpu.vector_load %arg6[%swap3A_187] {strides = array<i32>} : memref<640xf32, #tpu.memory_space<vmem>>, vector<16xf32>,
    %swap3A_189 = vector.shape_cast %swap3A_188 : vector<16xf32> to vector<16xf32>
    %swap3A_190 = vector.shape_cast %broadcast_in_dim3A_186 : vector<16xf32> to vector<16xf32>
    tpu.vector_store %arg6[%swap3A_187], %swap3A_190 {strides = array<i32>} : memref<640xf32, #tpu.memory_space<vmem>>, vector<16xf32>,
    %broadcast_in_dim3A_191 = arith.constant 0.000000e+00 : f32
    %broadcast_in_dim3A_192 = vector.broadcast %broadcast_in_dim3A_191 : f32 to vector<16xf32>
    %swap3A_193 = arith.constant 384 : index
    %swap3A_194 = tpu.vector_load %arg6[%swap3A_193] {strides = array<i32>} : memref<640xf32, #tpu.memory_space<vmem>>, vector<16xf32>,
    %swap3A_195 = vector.shape_cast %swap3A_194 : vector<16xf32> to vector<16xf32>
    %swap3A_196 = vector.shape_cast %broadcast_in_dim3A_192 : vector<16xf32> to vector<16xf32>
    tpu.vector_store %arg6[%swap3A_193], %swap3A_196 {strides = array<i32>} : memref<640xf32, #tpu.memory_space<vmem>>, vector<16xf32>,
    %broadcast_in_dim3A_197 = arith.constant 0.000000e+00 : f32
    %broadcast_in_dim3A_198 = vector.broadcast %broadcast_in_dim3A_197 : f32 to vector<16xf32>
    %swap3A_199 = arith.constant 400 : index
    %swap3A_200 = tpu.vector_load %arg6[%swap3A_199] {strides = array<i32>} : memref<640xf32, #tpu.memory_space<vmem>>, vector<16xf32>,
    %swap3A_201 = vector.shape_cast %swap3A_200 : vector<16xf32> to vector<16xf32>
    %swap3A_202 = vector.shape_cast %broadcast_in_dim3A_198 : vector<16xf32> to vector<16xf32>
    tpu.vector_store %arg6[%swap3A_199], %swap3A_202 {strides = array<i32>} : memref<640xf32, #tpu.memory_space<vmem>>, vector<16xf32>,
    %broadcast_in_dim3A_203 = arith.constant 0.000000e+00 : f32
    %broadcast_in_dim3A_204 = vector.broadcast %broadcast_in_dim3A_203 : f32 to vector<16xf32>
    %swap3A_205 = arith.constant 416 : index
    %swap3A_206 = tpu.vector_load %arg6[%swap3A_205] {strides = array<i32>} : memref<640xf32, #tpu.memory_space<vmem>>, vector<16xf32>,
    %swap3A_207 = vector.shape_cast %swap3A_206 : vector<16xf32> to vector<16xf32>
    %swap3A_208 = vector.shape_cast %broadcast_in_dim3A_204 : vector<16xf32> to vector<16xf32>
    tpu.vector_store %arg6[%swap3A_205], %swap3A_208 {strides = array<i32>} : memref<640xf32, #tpu.memory_space<vmem>>, vector<16xf32>,
    %broadcast_in_dim3A_209 = arith.constant 0.000000e+00 : f32
    %broadcast_in_dim3A_210 = vector.broadcast %broadcast_in_dim3A_209 : f32 to vector<16xf32>
    %swap3A_211 = arith.constant 432 : index
    %swap3A_212 = tpu.vector_load %arg6[%swap3A_211] {strides = array<i32>} : memref<640xf32, #tpu.memory_space<vmem>>, vector<16xf32>,
    %swap3A_213 = vector.shape_cast %swap3A_212 : vector<16xf32> to vector<16xf32>
    %swap3A_214 = vector.shape_cast %broadcast_in_dim3A_210 : vector<16xf32> to vector<16xf32>
    tpu.vector_store %arg6[%swap3A_211], %swap3A_214 {strides = array<i32>} : memref<640xf32, #tpu.memory_space<vmem>>, vector<16xf32>,
    %broadcast_in_dim3A_215 = arith.constant 0.000000e+00 : f32
    %broadcast_in_dim3A_216 = vector.broadcast %broadcast_in_dim3A_215 : f32 to vector<16xf32>
    %swap3A_217 = arith.constant 448 : index
    %swap3A_218 = tpu.vector_load %arg6[%swap3A_217] {strides = array<i32>} : memref<640xf32, #tpu.memory_space<vmem>>, vector<16xf32>,
    %swap3A_219 = vector.shape_cast %swap3A_218 : vector<16xf32> to vector<16xf32>
    %swap3A_220 = vector.shape_cast %broadcast_in_dim3A_216 : vector<16xf32> to vector<16xf32>
    tpu.vector_store %arg6[%swap3A_217], %swap3A_220 {strides = array<i32>} : memref<640xf32, #tpu.memory_space<vmem>>, vector<16xf32>,
    %broadcast_in_dim3A_221 = arith.constant 0.000000e+00 : f32
    %broadcast_in_dim3A_222 = vector.broadcast %broadcast_in_dim3A_221 : f32 to vector<16xf32>
    %swap3A_223 = arith.constant 464 : index
    %swap3A_224 = tpu.vector_load %arg6[%swap3A_223] {strides = array<i32>} : memref<640xf32, #tpu.memory_space<vmem>>, vector<16xf32>,
    %swap3A_225 = vector.shape_cast %swap3A_224 : vector<16xf32> to vector<16xf32>
    %swap3A_226 = vector.shape_cast %broadcast_in_dim3A_222 : vector<16xf32> to vector<16xf32>
    tpu.vector_store %arg6[%swap3A_223], %swap3A_226 {strides = array<i32>} : memref<640xf32, #tpu.memory_space<vmem>>, vector<16xf32>,
    %broadcast_in_dim3A_227 = arith.constant 0.000000e+00 : f32
    %broadcast_in_dim3A_228 = vector.broadcast %broadcast_in_dim3A_227 : f32 to vector<16xf32>
    %swap3A_229 = arith.constant 480 : index
    %swap3A_230 = tpu.vector_load %arg6[%swap3A_229] {strides = array<i32>} : memref<640xf32, #tpu.memory_space<vmem>>, vector<16xf32>,
    %swap3A_231 = vector.shape_cast %swap3A_230 : vector<16xf32> to vector<16xf32>
    %swap3A_232 = vector.shape_cast %broadcast_in_dim3A_228 : vector<16xf32> to vector<16xf32>
    tpu.vector_store %arg6[%swap3A_229], %swap3A_232 {strides = array<i32>} : memref<640xf32, #tpu.memory_space<vmem>>, vector<16xf32>,
    %broadcast_in_dim3A_233 = arith.constant 0.000000e+00 : f32
    %broadcast_in_dim3A_234 = vector.broadcast %broadcast_in_dim3A_233 : f32 to vector<16xf32>
    %swap3A_235 = arith.constant 496 : index
    %swap3A_236 = tpu.vector_load %arg6[%swap3A_235] {strides = array<i32>} : memref<640xf32, #tpu.memory_space<vmem>>, vector<16xf32>,
    %swap3A_237 = vector.shape_cast %swap3A_236 : vector<16xf32> to vector<16xf32>
    %swap3A_238 = vector.shape_cast %broadcast_in_dim3A_234 : vector<16xf32> to vector<16xf32>
    tpu.vector_store %arg6[%swap3A_235], %swap3A_238 {strides = array<i32>} : memref<640xf32, #tpu.memory_space<vmem>>, vector<16xf32>,
    %broadcast_in_dim3A_239 = arith.constant 0.000000e+00 : f32
    %broadcast_in_dim3A_240 = vector.broadcast %broadcast_in_dim3A_239 : f32 to vector<16xf32>
    %swap3A_241 = arith.constant 512 : index
    %swap3A_242 = tpu.vector_load %arg6[%swap3A_241] {strides = array<i32>} : memref<640xf32, #tpu.memory_space<vmem>>, vector<16xf32>,
    %swap3A_243 = vector.shape_cast %swap3A_242 : vector<16xf32> to vector<16xf32>
    %swap3A_244 = vector.shape_cast %broadcast_in_dim3A_240 : vector<16xf32> to vector<16xf32>
    tpu.vector_store %arg6[%swap3A_241], %swap3A_244 {strides = array<i32>} : memref<640xf32, #tpu.memory_space<vmem>>, vector<16xf32>,
    %broadcast_in_dim3A_245 = arith.constant 0.000000e+00 : f32
    %broadcast_in_dim3A_246 = vector.broadcast %broadcast_in_dim3A_245 : f32 to vector<16xf32>
    %swap3A_247 = arith.constant 528 : index
    %swap3A_248 = tpu.vector_load %arg6[%swap3A_247] {strides = array<i32>} : memref<640xf32, #tpu.memory_space<vmem>>, vector<16xf32>,
    %swap3A_249 = vector.shape_cast %swap3A_248 : vector<16xf32> to vector<16xf32>
    %swap3A_250 = vector.shape_cast %broadcast_in_dim3A_246 : vector<16xf32> to vector<16xf32>
    tpu.vector_store %arg6[%swap3A_247], %swap3A_250 {strides = array<i32>} : memref<640xf32, #tpu.memory_space<vmem>>, vector<16xf32>,
    %broadcast_in_dim3A_251 = arith.constant 0.000000e+00 : f32
    %broadcast_in_dim3A_252 = vector.broadcast %broadcast_in_dim3A_251 : f32 to vector<16xf32>
    %swap3A_253 = arith.constant 544 : index
    %swap3A_254 = tpu.vector_load %arg6[%swap3A_253] {strides = array<i32>} : memref<640xf32, #tpu.memory_space<vmem>>, vector<16xf32>,
    %swap3A_255 = vector.shape_cast %swap3A_254 : vector<16xf32> to vector<16xf32>
    %swap3A_256 = vector.shape_cast %broadcast_in_dim3A_252 : vector<16xf32> to vector<16xf32>
    tpu.vector_store %arg6[%swap3A_253], %swap3A_256 {strides = array<i32>} : memref<640xf32, #tpu.memory_space<vmem>>, vector<16xf32>,
    %broadcast_in_dim3A_257 = arith.constant 0.000000e+00 : f32
    %broadcast_in_dim3A_258 = vector.broadcast %broadcast_in_dim3A_257 : f32 to vector<16xf32>
    %swap3A_259 = arith.constant 560 : index
    %swap3A_260 = tpu.vector_load %arg6[%swap3A_259] {strides = array<i32>} : memref<640xf32, #tpu.memory_space<vmem>>, vector<16xf32>,
    %swap3A_261 = vector.shape_cast %swap3A_260 : vector<16xf32> to vector<16xf32>
    %swap3A_262 = vector.shape_cast %broadcast_in_dim3A_258 : vector<16xf32> to vector<16xf32>
    tpu.vector_store %arg6[%swap3A_259], %swap3A_262 {strides = array<i32>} : memref<640xf32, #tpu.memory_space<vmem>>, vector<16xf32>,
    %broadcast_in_dim3A_263 = arith.constant 0.000000e+00 : f32
    %broadcast_in_dim3A_264 = vector.broadcast %broadcast_in_dim3A_263 : f32 to vector<16xf32>
    %swap3A_265 = arith.constant 576 : index
    %swap3A_266 = tpu.vector_load %arg6[%swap3A_265] {strides = array<i32>} : memref<640xf32, #tpu.memory_space<vmem>>, vector<16xf32>,
    %swap3A_267 = vector.shape_cast %swap3A_266 : vector<16xf32> to vector<16xf32>
    %swap3A_268 = vector.shape_cast %broadcast_in_dim3A_264 : vector<16xf32> to vector<16xf32>
    tpu.vector_store %arg6[%swap3A_265], %swap3A_268 {strides = array<i32>} : memref<640xf32, #tpu.memory_space<vmem>>, vector<16xf32>,
    %broadcast_in_dim3A_269 = arith.constant 0.000000e+00 : f32
    %broadcast_in_dim3A_270 = vector.broadcast %broadcast_in_dim3A_269 : f32 to vector<16xf32>
    %swap3A_271 = arith.constant 592 : index
    %swap3A_272 = tpu.vector_load %arg6[%swap3A_271] {strides = array<i32>} : memref<640xf32, #tpu.memory_space<vmem>>, vector<16xf32>,
    %swap3A_273 = vector.shape_cast %swap3A_272 : vector<16xf32> to vector<16xf32>
    %swap3A_274 = vector.shape_cast %broadcast_in_dim3A_270 : vector<16xf32> to vector<16xf32>
    tpu.vector_store %arg6[%swap3A_271], %swap3A_274 {strides = array<i32>} : memref<640xf32, #tpu.memory_space<vmem>>, vector<16xf32>,
    %broadcast_in_dim3A_275 = arith.constant 0.000000e+00 : f32
    %broadcast_in_dim3A_276 = vector.broadcast %broadcast_in_dim3A_275 : f32 to vector<16xf32>
    %swap3A_277 = arith.constant 608 : index
    %swap3A_278 = tpu.vector_load %arg6[%swap3A_277] {strides = array<i32>} : memref<640xf32, #tpu.memory_space<vmem>>, vector<16xf32>,
    %swap3A_279 = vector.shape_cast %swap3A_278 : vector<16xf32> to vector<16xf32>
    %swap3A_280 = vector.shape_cast %broadcast_in_dim3A_276 : vector<16xf32> to vector<16xf32>
    tpu.vector_store %arg6[%swap3A_277], %swap3A_280 {strides = array<i32>} : memref<640xf32, #tpu.memory_space<vmem>>, vector<16xf32>,
    %broadcast_in_dim3A_281 = arith.constant 0.000000e+00 : f32
    %broadcast_in_dim3A_282 = vector.broadcast %broadcast_in_dim3A_281 : f32 to vector<16xf32>
    %swap3A_283 = arith.constant 624 : index
    %swap3A_284 = tpu.vector_load %arg6[%swap3A_283] {strides = array<i32>} : memref<640xf32, #tpu.memory_space<vmem>>, vector<16xf32>,
    %swap3A_285 = vector.shape_cast %swap3A_284 : vector<16xf32> to vector<16xf32>
    %swap3A_286 = vector.shape_cast %broadcast_in_dim3A_282 : vector<16xf32> to vector<16xf32>
    tpu.vector_store %arg6[%swap3A_283], %swap3A_286 {strides = array<i32>} : memref<640xf32, #tpu.memory_space<vmem>>, vector<16xf32>,
    %mul3A_287 = arith.constant 640 : i32
    %mul3A_288 = arith.muli %arg1, %mul3A_287 : i32
    "tpu.region"() ({
      %run_scoped3A = tpu.sem_alloc : memref<!tpu.dma_semaphore, #tpu.memory_space<semaphore_mem>>
      %dma_start3A = tpu.memref_slice %arg7[%mul3A_288] : memref<10240xf32, #tpu.memory_space<vmem_shared>> -> memref<640xf32, #tpu.memory_space<vmem_shared>>
      %dma_start3A_299 = tpu.memref_slice %arg7[%mul3A_288] : memref<10240xf32, #tpu.memory_space<vmem_shared>> -> memref<640xf32, #tpu.memory_space<vmem_shared>>
      tpu.enqueue_dma source(%arg6 : memref<640xf32, #tpu.memory_space<vmem>>) target(%dma_start3A_299 : memref<640xf32, #tpu.memory_space<vmem_shared>>) target_semaphore(%run_scoped3A : memref<!tpu.dma_semaphore, #tpu.memory_space<semaphore_mem>>)
      %dma_wait3A = tpu.memref_slice %arg7[%mul3A_288] : memref<10240xf32, #tpu.memory_space<vmem_shared>> -> memref<640xf32, #tpu.memory_space<vmem_shared>>
      %dma_wait3A_300 = tpu.memref_slice %arg7[%mul3A_288] : memref<10240xf32, #tpu.memory_space<vmem_shared>> -> memref<640xf32, #tpu.memory_space<vmem_shared>>
      tpu.wait_dma2 semaphore(%run_scoped3A : memref<!tpu.dma_semaphore, #tpu.memory_space<semaphore_mem>>) src(%arg6 : memref<640xf32, #tpu.memory_space<vmem>>) dst(%dma_wait3A_300 : memref<640xf32, #tpu.memory_space<vmem_shared>>)
      tpu.yield
    }) : () -> ()
    %barrier3A = arith.constant 0 : index
    tpu.barrier barrier_id(%barrier3A)
    %scan3A = arith.constant 0 : i32
    %scan3A_289 = arith.constant 0 : i32
    %scan3A_290 = arith.constant 81 : i32
    %scan3A_291 = arith.addi %scan3A_289, %scan3A_290 : i32
    %scan3A_292 = arith.constant 1 : i32
    scf.for %scan3A_299 = %scan3A_289 to %scan3A_291 step %scan3A_292  : i32 {
      "tpu.region"() ({
        %run_scoped3A = tpu.sem_alloc : memref<!tpu.dma_semaphore, #tpu.memory_space<semaphore_mem>>
        %dma_start3A = arith.constant 0 : i32
        %dma_start3A_300 = tpu.memref_slice %arg4[%scan3A_299, %dma_start3A] : memref<81x128xi32, #tpu.memory_space<vmem>> -> memref<1x128xi32, #tpu.memory_space<vmem>>
        %dma_start3A_301 = tpu.memref_squeeze %dma_start3A_300 : memref<1x128xi32, #tpu.memory_space<vmem>> -> memref<128xi32, #tpu.memory_space<vmem>>
        %dma_start3A_302 = arith.constant 0 : i32
        %dma_start3A_303 = tpu.memref_slice %arg7[%dma_start3A_302] : memref<10240xf32, #tpu.memory_space<vmem_shared>> -> memref<10240xf32, #tpu.memory_space<vmem_shared>>
        tpu.enqueue_indirect_dma source(%arg5 : memref<128xf32, #tpu.memory_space<vmem>>) target(%dma_start3A_303 : memref<10240xf32, #tpu.memory_space<vmem_shared>>) offsets(%dma_start3A_301 : memref<128xi32, #tpu.memory_space<vmem>>) semaphore(%run_scoped3A : memref<!tpu.dma_semaphore, #tpu.memory_space<semaphore_mem>>) {add = true}
        %dma_wait3A = arith.constant 0 : i32
        %dma_wait3A_304 = tpu.memref_slice %arg4[%scan3A_299, %dma_wait3A] : memref<81x128xi32, #tpu.memory_space<vmem>> -> memref<1x128xi32, #tpu.memory_space<vmem>>
        %dma_wait3A_305 = tpu.memref_squeeze %dma_wait3A_304 : memref<1x128xi32, #tpu.memory_space<vmem>> -> memref<128xi32, #tpu.memory_space<vmem>>
        %dma_wait3A_306 = arith.constant 0 : i32
        %dma_wait3A_307 = tpu.memref_slice %arg7[%dma_wait3A_306] : memref<10240xf32, #tpu.memory_space<vmem_shared>> -> memref<10240xf32, #tpu.memory_space<vmem_shared>>
        tpu.wait_indirect_dma semaphore(%run_scoped3A : memref<!tpu.dma_semaphore, #tpu.memory_space<semaphore_mem>>) src(%arg5 : memref<128xf32, #tpu.memory_space<vmem>>) dst(%dma_wait3A_307 : memref<10240xf32, #tpu.memory_space<vmem_shared>>)
        tpu.yield
      }) : () -> ()
    }
    %scan3A_293 = arith.constant 81 : i32
    %barrier3A_294 = arith.constant 0 : index
    tpu.barrier barrier_id(%barrier3A_294)
    %mul3A_295 = arith.constant 640 : i32
    %mul3A_296 = arith.muli %arg1, %mul3A_295 : i32
    %mul3A_297 = arith.constant 640 : i32
    %mul3A_298 = arith.muli %arg1, %mul3A_297 : i32
    "tpu.region"() ({
      %run_scoped3A = tpu.sem_alloc : memref<!tpu.dma_semaphore, #tpu.memory_space<semaphore_mem>>
      %dma_start3A = tpu.memref_slice %arg3[%arg0, %mul3A_298] : memref<2x10240xf32, #tpu.memory_space<hbm>> -> memref<1x640xf32, #tpu.memory_space<hbm>>
      %dma_start3A_299 = tpu.memref_squeeze %dma_start3A : memref<1x640xf32, #tpu.memory_space<hbm>> -> memref<640xf32, #tpu.memory_space<hbm>>
      %dma_start3A_300 = tpu.memref_slice %arg7[%mul3A_296] : memref<10240xf32, #tpu.memory_space<vmem_shared>> -> memref<640xf32, #tpu.memory_space<vmem_shared>>
      tpu.enqueue_dma source(%dma_start3A_300 : memref<640xf32, #tpu.memory_space<vmem_shared>>) target(%dma_start3A_299 : memref<640xf32, #tpu.memory_space<hbm>>) target_semaphore(%run_scoped3A : memref<!tpu.dma_semaphore, #tpu.memory_space<semaphore_mem>>)
      %dma_wait3A = tpu.memref_slice %arg3[%arg0, %mul3A_298] : memref<2x10240xf32, #tpu.memory_space<hbm>> -> memref<1x640xf32, #tpu.memory_space<hbm>>
      %dma_wait3A_301 = tpu.memref_squeeze %dma_wait3A : memref<1x640xf32, #tpu.memory_space<hbm>> -> memref<640xf32, #tpu.memory_space<hbm>>
      %dma_wait3A_302 = tpu.memref_slice %arg7[%mul3A_296] : memref<10240xf32, #tpu.memory_space<vmem_shared>> -> memref<640xf32, #tpu.memory_space<vmem_shared>>
      tpu.wait_dma2 semaphore(%run_scoped3A : memref<!tpu.dma_semaphore, #tpu.memory_space<semaphore_mem>>) src(%dma_wait3A_302 : memref<640xf32, #tpu.memory_space<vmem_shared>>) dst(%dma_wait3A_301 : memref<640xf32, #tpu.memory_space<hbm>>)
      tpu.yield
    }) : () -> ()
    return
  }
}

#map = affine_map<(d0, d1) -> (0, 0)>
#map1 = affine_map<(d0, d1) -> (0, 0, 0)>
module attributes {stable_mosaic.version = 14 : i64} {
  func.func @spmm_kernel(%arg0: i32, %arg1: i32, %arg2: memref<10000x128xf32, #tpu.memory_space<hbm>>, %arg3: memref<16x101x128xi32, #tpu.memory_space<hbm>>, %arg4: memref<16x101x128xi32, #tpu.memory_space<hbm>>, %arg5: memref<2x10240x128xf32, #tpu.memory_space<hbm>>, %arg6: memref<101x128xi32, #tpu.memory_space<vmem>>, %arg7: memref<1x128xi32, #tpu.memory_space<vmem>>, %arg8: memref<1x128xi32, #tpu.memory_space<vmem>>, %arg9: memref<128x128xf32, #tpu.memory_space<vmem>>, %arg10: memref<10240x128xf32, #tpu.memory_space<vmem_shared>>, %arg11: memref<!tpu.dma_semaphore, #tpu.memory_space<semaphore_mem>>) attributes {dimension_semantics = [#tpu.dimension_semantics<core_parallel>, #tpu.dimension_semantics<subcore_parallel>], iteration_bounds = array<i64: 2, 16>, scalar_prefetch = 0 : i64, scratch_operands = 6 : i64, tpu.core_type = #tpu.core_type<sc_vector_subcore>, window_params = [{transform_indices = #map}, {transform_indices = #map1}, {transform_indices = #map1}, {transform_indices = #map1}]} {
    %eq3A = arith.constant 0 : i32
    %eq3A_0 = arith.cmpi eq, %arg0, %eq3A : i32
    %convert_element_type3A = arith.extui %eq3A_0 : i1 to i32
    %cond3A = arith.constant 0 : i32
    %cond3A_1 = arith.cmpi ne, %convert_element_type3A, %cond3A : i32
    scf.if %cond3A_1 {
      "tpu.region"() ({
        %run_scoped3A = tpu.sem_alloc : memref<!tpu.dma_semaphore, #tpu.memory_space<semaphore_mem>>
        %dma_start3A = arith.constant 0 : i32
        %dma_start3A_47 = arith.constant 0 : i32
        %dma_start3A_48 = tpu.memref_slice %arg3[%arg1, %dma_start3A, %dma_start3A_47] : memref<16x101x128xi32, #tpu.memory_space<hbm>> -> memref<1x101x128xi32, #tpu.memory_space<hbm>>
        %dma_start3A_49 = tpu.memref_squeeze %dma_start3A_48 : memref<1x101x128xi32, #tpu.memory_space<hbm>> -> memref<101x128xi32, #tpu.memory_space<hbm>>
        %dma_start3A_50 = arith.constant 0 : i32
        %dma_start3A_51 = arith.constant 0 : i32
        %dma_start3A_52 = tpu.memref_slice %arg3[%arg1, %dma_start3A_50, %dma_start3A_51] : memref<16x101x128xi32, #tpu.memory_space<hbm>> -> memref<1x101x128xi32, #tpu.memory_space<hbm>>
        %dma_start3A_53 = tpu.memref_squeeze %dma_start3A_52 : memref<1x101x128xi32, #tpu.memory_space<hbm>> -> memref<101x128xi32, #tpu.memory_space<hbm>>
        tpu.enqueue_dma source(%dma_start3A_53 : memref<101x128xi32, #tpu.memory_space<hbm>>) target(%arg6 : memref<101x128xi32, #tpu.memory_space<vmem>>) target_semaphore(%run_scoped3A : memref<!tpu.dma_semaphore, #tpu.memory_space<semaphore_mem>>)
        %dma_wait3A = arith.constant 0 : i32
        %dma_wait3A_54 = arith.constant 0 : i32
        %dma_wait3A_55 = tpu.memref_slice %arg3[%arg1, %dma_wait3A, %dma_wait3A_54] : memref<16x101x128xi32, #tpu.memory_space<hbm>> -> memref<1x101x128xi32, #tpu.memory_space<hbm>>
        %dma_wait3A_56 = tpu.memref_squeeze %dma_wait3A_55 : memref<1x101x128xi32, #tpu.memory_space<hbm>> -> memref<101x128xi32, #tpu.memory_space<hbm>>
        %dma_wait3A_57 = arith.constant 0 : i32
        %dma_wait3A_58 = arith.constant 0 : i32
        %dma_wait3A_59 = tpu.memref_slice %arg3[%arg1, %dma_wait3A_57, %dma_wait3A_58] : memref<16x101x128xi32, #tpu.memory_space<hbm>> -> memref<1x101x128xi32, #tpu.memory_space<hbm>>
        %dma_wait3A_60 = tpu.memref_squeeze %dma_wait3A_59 : memref<1x101x128xi32, #tpu.memory_space<hbm>> -> memref<101x128xi32, #tpu.memory_space<hbm>>
        tpu.wait_dma2 semaphore(%run_scoped3A : memref<!tpu.dma_semaphore, #tpu.memory_space<semaphore_mem>>) src(%dma_wait3A_60 : memref<101x128xi32, #tpu.memory_space<hbm>>) dst(%arg6 : memref<101x128xi32, #tpu.memory_space<vmem>>)
        tpu.yield
      }) : () -> ()
    } else {
    }
    %eq3A_2 = arith.constant 1 : i32
    %eq3A_3 = arith.cmpi eq, %arg0, %eq3A_2 : i32
    %convert_element_type3A_4 = arith.extui %eq3A_3 : i1 to i32
    %cond3A_5 = arith.constant 0 : i32
    %cond3A_6 = arith.cmpi ne, %convert_element_type3A_4, %cond3A_5 : i32
    scf.if %cond3A_6 {
      "tpu.region"() ({
        %run_scoped3A = tpu.sem_alloc : memref<!tpu.dma_semaphore, #tpu.memory_space<semaphore_mem>>
        %dma_start3A = arith.constant 0 : i32
        %dma_start3A_47 = arith.constant 0 : i32
        %dma_start3A_48 = tpu.memref_slice %arg4[%arg1, %dma_start3A, %dma_start3A_47] : memref<16x101x128xi32, #tpu.memory_space<hbm>> -> memref<1x101x128xi32, #tpu.memory_space<hbm>>
        %dma_start3A_49 = tpu.memref_squeeze %dma_start3A_48 : memref<1x101x128xi32, #tpu.memory_space<hbm>> -> memref<101x128xi32, #tpu.memory_space<hbm>>
        %dma_start3A_50 = arith.constant 0 : i32
        %dma_start3A_51 = arith.constant 0 : i32
        %dma_start3A_52 = tpu.memref_slice %arg4[%arg1, %dma_start3A_50, %dma_start3A_51] : memref<16x101x128xi32, #tpu.memory_space<hbm>> -> memref<1x101x128xi32, #tpu.memory_space<hbm>>
        %dma_start3A_53 = tpu.memref_squeeze %dma_start3A_52 : memref<1x101x128xi32, #tpu.memory_space<hbm>> -> memref<101x128xi32, #tpu.memory_space<hbm>>
        tpu.enqueue_dma source(%dma_start3A_53 : memref<101x128xi32, #tpu.memory_space<hbm>>) target(%arg6 : memref<101x128xi32, #tpu.memory_space<vmem>>) target_semaphore(%run_scoped3A : memref<!tpu.dma_semaphore, #tpu.memory_space<semaphore_mem>>)
        %dma_wait3A = arith.constant 0 : i32
        %dma_wait3A_54 = arith.constant 0 : i32
        %dma_wait3A_55 = tpu.memref_slice %arg4[%arg1, %dma_wait3A, %dma_wait3A_54] : memref<16x101x128xi32, #tpu.memory_space<hbm>> -> memref<1x101x128xi32, #tpu.memory_space<hbm>>
        %dma_wait3A_56 = tpu.memref_squeeze %dma_wait3A_55 : memref<1x101x128xi32, #tpu.memory_space<hbm>> -> memref<101x128xi32, #tpu.memory_space<hbm>>
        %dma_wait3A_57 = arith.constant 0 : i32
        %dma_wait3A_58 = arith.constant 0 : i32
        %dma_wait3A_59 = tpu.memref_slice %arg4[%arg1, %dma_wait3A_57, %dma_wait3A_58] : memref<16x101x128xi32, #tpu.memory_space<hbm>> -> memref<1x101x128xi32, #tpu.memory_space<hbm>>
        %dma_wait3A_60 = tpu.memref_squeeze %dma_wait3A_59 : memref<1x101x128xi32, #tpu.memory_space<hbm>> -> memref<101x128xi32, #tpu.memory_space<hbm>>
        tpu.wait_dma2 semaphore(%run_scoped3A : memref<!tpu.dma_semaphore, #tpu.memory_space<semaphore_mem>>) src(%dma_wait3A_60 : memref<101x128xi32, #tpu.memory_space<hbm>>) dst(%arg6 : memref<101x128xi32, #tpu.memory_space<vmem>>)
        tpu.yield
      }) : () -> ()
    } else {
    }
    %scan3A = arith.constant 0 : i32
    %scan3A_7 = arith.constant 0 : i32
    %scan3A_8 = arith.constant 128 : i32
    %scan3A_9 = arith.addi %scan3A_7, %scan3A_8 : i32
    %scan3A_10 = arith.constant 1 : i32
    scf.for %scan3A_47 = %scan3A_7 to %scan3A_9 step %scan3A_10  : i32 {
      %broadcast_in_dim3A = arith.constant 0.000000e+00 : f32
      %broadcast_in_dim3A_48 = vector.broadcast %broadcast_in_dim3A : f32 to vector<16xf32>
      %swap3A = arith.index_cast %scan3A_47 : i32 to index
      %swap3A_49 = arith.constant 0 : index
      %swap3A_50 = tpu.vector_load %arg9[%swap3A, %swap3A_49] {strides = array<i32>} : memref<128x128xf32, #tpu.memory_space<vmem>>, vector<1x16xf32>,
      %swap3A_51 = vector.shape_cast %swap3A_50 : vector<1x16xf32> to vector<16xf32>
      %swap3A_52 = vector.shape_cast %broadcast_in_dim3A_48 : vector<16xf32> to vector<1x16xf32>
      tpu.vector_store %arg9[%swap3A, %swap3A_49], %swap3A_52 {strides = array<i32>} : memref<128x128xf32, #tpu.memory_space<vmem>>, vector<1x16xf32>,
      %broadcast_in_dim3A_53 = arith.constant 0.000000e+00 : f32
      %broadcast_in_dim3A_54 = vector.broadcast %broadcast_in_dim3A_53 : f32 to vector<16xf32>
      %swap3A_55 = arith.index_cast %scan3A_47 : i32 to index
      %swap3A_56 = arith.constant 16 : index
      %swap3A_57 = tpu.vector_load %arg9[%swap3A_55, %swap3A_56] {strides = array<i32>} : memref<128x128xf32, #tpu.memory_space<vmem>>, vector<1x16xf32>,
      %swap3A_58 = vector.shape_cast %swap3A_57 : vector<1x16xf32> to vector<16xf32>
      %swap3A_59 = vector.shape_cast %broadcast_in_dim3A_54 : vector<16xf32> to vector<1x16xf32>
      tpu.vector_store %arg9[%swap3A_55, %swap3A_56], %swap3A_59 {strides = array<i32>} : memref<128x128xf32, #tpu.memory_space<vmem>>, vector<1x16xf32>,
      %broadcast_in_dim3A_60 = arith.constant 0.000000e+00 : f32
      %broadcast_in_dim3A_61 = vector.broadcast %broadcast_in_dim3A_60 : f32 to vector<16xf32>
      %swap3A_62 = arith.index_cast %scan3A_47 : i32 to index
      %swap3A_63 = arith.constant 32 : index
      %swap3A_64 = tpu.vector_load %arg9[%swap3A_62, %swap3A_63] {strides = array<i32>} : memref<128x128xf32, #tpu.memory_space<vmem>>, vector<1x16xf32>,
      %swap3A_65 = vector.shape_cast %swap3A_64 : vector<1x16xf32> to vector<16xf32>
      %swap3A_66 = vector.shape_cast %broadcast_in_dim3A_61 : vector<16xf32> to vector<1x16xf32>
      tpu.vector_store %arg9[%swap3A_62, %swap3A_63], %swap3A_66 {strides = array<i32>} : memref<128x128xf32, #tpu.memory_space<vmem>>, vector<1x16xf32>,
      %broadcast_in_dim3A_67 = arith.constant 0.000000e+00 : f32
      %broadcast_in_dim3A_68 = vector.broadcast %broadcast_in_dim3A_67 : f32 to vector<16xf32>
      %swap3A_69 = arith.index_cast %scan3A_47 : i32 to index
      %swap3A_70 = arith.constant 48 : index
      %swap3A_71 = tpu.vector_load %arg9[%swap3A_69, %swap3A_70] {strides = array<i32>} : memref<128x128xf32, #tpu.memory_space<vmem>>, vector<1x16xf32>,
      %swap3A_72 = vector.shape_cast %swap3A_71 : vector<1x16xf32> to vector<16xf32>
      %swap3A_73 = vector.shape_cast %broadcast_in_dim3A_68 : vector<16xf32> to vector<1x16xf32>
      tpu.vector_store %arg9[%swap3A_69, %swap3A_70], %swap3A_73 {strides = array<i32>} : memref<128x128xf32, #tpu.memory_space<vmem>>, vector<1x16xf32>,
      %broadcast_in_dim3A_74 = arith.constant 0.000000e+00 : f32
      %broadcast_in_dim3A_75 = vector.broadcast %broadcast_in_dim3A_74 : f32 to vector<16xf32>
      %swap3A_76 = arith.index_cast %scan3A_47 : i32 to index
      %swap3A_77 = arith.constant 64 : index
      %swap3A_78 = tpu.vector_load %arg9[%swap3A_76, %swap3A_77] {strides = array<i32>} : memref<128x128xf32, #tpu.memory_space<vmem>>, vector<1x16xf32>,
      %swap3A_79 = vector.shape_cast %swap3A_78 : vector<1x16xf32> to vector<16xf32>
      %swap3A_80 = vector.shape_cast %broadcast_in_dim3A_75 : vector<16xf32> to vector<1x16xf32>
      tpu.vector_store %arg9[%swap3A_76, %swap3A_77], %swap3A_80 {strides = array<i32>} : memref<128x128xf32, #tpu.memory_space<vmem>>, vector<1x16xf32>,
      %broadcast_in_dim3A_81 = arith.constant 0.000000e+00 : f32
      %broadcast_in_dim3A_82 = vector.broadcast %broadcast_in_dim3A_81 : f32 to vector<16xf32>
      %swap3A_83 = arith.index_cast %scan3A_47 : i32 to index
      %swap3A_84 = arith.constant 80 : index
      %swap3A_85 = tpu.vector_load %arg9[%swap3A_83, %swap3A_84] {strides = array<i32>} : memref<128x128xf32, #tpu.memory_space<vmem>>, vector<1x16xf32>,
      %swap3A_86 = vector.shape_cast %swap3A_85 : vector<1x16xf32> to vector<16xf32>
      %swap3A_87 = vector.shape_cast %broadcast_in_dim3A_82 : vector<16xf32> to vector<1x16xf32>
      tpu.vector_store %arg9[%swap3A_83, %swap3A_84], %swap3A_87 {strides = array<i32>} : memref<128x128xf32, #tpu.memory_space<vmem>>, vector<1x16xf32>,
      %broadcast_in_dim3A_88 = arith.constant 0.000000e+00 : f32
      %broadcast_in_dim3A_89 = vector.broadcast %broadcast_in_dim3A_88 : f32 to vector<16xf32>
      %swap3A_90 = arith.index_cast %scan3A_47 : i32 to index
      %swap3A_91 = arith.constant 96 : index
      %swap3A_92 = tpu.vector_load %arg9[%swap3A_90, %swap3A_91] {strides = array<i32>} : memref<128x128xf32, #tpu.memory_space<vmem>>, vector<1x16xf32>,
      %swap3A_93 = vector.shape_cast %swap3A_92 : vector<1x16xf32> to vector<16xf32>
      %swap3A_94 = vector.shape_cast %broadcast_in_dim3A_89 : vector<16xf32> to vector<1x16xf32>
      tpu.vector_store %arg9[%swap3A_90, %swap3A_91], %swap3A_94 {strides = array<i32>} : memref<128x128xf32, #tpu.memory_space<vmem>>, vector<1x16xf32>,
      %broadcast_in_dim3A_95 = arith.constant 0.000000e+00 : f32
      %broadcast_in_dim3A_96 = vector.broadcast %broadcast_in_dim3A_95 : f32 to vector<16xf32>
      %swap3A_97 = arith.index_cast %scan3A_47 : i32 to index
      %swap3A_98 = arith.constant 112 : index
      %swap3A_99 = tpu.vector_load %arg9[%swap3A_97, %swap3A_98] {strides = array<i32>} : memref<128x128xf32, #tpu.memory_space<vmem>>, vector<1x16xf32>,
      %swap3A_100 = vector.shape_cast %swap3A_99 : vector<1x16xf32> to vector<16xf32>
      %swap3A_101 = vector.shape_cast %broadcast_in_dim3A_96 : vector<16xf32> to vector<1x16xf32>
      tpu.vector_store %arg9[%swap3A_97, %swap3A_98], %swap3A_101 {strides = array<i32>} : memref<128x128xf32, #tpu.memory_space<vmem>>, vector<1x16xf32>,
    }
    %scan3A_11 = arith.constant 128 : i32
    %mul3A = arith.constant 640 : i32
    %mul3A_12 = arith.muli %arg1, %mul3A : i32
    %add3A = arith.constant 0 : i32
    %add3A_13 = arith.addi %mul3A_12, %add3A : i32
    "tpu.region"() ({
      %run_scoped3A = tpu.sem_alloc : memref<!tpu.dma_semaphore, #tpu.memory_space<semaphore_mem>>
      %dma_start3A = arith.constant 0 : i32
      %dma_start3A_47 = tpu.memref_slice %arg10[%add3A_13, %dma_start3A] : memref<10240x128xf32, #tpu.memory_space<vmem_shared>> -> memref<128x128xf32, #tpu.memory_space<vmem_shared>>
      %dma_start3A_48 = arith.constant 0 : i32
      %dma_start3A_49 = tpu.memref_slice %arg10[%add3A_13, %dma_start3A_48] : memref<10240x128xf32, #tpu.memory_space<vmem_shared>> -> memref<128x128xf32, #tpu.memory_space<vmem_shared>>
      tpu.enqueue_dma source(%arg9 : memref<128x128xf32, #tpu.memory_space<vmem>>) target(%dma_start3A_49 : memref<128x128xf32, #tpu.memory_space<vmem_shared>>) target_semaphore(%run_scoped3A : memref<!tpu.dma_semaphore, #tpu.memory_space<semaphore_mem>>)
      %dma_wait3A = arith.constant 0 : i32
      %dma_wait3A_50 = tpu.memref_slice %arg10[%add3A_13, %dma_wait3A] : memref<10240x128xf32, #tpu.memory_space<vmem_shared>> -> memref<128x128xf32, #tpu.memory_space<vmem_shared>>
      %dma_wait3A_51 = arith.constant 0 : i32
      %dma_wait3A_52 = tpu.memref_slice %arg10[%add3A_13, %dma_wait3A_51] : memref<10240x128xf32, #tpu.memory_space<vmem_shared>> -> memref<128x128xf32, #tpu.memory_space<vmem_shared>>
      tpu.wait_dma2 semaphore(%run_scoped3A : memref<!tpu.dma_semaphore, #tpu.memory_space<semaphore_mem>>) src(%arg9 : memref<128x128xf32, #tpu.memory_space<vmem>>) dst(%dma_wait3A_52 : memref<128x128xf32, #tpu.memory_space<vmem_shared>>)
      tpu.yield
    }) : () -> ()
    %mul3A_14 = arith.constant 640 : i32
    %mul3A_15 = arith.muli %arg1, %mul3A_14 : i32
    %add3A_16 = arith.constant 128 : i32
    %add3A_17 = arith.addi %mul3A_15, %add3A_16 : i32
    "tpu.region"() ({
      %run_scoped3A = tpu.sem_alloc : memref<!tpu.dma_semaphore, #tpu.memory_space<semaphore_mem>>
      %dma_start3A = arith.constant 0 : i32
      %dma_start3A_47 = tpu.memref_slice %arg10[%add3A_17, %dma_start3A] : memref<10240x128xf32, #tpu.memory_space<vmem_shared>> -> memref<128x128xf32, #tpu.memory_space<vmem_shared>>
      %dma_start3A_48 = arith.constant 0 : i32
      %dma_start3A_49 = tpu.memref_slice %arg10[%add3A_17, %dma_start3A_48] : memref<10240x128xf32, #tpu.memory_space<vmem_shared>> -> memref<128x128xf32, #tpu.memory_space<vmem_shared>>
      tpu.enqueue_dma source(%arg9 : memref<128x128xf32, #tpu.memory_space<vmem>>) target(%dma_start3A_49 : memref<128x128xf32, #tpu.memory_space<vmem_shared>>) target_semaphore(%run_scoped3A : memref<!tpu.dma_semaphore, #tpu.memory_space<semaphore_mem>>)
      %dma_wait3A = arith.constant 0 : i32
      %dma_wait3A_50 = tpu.memref_slice %arg10[%add3A_17, %dma_wait3A] : memref<10240x128xf32, #tpu.memory_space<vmem_shared>> -> memref<128x128xf32, #tpu.memory_space<vmem_shared>>
      %dma_wait3A_51 = arith.constant 0 : i32
      %dma_wait3A_52 = tpu.memref_slice %arg10[%add3A_17, %dma_wait3A_51] : memref<10240x128xf32, #tpu.memory_space<vmem_shared>> -> memref<128x128xf32, #tpu.memory_space<vmem_shared>>
      tpu.wait_dma2 semaphore(%run_scoped3A : memref<!tpu.dma_semaphore, #tpu.memory_space<semaphore_mem>>) src(%arg9 : memref<128x128xf32, #tpu.memory_space<vmem>>) dst(%dma_wait3A_52 : memref<128x128xf32, #tpu.memory_space<vmem_shared>>)
      tpu.yield
    }) : () -> ()
    %mul3A_18 = arith.constant 640 : i32
    %mul3A_19 = arith.muli %arg1, %mul3A_18 : i32
    %add3A_20 = arith.constant 256 : i32
    %add3A_21 = arith.addi %mul3A_19, %add3A_20 : i32
    "tpu.region"() ({
      %run_scoped3A = tpu.sem_alloc : memref<!tpu.dma_semaphore, #tpu.memory_space<semaphore_mem>>
      %dma_start3A = arith.constant 0 : i32
      %dma_start3A_47 = tpu.memref_slice %arg10[%add3A_21, %dma_start3A] : memref<10240x128xf32, #tpu.memory_space<vmem_shared>> -> memref<128x128xf32, #tpu.memory_space<vmem_shared>>
      %dma_start3A_48 = arith.constant 0 : i32
      %dma_start3A_49 = tpu.memref_slice %arg10[%add3A_21, %dma_start3A_48] : memref<10240x128xf32, #tpu.memory_space<vmem_shared>> -> memref<128x128xf32, #tpu.memory_space<vmem_shared>>
      tpu.enqueue_dma source(%arg9 : memref<128x128xf32, #tpu.memory_space<vmem>>) target(%dma_start3A_49 : memref<128x128xf32, #tpu.memory_space<vmem_shared>>) target_semaphore(%run_scoped3A : memref<!tpu.dma_semaphore, #tpu.memory_space<semaphore_mem>>)
      %dma_wait3A = arith.constant 0 : i32
      %dma_wait3A_50 = tpu.memref_slice %arg10[%add3A_21, %dma_wait3A] : memref<10240x128xf32, #tpu.memory_space<vmem_shared>> -> memref<128x128xf32, #tpu.memory_space<vmem_shared>>
      %dma_wait3A_51 = arith.constant 0 : i32
      %dma_wait3A_52 = tpu.memref_slice %arg10[%add3A_21, %dma_wait3A_51] : memref<10240x128xf32, #tpu.memory_space<vmem_shared>> -> memref<128x128xf32, #tpu.memory_space<vmem_shared>>
      tpu.wait_dma2 semaphore(%run_scoped3A : memref<!tpu.dma_semaphore, #tpu.memory_space<semaphore_mem>>) src(%arg9 : memref<128x128xf32, #tpu.memory_space<vmem>>) dst(%dma_wait3A_52 : memref<128x128xf32, #tpu.memory_space<vmem_shared>>)
      tpu.yield
    }) : () -> ()
    %mul3A_22 = arith.constant 640 : i32
    %mul3A_23 = arith.muli %arg1, %mul3A_22 : i32
    %add3A_24 = arith.constant 384 : i32
    %add3A_25 = arith.addi %mul3A_23, %add3A_24 : i32
    "tpu.region"() ({
      %run_scoped3A = tpu.sem_alloc : memref<!tpu.dma_semaphore, #tpu.memory_space<semaphore_mem>>
      %dma_start3A = arith.constant 0 : i32
      %dma_start3A_47 = tpu.memref_slice %arg10[%add3A_25, %dma_start3A] : memref<10240x128xf32, #tpu.memory_space<vmem_shared>> -> memref<128x128xf32, #tpu.memory_space<vmem_shared>>
      %dma_start3A_48 = arith.constant 0 : i32
      %dma_start3A_49 = tpu.memref_slice %arg10[%add3A_25, %dma_start3A_48] : memref<10240x128xf32, #tpu.memory_space<vmem_shared>> -> memref<128x128xf32, #tpu.memory_space<vmem_shared>>
      tpu.enqueue_dma source(%arg9 : memref<128x128xf32, #tpu.memory_space<vmem>>) target(%dma_start3A_49 : memref<128x128xf32, #tpu.memory_space<vmem_shared>>) target_semaphore(%run_scoped3A : memref<!tpu.dma_semaphore, #tpu.memory_space<semaphore_mem>>)
      %dma_wait3A = arith.constant 0 : i32
      %dma_wait3A_50 = tpu.memref_slice %arg10[%add3A_25, %dma_wait3A] : memref<10240x128xf32, #tpu.memory_space<vmem_shared>> -> memref<128x128xf32, #tpu.memory_space<vmem_shared>>
      %dma_wait3A_51 = arith.constant 0 : i32
      %dma_wait3A_52 = tpu.memref_slice %arg10[%add3A_25, %dma_wait3A_51] : memref<10240x128xf32, #tpu.memory_space<vmem_shared>> -> memref<128x128xf32, #tpu.memory_space<vmem_shared>>
      tpu.wait_dma2 semaphore(%run_scoped3A : memref<!tpu.dma_semaphore, #tpu.memory_space<semaphore_mem>>) src(%arg9 : memref<128x128xf32, #tpu.memory_space<vmem>>) dst(%dma_wait3A_52 : memref<128x128xf32, #tpu.memory_space<vmem_shared>>)
      tpu.yield
    }) : () -> ()
    %mul3A_26 = arith.constant 640 : i32
    %mul3A_27 = arith.muli %arg1, %mul3A_26 : i32
    %add3A_28 = arith.constant 512 : i32
    %add3A_29 = arith.addi %mul3A_27, %add3A_28 : i32
    "tpu.region"() ({
      %run_scoped3A = tpu.sem_alloc : memref<!tpu.dma_semaphore, #tpu.memory_space<semaphore_mem>>
      %dma_start3A = arith.constant 0 : i32
      %dma_start3A_47 = tpu.memref_slice %arg10[%add3A_29, %dma_start3A] : memref<10240x128xf32, #tpu.memory_space<vmem_shared>> -> memref<128x128xf32, #tpu.memory_space<vmem_shared>>
      %dma_start3A_48 = arith.constant 0 : i32
      %dma_start3A_49 = tpu.memref_slice %arg10[%add3A_29, %dma_start3A_48] : memref<10240x128xf32, #tpu.memory_space<vmem_shared>> -> memref<128x128xf32, #tpu.memory_space<vmem_shared>>
      tpu.enqueue_dma source(%arg9 : memref<128x128xf32, #tpu.memory_space<vmem>>) target(%dma_start3A_49 : memref<128x128xf32, #tpu.memory_space<vmem_shared>>) target_semaphore(%run_scoped3A : memref<!tpu.dma_semaphore, #tpu.memory_space<semaphore_mem>>)
      %dma_wait3A = arith.constant 0 : i32
      %dma_wait3A_50 = tpu.memref_slice %arg10[%add3A_29, %dma_wait3A] : memref<10240x128xf32, #tpu.memory_space<vmem_shared>> -> memref<128x128xf32, #tpu.memory_space<vmem_shared>>
      %dma_wait3A_51 = arith.constant 0 : i32
      %dma_wait3A_52 = tpu.memref_slice %arg10[%add3A_29, %dma_wait3A_51] : memref<10240x128xf32, #tpu.memory_space<vmem_shared>> -> memref<128x128xf32, #tpu.memory_space<vmem_shared>>
      tpu.wait_dma2 semaphore(%run_scoped3A : memref<!tpu.dma_semaphore, #tpu.memory_space<semaphore_mem>>) src(%arg9 : memref<128x128xf32, #tpu.memory_space<vmem>>) dst(%dma_wait3A_52 : memref<128x128xf32, #tpu.memory_space<vmem_shared>>)
      tpu.yield
    }) : () -> ()
    %barrier3A = arith.constant 0 : index
    tpu.barrier barrier_id(%barrier3A)
    %eq3A_30 = arith.constant 0 : i32
    %eq3A_31 = arith.cmpi eq, %arg0, %eq3A_30 : i32
    %jit3A = arith.constant 101 : i32
    %jit3A_32 = arith.constant 61 : i32
    %select_n3A = arith.select %eq3A_31, %jit3A, %jit3A_32 : i32
    %while3A = arith.constant 0 : i32
    %while3A_33 = arith.constant 0 : i32
    %while3A_34 = arith.subi %select_n3A, %while3A_33 : i32
    %while3A_35 = arith.addi %while3A_33, %while3A_34 : i32
    %while3A_36 = arith.constant 1 : i32
    %while3A_37 = arith.divsi %while3A_34, %while3A_36 : i32
    %while3A_38 = arith.muli %while3A_37, %while3A_36 : i32
    %while3A_39 = arith.addi %while3A_33, %while3A_38 : i32
    %while3A_40 = arith.constant 1 : i32
    scf.for %while3A_47 = %while3A_33 to %while3A_39 step %while3A_40  : i32 {
      %get3A = arith.index_cast %while3A_47 : i32 to index
      %get3A_48 = arith.constant 0 : index
      %get3A_49 = tpu.vector_load %arg6[%get3A, %get3A_48] {strides = array<i32>} : memref<101x128xi32, #tpu.memory_space<vmem>>, vector<1x16xi32>,
      %get3A_50 = vector.shape_cast %get3A_49 : vector<1x16xi32> to vector<16xi32>
      %and3A = arith.constant 65535 : i32
      %and3A_51 = vector.broadcast %and3A : i32 to vector<16xi32>
      %and3A_52 = arith.andi %get3A_50, %and3A_51 : vector<16xi32>
      %swap3A = arith.constant 0 : i32
      %swap3A_53 = arith.index_cast %swap3A : i32 to index
      %swap3A_54 = arith.constant 0 : index
      %swap3A_55 = tpu.vector_load %arg7[%swap3A_53, %swap3A_54] {strides = array<i32>} : memref<1x128xi32, #tpu.memory_space<vmem>>, vector<1x16xi32>,
      %swap3A_56 = vector.shape_cast %swap3A_55 : vector<1x16xi32> to vector<16xi32>
      %swap3A_57 = vector.shape_cast %and3A_52 : vector<16xi32> to vector<1x16xi32>
      tpu.vector_store %arg7[%swap3A_53, %swap3A_54], %swap3A_57 {strides = array<i32>} : memref<1x128xi32, #tpu.memory_space<vmem>>, vector<1x16xi32>,
      %shift_right_arithmetic3A = arith.constant 16 : i32
      %shift_right_arithmetic3A_58 = vector.broadcast %shift_right_arithmetic3A : i32 to vector<16xi32>
      %shift_right_arithmetic3A_59 = arith.shrsi %get3A_50, %shift_right_arithmetic3A_58 : vector<16xi32>
      %swap3A_60 = arith.constant 0 : i32
      %swap3A_61 = arith.index_cast %swap3A_60 : i32 to index
      %swap3A_62 = arith.constant 0 : index
      %swap3A_63 = tpu.vector_load %arg8[%swap3A_61, %swap3A_62] {strides = array<i32>} : memref<1x128xi32, #tpu.memory_space<vmem>>, vector<1x16xi32>,
      %swap3A_64 = vector.shape_cast %swap3A_63 : vector<1x16xi32> to vector<16xi32>
      %swap3A_65 = vector.shape_cast %shift_right_arithmetic3A_59 : vector<16xi32> to vector<1x16xi32>
      tpu.vector_store %arg8[%swap3A_61, %swap3A_62], %swap3A_65 {strides = array<i32>} : memref<1x128xi32, #tpu.memory_space<vmem>>, vector<1x16xi32>,
      %get3A_66 = arith.index_cast %while3A_47 : i32 to index
      %get3A_67 = arith.constant 16 : index
      %get3A_68 = tpu.vector_load %arg6[%get3A_66, %get3A_67] {strides = array<i32>} : memref<101x128xi32, #tpu.memory_space<vmem>>, vector<1x16xi32>,
      %get3A_69 = vector.shape_cast %get3A_68 : vector<1x16xi32> to vector<16xi32>
      %and3A_70 = arith.constant 65535 : i32
      %and3A_71 = vector.broadcast %and3A_70 : i32 to vector<16xi32>
      %and3A_72 = arith.andi %get3A_69, %and3A_71 : vector<16xi32>
      %swap3A_73 = arith.constant 0 : i32
      %swap3A_74 = arith.index_cast %swap3A_73 : i32 to index
      %swap3A_75 = arith.constant 16 : index
      %swap3A_76 = tpu.vector_load %arg7[%swap3A_74, %swap3A_75] {strides = array<i32>} : memref<1x128xi32, #tpu.memory_space<vmem>>, vector<1x16xi32>,
      %swap3A_77 = vector.shape_cast %swap3A_76 : vector<1x16xi32> to vector<16xi32>
      %swap3A_78 = vector.shape_cast %and3A_72 : vector<16xi32> to vector<1x16xi32>
      tpu.vector_store %arg7[%swap3A_74, %swap3A_75], %swap3A_78 {strides = array<i32>} : memref<1x128xi32, #tpu.memory_space<vmem>>, vector<1x16xi32>,
      %shift_right_arithmetic3A_79 = arith.constant 16 : i32
      %shift_right_arithmetic3A_80 = vector.broadcast %shift_right_arithmetic3A_79 : i32 to vector<16xi32>
      %shift_right_arithmetic3A_81 = arith.shrsi %get3A_69, %shift_right_arithmetic3A_80 : vector<16xi32>
      %swap3A_82 = arith.constant 0 : i32
      %swap3A_83 = arith.index_cast %swap3A_82 : i32 to index
      %swap3A_84 = arith.constant 16 : index
      %swap3A_85 = tpu.vector_load %arg8[%swap3A_83, %swap3A_84] {strides = array<i32>} : memref<1x128xi32, #tpu.memory_space<vmem>>, vector<1x16xi32>,
      %swap3A_86 = vector.shape_cast %swap3A_85 : vector<1x16xi32> to vector<16xi32>
      %swap3A_87 = vector.shape_cast %shift_right_arithmetic3A_81 : vector<16xi32> to vector<1x16xi32>
      tpu.vector_store %arg8[%swap3A_83, %swap3A_84], %swap3A_87 {strides = array<i32>} : memref<1x128xi32, #tpu.memory_space<vmem>>, vector<1x16xi32>,
      %get3A_88 = arith.index_cast %while3A_47 : i32 to index
      %get3A_89 = arith.constant 32 : index
      %get3A_90 = tpu.vector_load %arg6[%get3A_88, %get3A_89] {strides = array<i32>} : memref<101x128xi32, #tpu.memory_space<vmem>>, vector<1x16xi32>,
      %get3A_91 = vector.shape_cast %get3A_90 : vector<1x16xi32> to vector<16xi32>
      %and3A_92 = arith.constant 65535 : i32
      %and3A_93 = vector.broadcast %and3A_92 : i32 to vector<16xi32>
      %and3A_94 = arith.andi %get3A_91, %and3A_93 : vector<16xi32>
      %swap3A_95 = arith.constant 0 : i32
      %swap3A_96 = arith.index_cast %swap3A_95 : i32 to index
      %swap3A_97 = arith.constant 32 : index
      %swap3A_98 = tpu.vector_load %arg7[%swap3A_96, %swap3A_97] {strides = array<i32>} : memref<1x128xi32, #tpu.memory_space<vmem>>, vector<1x16xi32>,
      %swap3A_99 = vector.shape_cast %swap3A_98 : vector<1x16xi32> to vector<16xi32>
      %swap3A_100 = vector.shape_cast %and3A_94 : vector<16xi32> to vector<1x16xi32>
      tpu.vector_store %arg7[%swap3A_96, %swap3A_97], %swap3A_100 {strides = array<i32>} : memref<1x128xi32, #tpu.memory_space<vmem>>, vector<1x16xi32>,
      %shift_right_arithmetic3A_101 = arith.constant 16 : i32
      %shift_right_arithmetic3A_102 = vector.broadcast %shift_right_arithmetic3A_101 : i32 to vector<16xi32>
      %shift_right_arithmetic3A_103 = arith.shrsi %get3A_91, %shift_right_arithmetic3A_102 : vector<16xi32>
      %swap3A_104 = arith.constant 0 : i32
      %swap3A_105 = arith.index_cast %swap3A_104 : i32 to index
      %swap3A_106 = arith.constant 32 : index
      %swap3A_107 = tpu.vector_load %arg8[%swap3A_105, %swap3A_106] {strides = array<i32>} : memref<1x128xi32, #tpu.memory_space<vmem>>, vector<1x16xi32>,
      %swap3A_108 = vector.shape_cast %swap3A_107 : vector<1x16xi32> to vector<16xi32>
      %swap3A_109 = vector.shape_cast %shift_right_arithmetic3A_103 : vector<16xi32> to vector<1x16xi32>
      tpu.vector_store %arg8[%swap3A_105, %swap3A_106], %swap3A_109 {strides = array<i32>} : memref<1x128xi32, #tpu.memory_space<vmem>>, vector<1x16xi32>,
      %get3A_110 = arith.index_cast %while3A_47 : i32 to index
      %get3A_111 = arith.constant 48 : index
      %get3A_112 = tpu.vector_load %arg6[%get3A_110, %get3A_111] {strides = array<i32>} : memref<101x128xi32, #tpu.memory_space<vmem>>, vector<1x16xi32>,
      %get3A_113 = vector.shape_cast %get3A_112 : vector<1x16xi32> to vector<16xi32>
      %and3A_114 = arith.constant 65535 : i32
      %and3A_115 = vector.broadcast %and3A_114 : i32 to vector<16xi32>
      %and3A_116 = arith.andi %get3A_113, %and3A_115 : vector<16xi32>
      %swap3A_117 = arith.constant 0 : i32
      %swap3A_118 = arith.index_cast %swap3A_117 : i32 to index
      %swap3A_119 = arith.constant 48 : index
      %swap3A_120 = tpu.vector_load %arg7[%swap3A_118, %swap3A_119] {strides = array<i32>} : memref<1x128xi32, #tpu.memory_space<vmem>>, vector<1x16xi32>,
      %swap3A_121 = vector.shape_cast %swap3A_120 : vector<1x16xi32> to vector<16xi32>
      %swap3A_122 = vector.shape_cast %and3A_116 : vector<16xi32> to vector<1x16xi32>
      tpu.vector_store %arg7[%swap3A_118, %swap3A_119], %swap3A_122 {strides = array<i32>} : memref<1x128xi32, #tpu.memory_space<vmem>>, vector<1x16xi32>,
      %shift_right_arithmetic3A_123 = arith.constant 16 : i32
      %shift_right_arithmetic3A_124 = vector.broadcast %shift_right_arithmetic3A_123 : i32 to vector<16xi32>
      %shift_right_arithmetic3A_125 = arith.shrsi %get3A_113, %shift_right_arithmetic3A_124 : vector<16xi32>
      %swap3A_126 = arith.constant 0 : i32
      %swap3A_127 = arith.index_cast %swap3A_126 : i32 to index
      %swap3A_128 = arith.constant 48 : index
      %swap3A_129 = tpu.vector_load %arg8[%swap3A_127, %swap3A_128] {strides = array<i32>} : memref<1x128xi32, #tpu.memory_space<vmem>>, vector<1x16xi32>,
      %swap3A_130 = vector.shape_cast %swap3A_129 : vector<1x16xi32> to vector<16xi32>
      %swap3A_131 = vector.shape_cast %shift_right_arithmetic3A_125 : vector<16xi32> to vector<1x16xi32>
      tpu.vector_store %arg8[%swap3A_127, %swap3A_128], %swap3A_131 {strides = array<i32>} : memref<1x128xi32, #tpu.memory_space<vmem>>, vector<1x16xi32>,
      %get3A_132 = arith.index_cast %while3A_47 : i32 to index
      %get3A_133 = arith.constant 64 : index
      %get3A_134 = tpu.vector_load %arg6[%get3A_132, %get3A_133] {strides = array<i32>} : memref<101x128xi32, #tpu.memory_space<vmem>>, vector<1x16xi32>,
      %get3A_135 = vector.shape_cast %get3A_134 : vector<1x16xi32> to vector<16xi32>
      %and3A_136 = arith.constant 65535 : i32
      %and3A_137 = vector.broadcast %and3A_136 : i32 to vector<16xi32>
      %and3A_138 = arith.andi %get3A_135, %and3A_137 : vector<16xi32>
      %swap3A_139 = arith.constant 0 : i32
      %swap3A_140 = arith.index_cast %swap3A_139 : i32 to index
      %swap3A_141 = arith.constant 64 : index
      %swap3A_142 = tpu.vector_load %arg7[%swap3A_140, %swap3A_141] {strides = array<i32>} : memref<1x128xi32, #tpu.memory_space<vmem>>, vector<1x16xi32>,
      %swap3A_143 = vector.shape_cast %swap3A_142 : vector<1x16xi32> to vector<16xi32>
      %swap3A_144 = vector.shape_cast %and3A_138 : vector<16xi32> to vector<1x16xi32>
      tpu.vector_store %arg7[%swap3A_140, %swap3A_141], %swap3A_144 {strides = array<i32>} : memref<1x128xi32, #tpu.memory_space<vmem>>, vector<1x16xi32>,
      %shift_right_arithmetic3A_145 = arith.constant 16 : i32
      %shift_right_arithmetic3A_146 = vector.broadcast %shift_right_arithmetic3A_145 : i32 to vector<16xi32>
      %shift_right_arithmetic3A_147 = arith.shrsi %get3A_135, %shift_right_arithmetic3A_146 : vector<16xi32>
      %swap3A_148 = arith.constant 0 : i32
      %swap3A_149 = arith.index_cast %swap3A_148 : i32 to index
      %swap3A_150 = arith.constant 64 : index
      %swap3A_151 = tpu.vector_load %arg8[%swap3A_149, %swap3A_150] {strides = array<i32>} : memref<1x128xi32, #tpu.memory_space<vmem>>, vector<1x16xi32>,
      %swap3A_152 = vector.shape_cast %swap3A_151 : vector<1x16xi32> to vector<16xi32>
      %swap3A_153 = vector.shape_cast %shift_right_arithmetic3A_147 : vector<16xi32> to vector<1x16xi32>
      tpu.vector_store %arg8[%swap3A_149, %swap3A_150], %swap3A_153 {strides = array<i32>} : memref<1x128xi32, #tpu.memory_space<vmem>>, vector<1x16xi32>,
      %get3A_154 = arith.index_cast %while3A_47 : i32 to index
      %get3A_155 = arith.constant 80 : index
      %get3A_156 = tpu.vector_load %arg6[%get3A_154, %get3A_155] {strides = array<i32>} : memref<101x128xi32, #tpu.memory_space<vmem>>, vector<1x16xi32>,
      %get3A_157 = vector.shape_cast %get3A_156 : vector<1x16xi32> to vector<16xi32>
      %and3A_158 = arith.constant 65535 : i32
      %and3A_159 = vector.broadcast %and3A_158 : i32 to vector<16xi32>
      %and3A_160 = arith.andi %get3A_157, %and3A_159 : vector<16xi32>
      %swap3A_161 = arith.constant 0 : i32
      %swap3A_162 = arith.index_cast %swap3A_161 : i32 to index
      %swap3A_163 = arith.constant 80 : index
      %swap3A_164 = tpu.vector_load %arg7[%swap3A_162, %swap3A_163] {strides = array<i32>} : memref<1x128xi32, #tpu.memory_space<vmem>>, vector<1x16xi32>,
      %swap3A_165 = vector.shape_cast %swap3A_164 : vector<1x16xi32> to vector<16xi32>
      %swap3A_166 = vector.shape_cast %and3A_160 : vector<16xi32> to vector<1x16xi32>
      tpu.vector_store %arg7[%swap3A_162, %swap3A_163], %swap3A_166 {strides = array<i32>} : memref<1x128xi32, #tpu.memory_space<vmem>>, vector<1x16xi32>,
      %shift_right_arithmetic3A_167 = arith.constant 16 : i32
      %shift_right_arithmetic3A_168 = vector.broadcast %shift_right_arithmetic3A_167 : i32 to vector<16xi32>
      %shift_right_arithmetic3A_169 = arith.shrsi %get3A_157, %shift_right_arithmetic3A_168 : vector<16xi32>
      %swap3A_170 = arith.constant 0 : i32
      %swap3A_171 = arith.index_cast %swap3A_170 : i32 to index
      %swap3A_172 = arith.constant 80 : index
      %swap3A_173 = tpu.vector_load %arg8[%swap3A_171, %swap3A_172] {strides = array<i32>} : memref<1x128xi32, #tpu.memory_space<vmem>>, vector<1x16xi32>,
      %swap3A_174 = vector.shape_cast %swap3A_173 : vector<1x16xi32> to vector<16xi32>
      %swap3A_175 = vector.shape_cast %shift_right_arithmetic3A_169 : vector<16xi32> to vector<1x16xi32>
      tpu.vector_store %arg8[%swap3A_171, %swap3A_172], %swap3A_175 {strides = array<i32>} : memref<1x128xi32, #tpu.memory_space<vmem>>, vector<1x16xi32>,
      %get3A_176 = arith.index_cast %while3A_47 : i32 to index
      %get3A_177 = arith.constant 96 : index
      %get3A_178 = tpu.vector_load %arg6[%get3A_176, %get3A_177] {strides = array<i32>} : memref<101x128xi32, #tpu.memory_space<vmem>>, vector<1x16xi32>,
      %get3A_179 = vector.shape_cast %get3A_178 : vector<1x16xi32> to vector<16xi32>
      %and3A_180 = arith.constant 65535 : i32
      %and3A_181 = vector.broadcast %and3A_180 : i32 to vector<16xi32>
      %and3A_182 = arith.andi %get3A_179, %and3A_181 : vector<16xi32>
      %swap3A_183 = arith.constant 0 : i32
      %swap3A_184 = arith.index_cast %swap3A_183 : i32 to index
      %swap3A_185 = arith.constant 96 : index
      %swap3A_186 = tpu.vector_load %arg7[%swap3A_184, %swap3A_185] {strides = array<i32>} : memref<1x128xi32, #tpu.memory_space<vmem>>, vector<1x16xi32>,
      %swap3A_187 = vector.shape_cast %swap3A_186 : vector<1x16xi32> to vector<16xi32>
      %swap3A_188 = vector.shape_cast %and3A_182 : vector<16xi32> to vector<1x16xi32>
      tpu.vector_store %arg7[%swap3A_184, %swap3A_185], %swap3A_188 {strides = array<i32>} : memref<1x128xi32, #tpu.memory_space<vmem>>, vector<1x16xi32>,
      %shift_right_arithmetic3A_189 = arith.constant 16 : i32
      %shift_right_arithmetic3A_190 = vector.broadcast %shift_right_arithmetic3A_189 : i32 to vector<16xi32>
      %shift_right_arithmetic3A_191 = arith.shrsi %get3A_179, %shift_right_arithmetic3A_190 : vector<16xi32>
      %swap3A_192 = arith.constant 0 : i32
      %swap3A_193 = arith.index_cast %swap3A_192 : i32 to index
      %swap3A_194 = arith.constant 96 : index
      %swap3A_195 = tpu.vector_load %arg8[%swap3A_193, %swap3A_194] {strides = array<i32>} : memref<1x128xi32, #tpu.memory_space<vmem>>, vector<1x16xi32>,
      %swap3A_196 = vector.shape_cast %swap3A_195 : vector<1x16xi32> to vector<16xi32>
      %swap3A_197 = vector.shape_cast %shift_right_arithmetic3A_191 : vector<16xi32> to vector<1x16xi32>
      tpu.vector_store %arg8[%swap3A_193, %swap3A_194], %swap3A_197 {strides = array<i32>} : memref<1x128xi32, #tpu.memory_space<vmem>>, vector<1x16xi32>,
      %get3A_198 = arith.index_cast %while3A_47 : i32 to index
      %get3A_199 = arith.constant 112 : index
      %get3A_200 = tpu.vector_load %arg6[%get3A_198, %get3A_199] {strides = array<i32>} : memref<101x128xi32, #tpu.memory_space<vmem>>, vector<1x16xi32>,
      %get3A_201 = vector.shape_cast %get3A_200 : vector<1x16xi32> to vector<16xi32>
      %and3A_202 = arith.constant 65535 : i32
      %and3A_203 = vector.broadcast %and3A_202 : i32 to vector<16xi32>
      %and3A_204 = arith.andi %get3A_201, %and3A_203 : vector<16xi32>
      %swap3A_205 = arith.constant 0 : i32
      %swap3A_206 = arith.index_cast %swap3A_205 : i32 to index
      %swap3A_207 = arith.constant 112 : index
      %swap3A_208 = tpu.vector_load %arg7[%swap3A_206, %swap3A_207] {strides = array<i32>} : memref<1x128xi32, #tpu.memory_space<vmem>>, vector<1x16xi32>,
      %swap3A_209 = vector.shape_cast %swap3A_208 : vector<1x16xi32> to vector<16xi32>
      %swap3A_210 = vector.shape_cast %and3A_204 : vector<16xi32> to vector<1x16xi32>
      tpu.vector_store %arg7[%swap3A_206, %swap3A_207], %swap3A_210 {strides = array<i32>} : memref<1x128xi32, #tpu.memory_space<vmem>>, vector<1x16xi32>,
      %shift_right_arithmetic3A_211 = arith.constant 16 : i32
      %shift_right_arithmetic3A_212 = vector.broadcast %shift_right_arithmetic3A_211 : i32 to vector<16xi32>
      %shift_right_arithmetic3A_213 = arith.shrsi %get3A_201, %shift_right_arithmetic3A_212 : vector<16xi32>
      %swap3A_214 = arith.constant 0 : i32
      %swap3A_215 = arith.index_cast %swap3A_214 : i32 to index
      %swap3A_216 = arith.constant 112 : index
      %swap3A_217 = tpu.vector_load %arg8[%swap3A_215, %swap3A_216] {strides = array<i32>} : memref<1x128xi32, #tpu.memory_space<vmem>>, vector<1x16xi32>,
      %swap3A_218 = vector.shape_cast %swap3A_217 : vector<1x16xi32> to vector<16xi32>
      %swap3A_219 = vector.shape_cast %shift_right_arithmetic3A_213 : vector<16xi32> to vector<1x16xi32>
      tpu.vector_store %arg8[%swap3A_215, %swap3A_216], %swap3A_219 {strides = array<i32>} : memref<1x128xi32, #tpu.memory_space<vmem>>, vector<1x16xi32>,
      %dma_start3A = arith.constant 0 : i32
      %dma_start3A_220 = arith.constant 0 : i32
      %dma_start3A_221 = tpu.memref_slice %arg7[%dma_start3A, %dma_start3A_220] : memref<1x128xi32, #tpu.memory_space<vmem>> -> memref<1x128xi32, #tpu.memory_space<vmem>>
      %dma_start3A_222 = tpu.memref_squeeze %dma_start3A_221 : memref<1x128xi32, #tpu.memory_space<vmem>> -> memref<128xi32, #tpu.memory_space<vmem>>
      %dma_start3A_223 = arith.constant 0 : i32
      %dma_start3A_224 = arith.constant 0 : i32
      %dma_start3A_225 = tpu.memref_slice %arg2[%dma_start3A_223, %dma_start3A_224] : memref<10000x128xf32, #tpu.memory_space<hbm>> -> memref<10000x128xf32, #tpu.memory_space<hbm>>
      tpu.enqueue_indirect_dma source(%dma_start3A_225 : memref<10000x128xf32, #tpu.memory_space<hbm>>) target(%arg9 : memref<128x128xf32, #tpu.memory_space<vmem>>) offsets(%dma_start3A_222 : memref<128xi32, #tpu.memory_space<vmem>>) semaphore(%arg11 : memref<!tpu.dma_semaphore, #tpu.memory_space<semaphore_mem>>)
      %dma_wait3A = arith.constant 0 : i32
      %dma_wait3A_226 = arith.constant 0 : i32
      %dma_wait3A_227 = tpu.memref_slice %arg7[%dma_wait3A, %dma_wait3A_226] : memref<1x128xi32, #tpu.memory_space<vmem>> -> memref<1x128xi32, #tpu.memory_space<vmem>>
      %dma_wait3A_228 = tpu.memref_squeeze %dma_wait3A_227 : memref<1x128xi32, #tpu.memory_space<vmem>> -> memref<128xi32, #tpu.memory_space<vmem>>
      %dma_wait3A_229 = arith.constant 0 : i32
      %dma_wait3A_230 = arith.constant 0 : i32
      %dma_wait3A_231 = tpu.memref_slice %arg2[%dma_wait3A_229, %dma_wait3A_230] : memref<10000x128xf32, #tpu.memory_space<hbm>> -> memref<10000x128xf32, #tpu.memory_space<hbm>>
      tpu.wait_indirect_dma semaphore(%arg11 : memref<!tpu.dma_semaphore, #tpu.memory_space<semaphore_mem>>) src(%dma_wait3A_231 : memref<10000x128xf32, #tpu.memory_space<hbm>>) dst(%arg9 : memref<128x128xf32, #tpu.memory_space<vmem>>)
      %run_scoped3A = arith.constant 0 : i32
      "tpu.region"() ({
        %run_scoped3A_232 = tpu.sem_alloc : memref<!tpu.dma_semaphore, #tpu.memory_space<semaphore_mem>>
        %dma_start3A_233 = arith.constant 0 : i32
        %dma_start3A_234 = tpu.memref_slice %arg8[%run_scoped3A, %dma_start3A_233] : memref<1x128xi32, #tpu.memory_space<vmem>> -> memref<1x128xi32, #tpu.memory_space<vmem>>
        %dma_start3A_235 = tpu.memref_squeeze %dma_start3A_234 : memref<1x128xi32, #tpu.memory_space<vmem>> -> memref<128xi32, #tpu.memory_space<vmem>>
        %dma_start3A_236 = arith.constant 0 : i32
        %dma_start3A_237 = arith.constant 0 : i32
        %dma_start3A_238 = tpu.memref_slice %arg10[%dma_start3A_236, %dma_start3A_237] : memref<10240x128xf32, #tpu.memory_space<vmem_shared>> -> memref<10240x128xf32, #tpu.memory_space<vmem_shared>>
        tpu.enqueue_indirect_dma source(%arg9 : memref<128x128xf32, #tpu.memory_space<vmem>>) target(%dma_start3A_238 : memref<10240x128xf32, #tpu.memory_space<vmem_shared>>) offsets(%dma_start3A_235 : memref<128xi32, #tpu.memory_space<vmem>>) semaphore(%run_scoped3A_232 : memref<!tpu.dma_semaphore, #tpu.memory_space<semaphore_mem>>) {add = true}
        %dma_wait3A_239 = arith.constant 0 : i32
        %dma_wait3A_240 = tpu.memref_slice %arg8[%run_scoped3A, %dma_wait3A_239] : memref<1x128xi32, #tpu.memory_space<vmem>> -> memref<1x128xi32, #tpu.memory_space<vmem>>
        %dma_wait3A_241 = tpu.memref_squeeze %dma_wait3A_240 : memref<1x128xi32, #tpu.memory_space<vmem>> -> memref<128xi32, #tpu.memory_space<vmem>>
        %dma_wait3A_242 = arith.constant 0 : i32
        %dma_wait3A_243 = arith.constant 0 : i32
        %dma_wait3A_244 = tpu.memref_slice %arg10[%dma_wait3A_242, %dma_wait3A_243] : memref<10240x128xf32, #tpu.memory_space<vmem_shared>> -> memref<10240x128xf32, #tpu.memory_space<vmem_shared>>
        tpu.wait_indirect_dma semaphore(%run_scoped3A_232 : memref<!tpu.dma_semaphore, #tpu.memory_space<semaphore_mem>>) src(%arg9 : memref<128x128xf32, #tpu.memory_space<vmem>>) dst(%dma_wait3A_244 : memref<10240x128xf32, #tpu.memory_space<vmem_shared>>)
        tpu.yield
      }) : () -> ()
    }
    %while3A_41 = arith.constant 1 : i32
    scf.for %while3A_47 = %while3A_39 to %while3A_35 step %while3A_41  : i32 {
      %get3A = arith.index_cast %while3A_47 : i32 to index
      %get3A_48 = arith.constant 0 : index
      %get3A_49 = tpu.vector_load %arg6[%get3A, %get3A_48] {strides = array<i32>} : memref<101x128xi32, #tpu.memory_space<vmem>>, vector<1x16xi32>,
      %get3A_50 = vector.shape_cast %get3A_49 : vector<1x16xi32> to vector<16xi32>
      %and3A = arith.constant 65535 : i32
      %and3A_51 = vector.broadcast %and3A : i32 to vector<16xi32>
      %and3A_52 = arith.andi %get3A_50, %and3A_51 : vector<16xi32>
      %swap3A = arith.constant 0 : i32
      %swap3A_53 = arith.index_cast %swap3A : i32 to index
      %swap3A_54 = arith.constant 0 : index
      %swap3A_55 = tpu.vector_load %arg7[%swap3A_53, %swap3A_54] {strides = array<i32>} : memref<1x128xi32, #tpu.memory_space<vmem>>, vector<1x16xi32>,
      %swap3A_56 = vector.shape_cast %swap3A_55 : vector<1x16xi32> to vector<16xi32>
      %swap3A_57 = vector.shape_cast %and3A_52 : vector<16xi32> to vector<1x16xi32>
      tpu.vector_store %arg7[%swap3A_53, %swap3A_54], %swap3A_57 {strides = array<i32>} : memref<1x128xi32, #tpu.memory_space<vmem>>, vector<1x16xi32>,
      %shift_right_arithmetic3A = arith.constant 16 : i32
      %shift_right_arithmetic3A_58 = vector.broadcast %shift_right_arithmetic3A : i32 to vector<16xi32>
      %shift_right_arithmetic3A_59 = arith.shrsi %get3A_50, %shift_right_arithmetic3A_58 : vector<16xi32>
      %swap3A_60 = arith.constant 0 : i32
      %swap3A_61 = arith.index_cast %swap3A_60 : i32 to index
      %swap3A_62 = arith.constant 0 : index
      %swap3A_63 = tpu.vector_load %arg8[%swap3A_61, %swap3A_62] {strides = array<i32>} : memref<1x128xi32, #tpu.memory_space<vmem>>, vector<1x16xi32>,
      %swap3A_64 = vector.shape_cast %swap3A_63 : vector<1x16xi32> to vector<16xi32>
      %swap3A_65 = vector.shape_cast %shift_right_arithmetic3A_59 : vector<16xi32> to vector<1x16xi32>
      tpu.vector_store %arg8[%swap3A_61, %swap3A_62], %swap3A_65 {strides = array<i32>} : memref<1x128xi32, #tpu.memory_space<vmem>>, vector<1x16xi32>,
      %get3A_66 = arith.index_cast %while3A_47 : i32 to index
      %get3A_67 = arith.constant 16 : index
      %get3A_68 = tpu.vector_load %arg6[%get3A_66, %get3A_67] {strides = array<i32>} : memref<101x128xi32, #tpu.memory_space<vmem>>, vector<1x16xi32>,
      %get3A_69 = vector.shape_cast %get3A_68 : vector<1x16xi32> to vector<16xi32>
      %and3A_70 = arith.constant 65535 : i32
      %and3A_71 = vector.broadcast %and3A_70 : i32 to vector<16xi32>
      %and3A_72 = arith.andi %get3A_69, %and3A_71 : vector<16xi32>
      %swap3A_73 = arith.constant 0 : i32
      %swap3A_74 = arith.index_cast %swap3A_73 : i32 to index
      %swap3A_75 = arith.constant 16 : index
      %swap3A_76 = tpu.vector_load %arg7[%swap3A_74, %swap3A_75] {strides = array<i32>} : memref<1x128xi32, #tpu.memory_space<vmem>>, vector<1x16xi32>,
      %swap3A_77 = vector.shape_cast %swap3A_76 : vector<1x16xi32> to vector<16xi32>
      %swap3A_78 = vector.shape_cast %and3A_72 : vector<16xi32> to vector<1x16xi32>
      tpu.vector_store %arg7[%swap3A_74, %swap3A_75], %swap3A_78 {strides = array<i32>} : memref<1x128xi32, #tpu.memory_space<vmem>>, vector<1x16xi32>,
      %shift_right_arithmetic3A_79 = arith.constant 16 : i32
      %shift_right_arithmetic3A_80 = vector.broadcast %shift_right_arithmetic3A_79 : i32 to vector<16xi32>
      %shift_right_arithmetic3A_81 = arith.shrsi %get3A_69, %shift_right_arithmetic3A_80 : vector<16xi32>
      %swap3A_82 = arith.constant 0 : i32
      %swap3A_83 = arith.index_cast %swap3A_82 : i32 to index
      %swap3A_84 = arith.constant 16 : index
      %swap3A_85 = tpu.vector_load %arg8[%swap3A_83, %swap3A_84] {strides = array<i32>} : memref<1x128xi32, #tpu.memory_space<vmem>>, vector<1x16xi32>,
      %swap3A_86 = vector.shape_cast %swap3A_85 : vector<1x16xi32> to vector<16xi32>
      %swap3A_87 = vector.shape_cast %shift_right_arithmetic3A_81 : vector<16xi32> to vector<1x16xi32>
      tpu.vector_store %arg8[%swap3A_83, %swap3A_84], %swap3A_87 {strides = array<i32>} : memref<1x128xi32, #tpu.memory_space<vmem>>, vector<1x16xi32>,
      %get3A_88 = arith.index_cast %while3A_47 : i32 to index
      %get3A_89 = arith.constant 32 : index
      %get3A_90 = tpu.vector_load %arg6[%get3A_88, %get3A_89] {strides = array<i32>} : memref<101x128xi32, #tpu.memory_space<vmem>>, vector<1x16xi32>,
      %get3A_91 = vector.shape_cast %get3A_90 : vector<1x16xi32> to vector<16xi32>
      %and3A_92 = arith.constant 65535 : i32
      %and3A_93 = vector.broadcast %and3A_92 : i32 to vector<16xi32>
      %and3A_94 = arith.andi %get3A_91, %and3A_93 : vector<16xi32>
      %swap3A_95 = arith.constant 0 : i32
      %swap3A_96 = arith.index_cast %swap3A_95 : i32 to index
      %swap3A_97 = arith.constant 32 : index
      %swap3A_98 = tpu.vector_load %arg7[%swap3A_96, %swap3A_97] {strides = array<i32>} : memref<1x128xi32, #tpu.memory_space<vmem>>, vector<1x16xi32>,
      %swap3A_99 = vector.shape_cast %swap3A_98 : vector<1x16xi32> to vector<16xi32>
      %swap3A_100 = vector.shape_cast %and3A_94 : vector<16xi32> to vector<1x16xi32>
      tpu.vector_store %arg7[%swap3A_96, %swap3A_97], %swap3A_100 {strides = array<i32>} : memref<1x128xi32, #tpu.memory_space<vmem>>, vector<1x16xi32>,
      %shift_right_arithmetic3A_101 = arith.constant 16 : i32
      %shift_right_arithmetic3A_102 = vector.broadcast %shift_right_arithmetic3A_101 : i32 to vector<16xi32>
      %shift_right_arithmetic3A_103 = arith.shrsi %get3A_91, %shift_right_arithmetic3A_102 : vector<16xi32>
      %swap3A_104 = arith.constant 0 : i32
      %swap3A_105 = arith.index_cast %swap3A_104 : i32 to index
      %swap3A_106 = arith.constant 32 : index
      %swap3A_107 = tpu.vector_load %arg8[%swap3A_105, %swap3A_106] {strides = array<i32>} : memref<1x128xi32, #tpu.memory_space<vmem>>, vector<1x16xi32>,
      %swap3A_108 = vector.shape_cast %swap3A_107 : vector<1x16xi32> to vector<16xi32>
      %swap3A_109 = vector.shape_cast %shift_right_arithmetic3A_103 : vector<16xi32> to vector<1x16xi32>
      tpu.vector_store %arg8[%swap3A_105, %swap3A_106], %swap3A_109 {strides = array<i32>} : memref<1x128xi32, #tpu.memory_space<vmem>>, vector<1x16xi32>,
      %get3A_110 = arith.index_cast %while3A_47 : i32 to index
      %get3A_111 = arith.constant 48 : index
      %get3A_112 = tpu.vector_load %arg6[%get3A_110, %get3A_111] {strides = array<i32>} : memref<101x128xi32, #tpu.memory_space<vmem>>, vector<1x16xi32>,
      %get3A_113 = vector.shape_cast %get3A_112 : vector<1x16xi32> to vector<16xi32>
      %and3A_114 = arith.constant 65535 : i32
      %and3A_115 = vector.broadcast %and3A_114 : i32 to vector<16xi32>
      %and3A_116 = arith.andi %get3A_113, %and3A_115 : vector<16xi32>
      %swap3A_117 = arith.constant 0 : i32
      %swap3A_118 = arith.index_cast %swap3A_117 : i32 to index
      %swap3A_119 = arith.constant 48 : index
      %swap3A_120 = tpu.vector_load %arg7[%swap3A_118, %swap3A_119] {strides = array<i32>} : memref<1x128xi32, #tpu.memory_space<vmem>>, vector<1x16xi32>,
      %swap3A_121 = vector.shape_cast %swap3A_120 : vector<1x16xi32> to vector<16xi32>
      %swap3A_122 = vector.shape_cast %and3A_116 : vector<16xi32> to vector<1x16xi32>
      tpu.vector_store %arg7[%swap3A_118, %swap3A_119], %swap3A_122 {strides = array<i32>} : memref<1x128xi32, #tpu.memory_space<vmem>>, vector<1x16xi32>,
      %shift_right_arithmetic3A_123 = arith.constant 16 : i32
      %shift_right_arithmetic3A_124 = vector.broadcast %shift_right_arithmetic3A_123 : i32 to vector<16xi32>
      %shift_right_arithmetic3A_125 = arith.shrsi %get3A_113, %shift_right_arithmetic3A_124 : vector<16xi32>
      %swap3A_126 = arith.constant 0 : i32
      %swap3A_127 = arith.index_cast %swap3A_126 : i32 to index
      %swap3A_128 = arith.constant 48 : index
      %swap3A_129 = tpu.vector_load %arg8[%swap3A_127, %swap3A_128] {strides = array<i32>} : memref<1x128xi32, #tpu.memory_space<vmem>>, vector<1x16xi32>,
      %swap3A_130 = vector.shape_cast %swap3A_129 : vector<1x16xi32> to vector<16xi32>
      %swap3A_131 = vector.shape_cast %shift_right_arithmetic3A_125 : vector<16xi32> to vector<1x16xi32>
      tpu.vector_store %arg8[%swap3A_127, %swap3A_128], %swap3A_131 {strides = array<i32>} : memref<1x128xi32, #tpu.memory_space<vmem>>, vector<1x16xi32>,
      %get3A_132 = arith.index_cast %while3A_47 : i32 to index
      %get3A_133 = arith.constant 64 : index
      %get3A_134 = tpu.vector_load %arg6[%get3A_132, %get3A_133] {strides = array<i32>} : memref<101x128xi32, #tpu.memory_space<vmem>>, vector<1x16xi32>,
      %get3A_135 = vector.shape_cast %get3A_134 : vector<1x16xi32> to vector<16xi32>
      %and3A_136 = arith.constant 65535 : i32
      %and3A_137 = vector.broadcast %and3A_136 : i32 to vector<16xi32>
      %and3A_138 = arith.andi %get3A_135, %and3A_137 : vector<16xi32>
      %swap3A_139 = arith.constant 0 : i32
      %swap3A_140 = arith.index_cast %swap3A_139 : i32 to index
      %swap3A_141 = arith.constant 64 : index
      %swap3A_142 = tpu.vector_load %arg7[%swap3A_140, %swap3A_141] {strides = array<i32>} : memref<1x128xi32, #tpu.memory_space<vmem>>, vector<1x16xi32>,
      %swap3A_143 = vector.shape_cast %swap3A_142 : vector<1x16xi32> to vector<16xi32>
      %swap3A_144 = vector.shape_cast %and3A_138 : vector<16xi32> to vector<1x16xi32>
      tpu.vector_store %arg7[%swap3A_140, %swap3A_141], %swap3A_144 {strides = array<i32>} : memref<1x128xi32, #tpu.memory_space<vmem>>, vector<1x16xi32>,
      %shift_right_arithmetic3A_145 = arith.constant 16 : i32
      %shift_right_arithmetic3A_146 = vector.broadcast %shift_right_arithmetic3A_145 : i32 to vector<16xi32>
      %shift_right_arithmetic3A_147 = arith.shrsi %get3A_135, %shift_right_arithmetic3A_146 : vector<16xi32>
      %swap3A_148 = arith.constant 0 : i32
      %swap3A_149 = arith.index_cast %swap3A_148 : i32 to index
      %swap3A_150 = arith.constant 64 : index
      %swap3A_151 = tpu.vector_load %arg8[%swap3A_149, %swap3A_150] {strides = array<i32>} : memref<1x128xi32, #tpu.memory_space<vmem>>, vector<1x16xi32>,
      %swap3A_152 = vector.shape_cast %swap3A_151 : vector<1x16xi32> to vector<16xi32>
      %swap3A_153 = vector.shape_cast %shift_right_arithmetic3A_147 : vector<16xi32> to vector<1x16xi32>
      tpu.vector_store %arg8[%swap3A_149, %swap3A_150], %swap3A_153 {strides = array<i32>} : memref<1x128xi32, #tpu.memory_space<vmem>>, vector<1x16xi32>,
      %get3A_154 = arith.index_cast %while3A_47 : i32 to index
      %get3A_155 = arith.constant 80 : index
      %get3A_156 = tpu.vector_load %arg6[%get3A_154, %get3A_155] {strides = array<i32>} : memref<101x128xi32, #tpu.memory_space<vmem>>, vector<1x16xi32>,
      %get3A_157 = vector.shape_cast %get3A_156 : vector<1x16xi32> to vector<16xi32>
      %and3A_158 = arith.constant 65535 : i32
      %and3A_159 = vector.broadcast %and3A_158 : i32 to vector<16xi32>
      %and3A_160 = arith.andi %get3A_157, %and3A_159 : vector<16xi32>
      %swap3A_161 = arith.constant 0 : i32
      %swap3A_162 = arith.index_cast %swap3A_161 : i32 to index
      %swap3A_163 = arith.constant 80 : index
      %swap3A_164 = tpu.vector_load %arg7[%swap3A_162, %swap3A_163] {strides = array<i32>} : memref<1x128xi32, #tpu.memory_space<vmem>>, vector<1x16xi32>,
      %swap3A_165 = vector.shape_cast %swap3A_164 : vector<1x16xi32> to vector<16xi32>
      %swap3A_166 = vector.shape_cast %and3A_160 : vector<16xi32> to vector<1x16xi32>
      tpu.vector_store %arg7[%swap3A_162, %swap3A_163], %swap3A_166 {strides = array<i32>} : memref<1x128xi32, #tpu.memory_space<vmem>>, vector<1x16xi32>,
      %shift_right_arithmetic3A_167 = arith.constant 16 : i32
      %shift_right_arithmetic3A_168 = vector.broadcast %shift_right_arithmetic3A_167 : i32 to vector<16xi32>
      %shift_right_arithmetic3A_169 = arith.shrsi %get3A_157, %shift_right_arithmetic3A_168 : vector<16xi32>
      %swap3A_170 = arith.constant 0 : i32
      %swap3A_171 = arith.index_cast %swap3A_170 : i32 to index
      %swap3A_172 = arith.constant 80 : index
      %swap3A_173 = tpu.vector_load %arg8[%swap3A_171, %swap3A_172] {strides = array<i32>} : memref<1x128xi32, #tpu.memory_space<vmem>>, vector<1x16xi32>,
      %swap3A_174 = vector.shape_cast %swap3A_173 : vector<1x16xi32> to vector<16xi32>
      %swap3A_175 = vector.shape_cast %shift_right_arithmetic3A_169 : vector<16xi32> to vector<1x16xi32>
      tpu.vector_store %arg8[%swap3A_171, %swap3A_172], %swap3A_175 {strides = array<i32>} : memref<1x128xi32, #tpu.memory_space<vmem>>, vector<1x16xi32>,
      %get3A_176 = arith.index_cast %while3A_47 : i32 to index
      %get3A_177 = arith.constant 96 : index
      %get3A_178 = tpu.vector_load %arg6[%get3A_176, %get3A_177] {strides = array<i32>} : memref<101x128xi32, #tpu.memory_space<vmem>>, vector<1x16xi32>,
      %get3A_179 = vector.shape_cast %get3A_178 : vector<1x16xi32> to vector<16xi32>
      %and3A_180 = arith.constant 65535 : i32
      %and3A_181 = vector.broadcast %and3A_180 : i32 to vector<16xi32>
      %and3A_182 = arith.andi %get3A_179, %and3A_181 : vector<16xi32>
      %swap3A_183 = arith.constant 0 : i32
      %swap3A_184 = arith.index_cast %swap3A_183 : i32 to index
      %swap3A_185 = arith.constant 96 : index
      %swap3A_186 = tpu.vector_load %arg7[%swap3A_184, %swap3A_185] {strides = array<i32>} : memref<1x128xi32, #tpu.memory_space<vmem>>, vector<1x16xi32>,
      %swap3A_187 = vector.shape_cast %swap3A_186 : vector<1x16xi32> to vector<16xi32>
      %swap3A_188 = vector.shape_cast %and3A_182 : vector<16xi32> to vector<1x16xi32>
      tpu.vector_store %arg7[%swap3A_184, %swap3A_185], %swap3A_188 {strides = array<i32>} : memref<1x128xi32, #tpu.memory_space<vmem>>, vector<1x16xi32>,
      %shift_right_arithmetic3A_189 = arith.constant 16 : i32
      %shift_right_arithmetic3A_190 = vector.broadcast %shift_right_arithmetic3A_189 : i32 to vector<16xi32>
      %shift_right_arithmetic3A_191 = arith.shrsi %get3A_179, %shift_right_arithmetic3A_190 : vector<16xi32>
      %swap3A_192 = arith.constant 0 : i32
      %swap3A_193 = arith.index_cast %swap3A_192 : i32 to index
      %swap3A_194 = arith.constant 96 : index
      %swap3A_195 = tpu.vector_load %arg8[%swap3A_193, %swap3A_194] {strides = array<i32>} : memref<1x128xi32, #tpu.memory_space<vmem>>, vector<1x16xi32>,
      %swap3A_196 = vector.shape_cast %swap3A_195 : vector<1x16xi32> to vector<16xi32>
      %swap3A_197 = vector.shape_cast %shift_right_arithmetic3A_191 : vector<16xi32> to vector<1x16xi32>
      tpu.vector_store %arg8[%swap3A_193, %swap3A_194], %swap3A_197 {strides = array<i32>} : memref<1x128xi32, #tpu.memory_space<vmem>>, vector<1x16xi32>,
      %get3A_198 = arith.index_cast %while3A_47 : i32 to index
      %get3A_199 = arith.constant 112 : index
      %get3A_200 = tpu.vector_load %arg6[%get3A_198, %get3A_199] {strides = array<i32>} : memref<101x128xi32, #tpu.memory_space<vmem>>, vector<1x16xi32>,
      %get3A_201 = vector.shape_cast %get3A_200 : vector<1x16xi32> to vector<16xi32>
      %and3A_202 = arith.constant 65535 : i32
      %and3A_203 = vector.broadcast %and3A_202 : i32 to vector<16xi32>
      %and3A_204 = arith.andi %get3A_201, %and3A_203 : vector<16xi32>
      %swap3A_205 = arith.constant 0 : i32
      %swap3A_206 = arith.index_cast %swap3A_205 : i32 to index
      %swap3A_207 = arith.constant 112 : index
      %swap3A_208 = tpu.vector_load %arg7[%swap3A_206, %swap3A_207] {strides = array<i32>} : memref<1x128xi32, #tpu.memory_space<vmem>>, vector<1x16xi32>,
      %swap3A_209 = vector.shape_cast %swap3A_208 : vector<1x16xi32> to vector<16xi32>
      %swap3A_210 = vector.shape_cast %and3A_204 : vector<16xi32> to vector<1x16xi32>
      tpu.vector_store %arg7[%swap3A_206, %swap3A_207], %swap3A_210 {strides = array<i32>} : memref<1x128xi32, #tpu.memory_space<vmem>>, vector<1x16xi32>,
      %shift_right_arithmetic3A_211 = arith.constant 16 : i32
      %shift_right_arithmetic3A_212 = vector.broadcast %shift_right_arithmetic3A_211 : i32 to vector<16xi32>
      %shift_right_arithmetic3A_213 = arith.shrsi %get3A_201, %shift_right_arithmetic3A_212 : vector<16xi32>
      %swap3A_214 = arith.constant 0 : i32
      %swap3A_215 = arith.index_cast %swap3A_214 : i32 to index
      %swap3A_216 = arith.constant 112 : index
      %swap3A_217 = tpu.vector_load %arg8[%swap3A_215, %swap3A_216] {strides = array<i32>} : memref<1x128xi32, #tpu.memory_space<vmem>>, vector<1x16xi32>,
      %swap3A_218 = vector.shape_cast %swap3A_217 : vector<1x16xi32> to vector<16xi32>
      %swap3A_219 = vector.shape_cast %shift_right_arithmetic3A_213 : vector<16xi32> to vector<1x16xi32>
      tpu.vector_store %arg8[%swap3A_215, %swap3A_216], %swap3A_219 {strides = array<i32>} : memref<1x128xi32, #tpu.memory_space<vmem>>, vector<1x16xi32>,
      %dma_start3A = arith.constant 0 : i32
      %dma_start3A_220 = arith.constant 0 : i32
      %dma_start3A_221 = tpu.memref_slice %arg7[%dma_start3A, %dma_start3A_220] : memref<1x128xi32, #tpu.memory_space<vmem>> -> memref<1x128xi32, #tpu.memory_space<vmem>>
      %dma_start3A_222 = tpu.memref_squeeze %dma_start3A_221 : memref<1x128xi32, #tpu.memory_space<vmem>> -> memref<128xi32, #tpu.memory_space<vmem>>
      %dma_start3A_223 = arith.constant 0 : i32
      %dma_start3A_224 = arith.constant 0 : i32
      %dma_start3A_225 = tpu.memref_slice %arg2[%dma_start3A_223, %dma_start3A_224] : memref<10000x128xf32, #tpu.memory_space<hbm>> -> memref<10000x128xf32, #tpu.memory_space<hbm>>
      tpu.enqueue_indirect_dma source(%dma_start3A_225 : memref<10000x128xf32, #tpu.memory_space<hbm>>) target(%arg9 : memref<128x128xf32, #tpu.memory_space<vmem>>) offsets(%dma_start3A_222 : memref<128xi32, #tpu.memory_space<vmem>>) semaphore(%arg11 : memref<!tpu.dma_semaphore, #tpu.memory_space<semaphore_mem>>)
      %dma_wait3A = arith.constant 0 : i32
      %dma_wait3A_226 = arith.constant 0 : i32
      %dma_wait3A_227 = tpu.memref_slice %arg7[%dma_wait3A, %dma_wait3A_226] : memref<1x128xi32, #tpu.memory_space<vmem>> -> memref<1x128xi32, #tpu.memory_space<vmem>>
      %dma_wait3A_228 = tpu.memref_squeeze %dma_wait3A_227 : memref<1x128xi32, #tpu.memory_space<vmem>> -> memref<128xi32, #tpu.memory_space<vmem>>
      %dma_wait3A_229 = arith.constant 0 : i32
      %dma_wait3A_230 = arith.constant 0 : i32
      %dma_wait3A_231 = tpu.memref_slice %arg2[%dma_wait3A_229, %dma_wait3A_230] : memref<10000x128xf32, #tpu.memory_space<hbm>> -> memref<10000x128xf32, #tpu.memory_space<hbm>>
      tpu.wait_indirect_dma semaphore(%arg11 : memref<!tpu.dma_semaphore, #tpu.memory_space<semaphore_mem>>) src(%dma_wait3A_231 : memref<10000x128xf32, #tpu.memory_space<hbm>>) dst(%arg9 : memref<128x128xf32, #tpu.memory_space<vmem>>)
      %run_scoped3A = arith.constant 0 : i32
      "tpu.region"() ({
        %run_scoped3A_232 = tpu.sem_alloc : memref<!tpu.dma_semaphore, #tpu.memory_space<semaphore_mem>>
        %dma_start3A_233 = arith.constant 0 : i32
        %dma_start3A_234 = tpu.memref_slice %arg8[%run_scoped3A, %dma_start3A_233] : memref<1x128xi32, #tpu.memory_space<vmem>> -> memref<1x128xi32, #tpu.memory_space<vmem>>
        %dma_start3A_235 = tpu.memref_squeeze %dma_start3A_234 : memref<1x128xi32, #tpu.memory_space<vmem>> -> memref<128xi32, #tpu.memory_space<vmem>>
        %dma_start3A_236 = arith.constant 0 : i32
        %dma_start3A_237 = arith.constant 0 : i32
        %dma_start3A_238 = tpu.memref_slice %arg10[%dma_start3A_236, %dma_start3A_237] : memref<10240x128xf32, #tpu.memory_space<vmem_shared>> -> memref<10240x128xf32, #tpu.memory_space<vmem_shared>>
        tpu.enqueue_indirect_dma source(%arg9 : memref<128x128xf32, #tpu.memory_space<vmem>>) target(%dma_start3A_238 : memref<10240x128xf32, #tpu.memory_space<vmem_shared>>) offsets(%dma_start3A_235 : memref<128xi32, #tpu.memory_space<vmem>>) semaphore(%run_scoped3A_232 : memref<!tpu.dma_semaphore, #tpu.memory_space<semaphore_mem>>) {add = true}
        %dma_wait3A_239 = arith.constant 0 : i32
        %dma_wait3A_240 = tpu.memref_slice %arg8[%run_scoped3A, %dma_wait3A_239] : memref<1x128xi32, #tpu.memory_space<vmem>> -> memref<1x128xi32, #tpu.memory_space<vmem>>
        %dma_wait3A_241 = tpu.memref_squeeze %dma_wait3A_240 : memref<1x128xi32, #tpu.memory_space<vmem>> -> memref<128xi32, #tpu.memory_space<vmem>>
        %dma_wait3A_242 = arith.constant 0 : i32
        %dma_wait3A_243 = arith.constant 0 : i32
        %dma_wait3A_244 = tpu.memref_slice %arg10[%dma_wait3A_242, %dma_wait3A_243] : memref<10240x128xf32, #tpu.memory_space<vmem_shared>> -> memref<10240x128xf32, #tpu.memory_space<vmem_shared>>
        tpu.wait_indirect_dma semaphore(%run_scoped3A_232 : memref<!tpu.dma_semaphore, #tpu.memory_space<semaphore_mem>>) src(%arg9 : memref<128x128xf32, #tpu.memory_space<vmem>>) dst(%dma_wait3A_244 : memref<10240x128xf32, #tpu.memory_space<vmem_shared>>)
        tpu.yield
      }) : () -> ()
    }
    %barrier3A_42 = arith.constant 0 : index
    tpu.barrier barrier_id(%barrier3A_42)
    %mul3A_43 = arith.constant 640 : i32
    %mul3A_44 = arith.muli %arg1, %mul3A_43 : i32
    %mul3A_45 = arith.constant 640 : i32
    %mul3A_46 = arith.muli %arg1, %mul3A_45 : i32
    "tpu.region"() ({
      %run_scoped3A = tpu.sem_alloc : memref<!tpu.dma_semaphore, #tpu.memory_space<semaphore_mem>>
      %dma_start3A = arith.constant 0 : i32
      %dma_start3A_47 = tpu.memref_slice %arg5[%arg0, %mul3A_46, %dma_start3A] : memref<2x10240x128xf32, #tpu.memory_space<hbm>> -> memref<1x640x128xf32, #tpu.memory_space<hbm>>
      %dma_start3A_48 = tpu.memref_squeeze %dma_start3A_47 : memref<1x640x128xf32, #tpu.memory_space<hbm>> -> memref<640x128xf32, #tpu.memory_space<hbm>>
      %dma_start3A_49 = arith.constant 0 : i32
      %dma_start3A_50 = tpu.memref_slice %arg10[%mul3A_44, %dma_start3A_49] : memref<10240x128xf32, #tpu.memory_space<vmem_shared>> -> memref<640x128xf32, #tpu.memory_space<vmem_shared>>
      tpu.enqueue_dma source(%dma_start3A_50 : memref<640x128xf32, #tpu.memory_space<vmem_shared>>) target(%dma_start3A_48 : memref<640x128xf32, #tpu.memory_space<hbm>>) target_semaphore(%run_scoped3A : memref<!tpu.dma_semaphore, #tpu.memory_space<semaphore_mem>>)
      %dma_wait3A = arith.constant 0 : i32
      %dma_wait3A_51 = tpu.memref_slice %arg5[%arg0, %mul3A_46, %dma_wait3A] : memref<2x10240x128xf32, #tpu.memory_space<hbm>> -> memref<1x640x128xf32, #tpu.memory_space<hbm>>
      %dma_wait3A_52 = tpu.memref_squeeze %dma_wait3A_51 : memref<1x640x128xf32, #tpu.memory_space<hbm>> -> memref<640x128xf32, #tpu.memory_space<hbm>>
      %dma_wait3A_53 = arith.constant 0 : i32
      %dma_wait3A_54 = tpu.memref_slice %arg10[%mul3A_44, %dma_wait3A_53] : memref<10240x128xf32, #tpu.memory_space<vmem_shared>> -> memref<640x128xf32, #tpu.memory_space<vmem_shared>>
      tpu.wait_dma2 semaphore(%run_scoped3A : memref<!tpu.dma_semaphore, #tpu.memory_space<semaphore_mem>>) src(%dma_wait3A_54 : memref<640x128xf32, #tpu.memory_space<vmem_shared>>) dst(%dma_wait3A_52 : memref<640x128xf32, #tpu.memory_space<hbm>>)
      tpu.yield
    }) : () -> ()
    return
  }
}

module attributes {stable_mosaic.version = 14 : i64} {
  func.func @body(%arg0: i32, %arg1: memref<1000x128xf32, #tpu.memory_space<vmem>>, %arg2: memref<128x128xf32, #tpu.memory_space<vmem>>, %arg3: memref<1000x1xf32, #tpu.memory_space<vmem>>, %arg4: memref<1000x1xf32, #tpu.memory_space<vmem>>, %arg5: memref<1000x128xf32, #tpu.memory_space<vmem>>, %arg6: memref<1000x1xf32, #tpu.memory_space<vmem>>) attributes {dimension_semantics = [#tpu.dimension_semantics<arbitrary>], iteration_bounds = array<i64: 10>, scalar_prefetch = 0 : i64, scratch_operands = 0 : i64, tpu.core_type = #tpu.core_type<tc>, window_params = [{transform_indices = @transform_0, window_bounds = array<i64: 1000, 128>}, {pipeline_mode = #tpu.pipeline_mode<synchronous>, transform_indices = @transform_1, window_bounds = array<i64: 128, 128>}, {transform_indices = @transform_2, window_bounds = array<i64: 1000, 1>}, {transform_indices = @transform_3, window_bounds = array<i64: 1000, 1>}, {transform_indices = @transform_4, window_bounds = array<i64: 1000, 128>}, {transform_indices = @transform_5, window_bounds = array<i64: 1000, 1>}]} {
    %get3A = arith.constant 0 : index
    %get3A_0 = arith.constant 0 : index
    %get3A_1 = vector.load %arg3[%get3A, %get3A_0] : memref<1000x1xf32, #tpu.memory_space<vmem>>, vector<1000x1xf32>
    %get3A_2 = arith.constant 0 : index
    %get3A_3 = arith.constant 0 : index
    %get3A_4 = vector.load %arg4[%get3A_2, %get3A_3] : memref<1000x1xf32, #tpu.memory_space<vmem>>, vector<1000x1xf32>
    %add3A = arith.addf %get3A_1, %get3A_4 : vector<1000x1xf32>
    %gt3A = arith.constant 0.000000e+00 : f32
    %gt3A_5 = vector.broadcast %gt3A : f32 to vector<1000x1xf32>
    %gt3A_6 = arith.cmpf ogt, %add3A, %gt3A_5 : vector<1000x1xf32>
    %rsqrt3A = math.rsqrt %add3A : vector<1000x1xf32>
    %jit3A = arith.constant 0.000000e+00 : f32
    %broadcast_in_dim3A = vector.broadcast %jit3A : f32 to vector<1000x1xf32>
    %select_n3A = arith.select %gt3A_6, %rsqrt3A, %broadcast_in_dim3A : vector<1000x1xi1>, vector<1000x1xf32>
    %swap3A = arith.constant 0 : index
    %swap3A_7 = arith.constant 0 : index
    %swap3A_8 = vector.load %arg6[%swap3A, %swap3A_7] : memref<1000x1xf32, #tpu.memory_space<vmem>>, vector<1000x1xf32>
    tpu.vector_store %arg6[%swap3A, %swap3A_7], %select_n3A {strides = array<i32>} : memref<1000x1xf32, #tpu.memory_space<vmem>>, vector<1000x1xf32>,
    %get3A_9 = arith.constant 0 : index
    %get3A_10 = arith.constant 0 : index
    %get3A_11 = vector.load %arg1[%get3A_9, %get3A_10] : memref<1000x128xf32, #tpu.memory_space<vmem>>, vector<1000x128xf32>
    %get3A_12 = arith.constant 0 : index
    %get3A_13 = arith.constant 0 : index
    %get3A_14 = vector.load %arg2[%get3A_12, %get3A_13] : memref<128x128xf32, #tpu.memory_space<vmem>>, vector<128x128xf32>
    %dot_general3A = arith.constant dense<0.000000e+00> : vector<1000x128xf32>
    %dot_general3A_15 = tpu.matmul %get3A_11, %get3A_14, %dot_general3A {dimension_numbers = #tpu.dot_dimension_numbers<[1], [0], [0], [1], [0, 0, 1, 1], [], []>, transpose_lhs_hint = false} : vector<1000x128xf32>, vector<128x128xf32>, vector<1000x128xf32> -> vector<1000x128xf32>
    %mul3A = vector.broadcast %select_n3A : vector<1000x1xf32> to vector<1000x128xf32>
    %mul3A_16 = arith.mulf %dot_general3A_15, %mul3A : vector<1000x128xf32>
    %swap3A_17 = arith.constant 0 : index
    %swap3A_18 = arith.constant 0 : index
    %swap3A_19 = vector.load %arg5[%swap3A_17, %swap3A_18] : memref<1000x128xf32, #tpu.memory_space<vmem>>, vector<1000x128xf32>
    tpu.vector_store %arg5[%swap3A_17, %swap3A_18], %mul3A_16 {strides = array<i32>} : memref<1000x128xf32, #tpu.memory_space<vmem>>, vector<1000x128xf32>,
    return
  }
  func.func @transform_0(%arg0: i32) -> (i32, i32) {
    %c0_i32 = arith.constant 0 : i32
    %c0_i32_0 = arith.constant 0 : i32
    return %arg0, %c0_i32 : i32, i32
  }
  func.func @transform_1(%arg0: i32) -> (i32, i32) {
    %c0_i32 = arith.constant 0 : i32
    %c0_i32_0 = arith.constant 0 : i32
    %c0_i32_1 = arith.constant 0 : i32
    return %c0_i32, %c0_i32_0 : i32, i32
  }
  func.func @transform_2(%arg0: i32) -> (i32, i32) {
    %c0_i32 = arith.constant 0 : i32
    %c0_i32_0 = arith.constant 0 : i32
    return %arg0, %c0_i32 : i32, i32
  }
  func.func @transform_3(%arg0: i32) -> (i32, i32) {
    %c0_i32 = arith.constant 0 : i32
    %c0_i32_0 = arith.constant 0 : i32
    return %arg0, %c0_i32 : i32, i32
  }
  func.func @transform_4(%arg0: i32) -> (i32, i32) {
    %c0_i32 = arith.constant 0 : i32
    %c0_i32_0 = arith.constant 0 : i32
    return %arg0, %c0_i32 : i32, i32
  }
  func.func @transform_5(%arg0: i32) -> (i32, i32) {
    %c0_i32 = arith.constant 0 : i32
    %c0_i32_0 = arith.constant 0 : i32
    return %arg0, %c0_i32 : i32, i32
  }
}

module attributes {stable_mosaic.version = 14 : i64} {
  func.func @body(%arg0: i32, %arg1: memref<1000x128xf32, #tpu.memory_space<vmem>>, %arg2: memref<1000x128xf32, #tpu.memory_space<vmem>>, %arg3: memref<1000x1xf32, #tpu.memory_space<vmem>>, %arg4: memref<1x128xf32, #tpu.memory_space<vmem>>, %arg5: memref<1000x128xf32, #tpu.memory_space<vmem>>, %arg6: memref<8x128xf32, #tpu.memory_space<vmem>>) attributes {dimension_semantics = [#tpu.dimension_semantics<arbitrary>], iteration_bounds = array<i64: 10>, scalar_prefetch = 0 : i64, scratch_operands = 0 : i64, tpu.core_type = #tpu.core_type<tc>, window_params = [{transform_indices = @transform_0, window_bounds = array<i64: 1000, 128>}, {transform_indices = @transform_1, window_bounds = array<i64: 1000, 128>}, {transform_indices = @transform_2, window_bounds = array<i64: 1000, 1>}, {pipeline_mode = #tpu.pipeline_mode<synchronous>, transform_indices = @transform_3, window_bounds = array<i64: 1, 128>}, {transform_indices = @transform_4, window_bounds = array<i64: 1000, 128>}, {pipeline_mode = #tpu.pipeline_mode<synchronous>, transform_indices = @transform_5, window_bounds = array<i64: 8, 128>}]} {
    %get3A = arith.constant 0 : index
    %get3A_0 = arith.constant 0 : index
    %get3A_1 = vector.load %arg1[%get3A, %get3A_0] : memref<1000x128xf32, #tpu.memory_space<vmem>>, vector<1000x128xf32>
    %get3A_2 = arith.constant 0 : index
    %get3A_3 = arith.constant 0 : index
    %get3A_4 = vector.load %arg2[%get3A_2, %get3A_3] : memref<1000x128xf32, #tpu.memory_space<vmem>>, vector<1000x128xf32>
    %add3A = arith.addf %get3A_1, %get3A_4 : vector<1000x128xf32>
    %get3A_5 = arith.constant 0 : index
    %get3A_6 = arith.constant 0 : index
    %get3A_7 = vector.load %arg3[%get3A_5, %get3A_6] : memref<1000x1xf32, #tpu.memory_space<vmem>>, vector<1000x1xf32>
    %mul3A = vector.broadcast %get3A_7 : vector<1000x1xf32> to vector<1000x128xf32>
    %mul3A_8 = arith.mulf %add3A, %mul3A : vector<1000x128xf32>
    %get3A_9 = arith.constant 0 : index
    %get3A_10 = arith.constant 0 : index
    %get3A_11 = vector.load %arg4[%get3A_9, %get3A_10] : memref<1x128xf32, #tpu.memory_space<vmem>>, vector<1x128xf32>
    %add3A_12 = vector.broadcast %get3A_11 : vector<1x128xf32> to vector<1000x128xf32>
    %add3A_13 = arith.addf %mul3A_8, %add3A_12 : vector<1000x128xf32>
    %swap3A = arith.constant 0 : index
    %swap3A_14 = arith.constant 0 : index
    %swap3A_15 = vector.load %arg5[%swap3A, %swap3A_14] : memref<1000x128xf32, #tpu.memory_space<vmem>>, vector<1000x128xf32>
    tpu.vector_store %arg5[%swap3A, %swap3A_14], %add3A_13 {strides = array<i32>} : memref<1000x128xf32, #tpu.memory_space<vmem>>, vector<1000x128xf32>,
    %reduce_sum3A = arith.constant dense<0.000000e+00> : vector<128xf32>
    %reduce_sum3A_16 = vector.multi_reduction <add>, %add3A_13, %reduce_sum3A [0] : vector<1000x128xf32> to vector<128xf32>
    %broadcast_in_dim3A = vector.shape_cast %reduce_sum3A_16 : vector<128xf32> to vector<1x128xf32>
    %mul3A_17 = arith.mulf %add3A_13, %add3A_13 : vector<1000x128xf32>
    %reduce_sum3A_18 = arith.constant dense<0.000000e+00> : vector<128xf32>
    %reduce_sum3A_19 = vector.multi_reduction <add>, %mul3A_17, %reduce_sum3A_18 [0] : vector<1000x128xf32> to vector<128xf32>
    %broadcast_in_dim3A_20 = vector.shape_cast %reduce_sum3A_19 : vector<128xf32> to vector<1x128xf32>
    %broadcast_in_dim3A_21 = arith.constant 0.000000e+00 : f32
    %broadcast_in_dim3A_22 = vector.broadcast %broadcast_in_dim3A_21 : f32 to vector<6x128xf32>
    %concatenate3A = tpu.concatenate %broadcast_in_dim3A, %broadcast_in_dim3A_20, %broadcast_in_dim3A_22 in 0 : vector<1x128xf32>, vector<1x128xf32>, vector<6x128xf32> -> vector<8x128xf32>
    %eq3A = arith.constant 0 : i32
    %eq3A_23 = arith.cmpi eq, %arg0, %eq3A : i32
    %convert_element_type3A = arith.extui %eq3A_23 : i1 to i32
    %cond3A = arith.constant 0 : i32
    %cond3A_24 = arith.cmpi ne, %convert_element_type3A, %cond3A : i32
    scf.if %cond3A_24 {
      %swap3A_29 = arith.constant 0 : index
      %swap3A_30 = arith.constant 0 : index
      %swap3A_31 = vector.load %arg6[%swap3A_29, %swap3A_30] : memref<8x128xf32, #tpu.memory_space<vmem>>, vector<8x128xf32>
      tpu.vector_store %arg6[%swap3A_29, %swap3A_30], %concatenate3A {strides = array<i32>} : memref<8x128xf32, #tpu.memory_space<vmem>>, vector<8x128xf32>,
    } else {
    }
    %gt3A = arith.constant 0 : i32
    %gt3A_25 = arith.cmpi sgt, %arg0, %gt3A : i32
    %convert_element_type3A_26 = arith.extui %gt3A_25 : i1 to i32
    %cond3A_27 = arith.constant 0 : i32
    %cond3A_28 = arith.cmpi ne, %convert_element_type3A_26, %cond3A_27 : i32
    scf.if %cond3A_28 {
      %get3A_29 = arith.constant 0 : index
      %get3A_30 = arith.constant 0 : index
      %get3A_31 = vector.load %arg6[%get3A_29, %get3A_30] : memref<8x128xf32, #tpu.memory_space<vmem>>, vector<8x128xf32>
      %add3A_32 = arith.addf %get3A_31, %concatenate3A : vector<8x128xf32>
      %swap3A_33 = arith.constant 0 : index
      %swap3A_34 = arith.constant 0 : index
      %swap3A_35 = vector.load %arg6[%swap3A_33, %swap3A_34] : memref<8x128xf32, #tpu.memory_space<vmem>>, vector<8x128xf32>
      tpu.vector_store %arg6[%swap3A_33, %swap3A_34], %add3A_32 {strides = array<i32>} : memref<8x128xf32, #tpu.memory_space<vmem>>, vector<8x128xf32>,
    } else {
    }
    return
  }
  func.func @transform_0(%arg0: i32) -> (i32, i32) {
    %c0_i32 = arith.constant 0 : i32
    %c0_i32_0 = arith.constant 0 : i32
    return %arg0, %c0_i32 : i32, i32
  }
  func.func @transform_1(%arg0: i32) -> (i32, i32) {
    %c0_i32 = arith.constant 0 : i32
    %c0_i32_0 = arith.constant 0 : i32
    return %arg0, %c0_i32 : i32, i32
  }
  func.func @transform_2(%arg0: i32) -> (i32, i32) {
    %c0_i32 = arith.constant 0 : i32
    %c0_i32_0 = arith.constant 0 : i32
    return %arg0, %c0_i32 : i32, i32
  }
  func.func @transform_3(%arg0: i32) -> (i32, i32) {
    %c0_i32 = arith.constant 0 : i32
    %c0_i32_0 = arith.constant 0 : i32
    %c0_i32_1 = arith.constant 0 : i32
    return %c0_i32, %c0_i32_0 : i32, i32
  }
  func.func @transform_4(%arg0: i32) -> (i32, i32) {
    %c0_i32 = arith.constant 0 : i32
    %c0_i32_0 = arith.constant 0 : i32
    return %arg0, %c0_i32 : i32, i32
  }
  func.func @transform_5(%arg0: i32) -> (i32, i32) {
    %c0_i32 = arith.constant 0 : i32
    %c0_i32_0 = arith.constant 0 : i32
    %c0_i32_1 = arith.constant 0 : i32
    return %c0_i32, %c0_i32_0 : i32, i32
  }
}

module attributes {stable_mosaic.version = 14 : i64} {
  func.func @body(%arg0: i32, %arg1: memref<1000x128xf32, #tpu.memory_space<vmem>>, %arg2: memref<8x128xf32, #tpu.memory_space<vmem>>, %arg3: memref<1x128xf32, #tpu.memory_space<vmem>>, %arg4: memref<1x128xf32, #tpu.memory_space<vmem>>, %arg5: memref<128x128xf32, #tpu.memory_space<vmem>>, %arg6: memref<1000x1xf32, #tpu.memory_space<vmem>>, %arg7: memref<1000x128xf32, #tpu.memory_space<vmem>>) attributes {dimension_semantics = [#tpu.dimension_semantics<arbitrary>], iteration_bounds = array<i64: 10>, scalar_prefetch = 0 : i64, scratch_operands = 0 : i64, tpu.core_type = #tpu.core_type<tc>, window_params = [{transform_indices = @transform_0, window_bounds = array<i64: 1000, 128>}, {pipeline_mode = #tpu.pipeline_mode<synchronous>, transform_indices = @transform_1, window_bounds = array<i64: 8, 128>}, {pipeline_mode = #tpu.pipeline_mode<synchronous>, transform_indices = @transform_2, window_bounds = array<i64: 1, 128>}, {pipeline_mode = #tpu.pipeline_mode<synchronous>, transform_indices = @transform_3, window_bounds = array<i64: 1, 128>}, {pipeline_mode = #tpu.pipeline_mode<synchronous>, transform_indices = @transform_4, window_bounds = array<i64: 128, 128>}, {transform_indices = @transform_5, window_bounds = array<i64: 1000, 1>}, {transform_indices = @transform_6, window_bounds = array<i64: 1000, 128>}]} {
    %get3A = arith.constant 0 : index
    %get3A_0 = arith.constant 0 : index
    %get3A_1 = vector.load %arg2[%get3A, %get3A_0] : memref<8x128xf32, #tpu.memory_space<vmem>>, vector<1x128xf32>
    %mul3A = arith.constant 9.99999974E-5 : f32
    %mul3A_2 = vector.broadcast %mul3A : f32 to vector<1x128xf32>
    %mul3A_3 = arith.mulf %get3A_1, %mul3A_2 : vector<1x128xf32>
    %get3A_4 = arith.constant 1 : index
    %get3A_5 = arith.constant 0 : index
    %get3A_6 = vector.load %arg2[%get3A_4, %get3A_5] : memref<8x128xf32, #tpu.memory_space<vmem>>, vector<1x128xf32>
    %mul3A_7 = arith.constant 9.99999974E-5 : f32
    %mul3A_8 = vector.broadcast %mul3A_7 : f32 to vector<1x128xf32>
    %mul3A_9 = arith.mulf %get3A_6, %mul3A_8 : vector<1x128xf32>
    %mul3A_10 = arith.mulf %mul3A_3, %mul3A_3 : vector<1x128xf32>
    %sub3A = arith.subf %mul3A_9, %mul3A_10 : vector<1x128xf32>
    %add3A = arith.constant 9.99999974E-6 : f32
    %add3A_11 = vector.broadcast %add3A : f32 to vector<1x128xf32>
    %add3A_12 = arith.addf %sub3A, %add3A_11 : vector<1x128xf32>
    %rsqrt3A = math.rsqrt %add3A_12 : vector<1x128xf32>
    %get3A_13 = arith.constant 0 : index
    %get3A_14 = arith.constant 0 : index
    %get3A_15 = vector.load %arg1[%get3A_13, %get3A_14] : memref<1000x128xf32, #tpu.memory_space<vmem>>, vector<1000x128xf32>
    %sub3A_16 = vector.broadcast %mul3A_3 : vector<1x128xf32> to vector<1000x128xf32>
    %sub3A_17 = arith.subf %get3A_15, %sub3A_16 : vector<1000x128xf32>
    %mul3A_18 = vector.broadcast %rsqrt3A : vector<1x128xf32> to vector<1000x128xf32>
    %mul3A_19 = arith.mulf %sub3A_17, %mul3A_18 : vector<1000x128xf32>
    %get3A_20 = arith.constant 0 : index
    %get3A_21 = arith.constant 0 : index
    %get3A_22 = vector.load %arg3[%get3A_20, %get3A_21] : memref<1x128xf32, #tpu.memory_space<vmem>>, vector<1x128xf32>
    %mul3A_23 = vector.broadcast %get3A_22 : vector<1x128xf32> to vector<1000x128xf32>
    %mul3A_24 = arith.mulf %mul3A_19, %mul3A_23 : vector<1000x128xf32>
    %get3A_25 = arith.constant 0 : index
    %get3A_26 = arith.constant 0 : index
    %get3A_27 = vector.load %arg4[%get3A_25, %get3A_26] : memref<1x128xf32, #tpu.memory_space<vmem>>, vector<1x128xf32>
    %add3A_28 = vector.broadcast %get3A_27 : vector<1x128xf32> to vector<1000x128xf32>
    %add3A_29 = arith.addf %mul3A_24, %add3A_28 : vector<1000x128xf32>
    %max3A = arith.constant 0.000000e+00 : f32
    %max3A_30 = vector.broadcast %max3A : f32 to vector<1000x128xf32>
    %max3A_31 = arith.maximumf %add3A_29, %max3A_30 : vector<1000x128xf32>
    %get3A_32 = arith.constant 0 : index
    %get3A_33 = arith.constant 0 : index
    %get3A_34 = vector.load %arg5[%get3A_32, %get3A_33] : memref<128x128xf32, #tpu.memory_space<vmem>>, vector<128x128xf32>
    %dot_general3A = arith.constant dense<0.000000e+00> : vector<1000x128xf32>
    %dot_general3A_35 = tpu.matmul %max3A_31, %get3A_34, %dot_general3A {dimension_numbers = #tpu.dot_dimension_numbers<[1], [0], [0], [1], [0, 0, 1, 1], [], []>, transpose_lhs_hint = false} : vector<1000x128xf32>, vector<128x128xf32>, vector<1000x128xf32> -> vector<1000x128xf32>
    %get3A_36 = arith.constant 0 : index
    %get3A_37 = arith.constant 0 : index
    %get3A_38 = vector.load %arg6[%get3A_36, %get3A_37] : memref<1000x1xf32, #tpu.memory_space<vmem>>, vector<1000x1xf32>
    %mul3A_39 = vector.broadcast %get3A_38 : vector<1000x1xf32> to vector<1000x128xf32>
    %mul3A_40 = arith.mulf %dot_general3A_35, %mul3A_39 : vector<1000x128xf32>
    %swap3A = arith.constant 0 : index
    %swap3A_41 = arith.constant 0 : index
    %swap3A_42 = vector.load %arg7[%swap3A, %swap3A_41] : memref<1000x128xf32, #tpu.memory_space<vmem>>, vector<1000x128xf32>
    tpu.vector_store %arg7[%swap3A, %swap3A_41], %mul3A_40 {strides = array<i32>} : memref<1000x128xf32, #tpu.memory_space<vmem>>, vector<1000x128xf32>,
    return
  }
  func.func @transform_0(%arg0: i32) -> (i32, i32) {
    %c0_i32 = arith.constant 0 : i32
    %c0_i32_0 = arith.constant 0 : i32
    return %arg0, %c0_i32 : i32, i32
  }
  func.func @transform_1(%arg0: i32) -> (i32, i32) {
    %c0_i32 = arith.constant 0 : i32
    %c0_i32_0 = arith.constant 0 : i32
    %c0_i32_1 = arith.constant 0 : i32
    return %c0_i32, %c0_i32_0 : i32, i32
  }
  func.func @transform_2(%arg0: i32) -> (i32, i32) {
    %c0_i32 = arith.constant 0 : i32
    %c0_i32_0 = arith.constant 0 : i32
    %c0_i32_1 = arith.constant 0 : i32
    return %c0_i32, %c0_i32_0 : i32, i32
  }
  func.func @transform_3(%arg0: i32) -> (i32, i32) {
    %c0_i32 = arith.constant 0 : i32
    %c0_i32_0 = arith.constant 0 : i32
    %c0_i32_1 = arith.constant 0 : i32
    return %c0_i32, %c0_i32_0 : i32, i32
  }
  func.func @transform_4(%arg0: i32) -> (i32, i32) {
    %c0_i32 = arith.constant 0 : i32
    %c0_i32_0 = arith.constant 0 : i32
    %c0_i32_1 = arith.constant 0 : i32
    return %c0_i32, %c0_i32_0 : i32, i32
  }
  func.func @transform_5(%arg0: i32) -> (i32, i32) {
    %c0_i32 = arith.constant 0 : i32
    %c0_i32_0 = arith.constant 0 : i32
    return %arg0, %c0_i32 : i32, i32
  }
  func.func @transform_6(%arg0: i32) -> (i32, i32) {
    %c0_i32 = arith.constant 0 : i32
    %c0_i32_0 = arith.constant 0 : i32
    return %arg0, %c0_i32 : i32, i32
  }
}

module attributes {stable_mosaic.version = 14 : i64} {
  func.func @body(%arg0: i32, %arg1: memref<1000x128xf32, #tpu.memory_space<vmem>>, %arg2: memref<1000x1xi32, #tpu.memory_space<vmem>>, %arg3: memref<64x128xf32, #tpu.memory_space<vmem>>) attributes {dimension_semantics = [#tpu.dimension_semantics<arbitrary>], iteration_bounds = array<i64: 10>, scalar_prefetch = 0 : i64, scratch_operands = 0 : i64, tpu.core_type = #tpu.core_type<tc>, window_params = [{transform_indices = @transform_0, window_bounds = array<i64: 1000, 128>}, {transform_indices = @transform_1, window_bounds = array<i64: 1000, 1>}, {pipeline_mode = #tpu.pipeline_mode<synchronous>, transform_indices = @transform_2, window_bounds = array<i64: 64, 128>}]} {
    %get3A = arith.constant 0 : index
    %get3A_0 = arith.constant 0 : index
    %get3A_1 = vector.load %arg2[%get3A, %get3A_0] : memref<1000x1xi32, #tpu.memory_space<vmem>>, vector<1000x1xi32>
    %iota3A = tpu.iota {dimensions = array<i32: 1>} : vector<1x64xi32>
    %eq3A = vector.broadcast %get3A_1 : vector<1000x1xi32> to vector<1000x64xi32>
    %eq3A_2 = vector.broadcast %iota3A : vector<1x64xi32> to vector<1000x64xi32>
    %eq3A_3 = arith.cmpi eq, %eq3A, %eq3A_2 : vector<1000x64xi32>
    %convert_element_type3A = arith.extui %eq3A_3 : vector<1000x64xi1> to vector<1000x64xi32>
    %convert_element_type3A_4 = arith.sitofp %convert_element_type3A : vector<1000x64xi32> to vector<1000x64xf32>
    %get3A_5 = arith.constant 0 : index
    %get3A_6 = arith.constant 0 : index
    %get3A_7 = vector.load %arg1[%get3A_5, %get3A_6] : memref<1000x128xf32, #tpu.memory_space<vmem>>, vector<1000x128xf32>
    %dot_general3A = arith.constant dense<0.000000e+00> : vector<64x128xf32>
    %dot_general3A_8 = tpu.matmul %convert_element_type3A_4, %get3A_7, %dot_general3A {dimension_numbers = #tpu.dot_dimension_numbers<[0], [0], [1], [1], [0, 1, 1, 1], [], []>, transpose_lhs_hint = false} : vector<1000x64xf32>, vector<1000x128xf32>, vector<64x128xf32> -> vector<64x128xf32>
    %eq3A_9 = arith.constant 0 : i32
    %eq3A_10 = arith.cmpi eq, %arg0, %eq3A_9 : i32
    %convert_element_type3A_11 = arith.extui %eq3A_10 : i1 to i32
    %cond3A = arith.constant 0 : i32
    %cond3A_12 = arith.cmpi ne, %convert_element_type3A_11, %cond3A : i32
    scf.if %cond3A_12 {
      %swap3A = arith.constant 0 : index
      %swap3A_17 = arith.constant 0 : index
      %swap3A_18 = vector.load %arg3[%swap3A, %swap3A_17] : memref<64x128xf32, #tpu.memory_space<vmem>>, vector<64x128xf32>
      tpu.vector_store %arg3[%swap3A, %swap3A_17], %dot_general3A_8 {strides = array<i32>} : memref<64x128xf32, #tpu.memory_space<vmem>>, vector<64x128xf32>,
    } else {
    }
    %gt3A = arith.constant 0 : i32
    %gt3A_13 = arith.cmpi sgt, %arg0, %gt3A : i32
    %convert_element_type3A_14 = arith.extui %gt3A_13 : i1 to i32
    %cond3A_15 = arith.constant 0 : i32
    %cond3A_16 = arith.cmpi ne, %convert_element_type3A_14, %cond3A_15 : i32
    scf.if %cond3A_16 {
      %get3A_17 = arith.constant 0 : index
      %get3A_18 = arith.constant 0 : index
      %get3A_19 = vector.load %arg3[%get3A_17, %get3A_18] : memref<64x128xf32, #tpu.memory_space<vmem>>, vector<64x128xf32>
      %add3A = arith.addf %get3A_19, %dot_general3A_8 : vector<64x128xf32>
      %swap3A = arith.constant 0 : index
      %swap3A_20 = arith.constant 0 : index
      %swap3A_21 = vector.load %arg3[%swap3A, %swap3A_20] : memref<64x128xf32, #tpu.memory_space<vmem>>, vector<64x128xf32>
      tpu.vector_store %arg3[%swap3A, %swap3A_20], %add3A {strides = array<i32>} : memref<64x128xf32, #tpu.memory_space<vmem>>, vector<64x128xf32>,
    } else {
    }
    return
  }
  func.func @transform_0(%arg0: i32) -> (i32, i32) {
    %c0_i32 = arith.constant 0 : i32
    %c0_i32_0 = arith.constant 0 : i32
    return %arg0, %c0_i32 : i32, i32
  }
  func.func @transform_1(%arg0: i32) -> (i32, i32) {
    %c0_i32 = arith.constant 0 : i32
    %c0_i32_0 = arith.constant 0 : i32
    return %arg0, %c0_i32 : i32, i32
  }
  func.func @transform_2(%arg0: i32) -> (i32, i32) {
    %c0_i32 = arith.constant 0 : i32
    %c0_i32_0 = arith.constant 0 : i32
    %c0_i32_1 = arith.constant 0 : i32
    return %c0_i32, %c0_i32_0 : i32, i32
  }
}

module attributes {stable_mosaic.version = 14 : i64} {
  func.func @body(%arg0: i32, %arg1: memref<1000x128xf32, #tpu.memory_space<vmem>>, %arg2: memref<8x128xf32, #tpu.memory_space<vmem>>, %arg3: memref<1x128xf32, #tpu.memory_space<vmem>>, %arg4: memref<1x128xf32, #tpu.memory_space<vmem>>, %arg5: memref<1000x1xi32, #tpu.memory_space<vmem>>, %arg6: memref<64x128xf32, #tpu.memory_space<vmem>>) attributes {dimension_semantics = [#tpu.dimension_semantics<arbitrary>], iteration_bounds = array<i64: 10>, scalar_prefetch = 0 : i64, scratch_operands = 0 : i64, tpu.core_type = #tpu.core_type<tc>, window_params = [{transform_indices = @transform_0, window_bounds = array<i64: 1000, 128>}, {pipeline_mode = #tpu.pipeline_mode<synchronous>, transform_indices = @transform_1, window_bounds = array<i64: 8, 128>}, {pipeline_mode = #tpu.pipeline_mode<synchronous>, transform_indices = @transform_2, window_bounds = array<i64: 1, 128>}, {pipeline_mode = #tpu.pipeline_mode<synchronous>, transform_indices = @transform_3, window_bounds = array<i64: 1, 128>}, {transform_indices = @transform_4, window_bounds = array<i64: 1000, 1>}, {pipeline_mode = #tpu.pipeline_mode<synchronous>, transform_indices = @transform_5, window_bounds = array<i64: 64, 128>}]} {
    %get3A = arith.constant 0 : index
    %get3A_0 = arith.constant 0 : index
    %get3A_1 = vector.load %arg2[%get3A, %get3A_0] : memref<8x128xf32, #tpu.memory_space<vmem>>, vector<1x128xf32>
    %mul3A = arith.constant 9.99999974E-5 : f32
    %mul3A_2 = vector.broadcast %mul3A : f32 to vector<1x128xf32>
    %mul3A_3 = arith.mulf %get3A_1, %mul3A_2 : vector<1x128xf32>
    %get3A_4 = arith.constant 1 : index
    %get3A_5 = arith.constant 0 : index
    %get3A_6 = vector.load %arg2[%get3A_4, %get3A_5] : memref<8x128xf32, #tpu.memory_space<vmem>>, vector<1x128xf32>
    %mul3A_7 = arith.constant 9.99999974E-5 : f32
    %mul3A_8 = vector.broadcast %mul3A_7 : f32 to vector<1x128xf32>
    %mul3A_9 = arith.mulf %get3A_6, %mul3A_8 : vector<1x128xf32>
    %mul3A_10 = arith.mulf %mul3A_3, %mul3A_3 : vector<1x128xf32>
    %sub3A = arith.subf %mul3A_9, %mul3A_10 : vector<1x128xf32>
    %add3A = arith.constant 9.99999974E-6 : f32
    %add3A_11 = vector.broadcast %add3A : f32 to vector<1x128xf32>
    %add3A_12 = arith.addf %sub3A, %add3A_11 : vector<1x128xf32>
    %rsqrt3A = math.rsqrt %add3A_12 : vector<1x128xf32>
    %get3A_13 = arith.constant 0 : index
    %get3A_14 = arith.constant 0 : index
    %get3A_15 = vector.load %arg1[%get3A_13, %get3A_14] : memref<1000x128xf32, #tpu.memory_space<vmem>>, vector<1000x128xf32>
    %sub3A_16 = vector.broadcast %mul3A_3 : vector<1x128xf32> to vector<1000x128xf32>
    %sub3A_17 = arith.subf %get3A_15, %sub3A_16 : vector<1000x128xf32>
    %mul3A_18 = vector.broadcast %rsqrt3A : vector<1x128xf32> to vector<1000x128xf32>
    %mul3A_19 = arith.mulf %sub3A_17, %mul3A_18 : vector<1000x128xf32>
    %get3A_20 = arith.constant 0 : index
    %get3A_21 = arith.constant 0 : index
    %get3A_22 = vector.load %arg3[%get3A_20, %get3A_21] : memref<1x128xf32, #tpu.memory_space<vmem>>, vector<1x128xf32>
    %mul3A_23 = vector.broadcast %get3A_22 : vector<1x128xf32> to vector<1000x128xf32>
    %mul3A_24 = arith.mulf %mul3A_19, %mul3A_23 : vector<1000x128xf32>
    %get3A_25 = arith.constant 0 : index
    %get3A_26 = arith.constant 0 : index
    %get3A_27 = vector.load %arg4[%get3A_25, %get3A_26] : memref<1x128xf32, #tpu.memory_space<vmem>>, vector<1x128xf32>
    %add3A_28 = vector.broadcast %get3A_27 : vector<1x128xf32> to vector<1000x128xf32>
    %add3A_29 = arith.addf %mul3A_24, %add3A_28 : vector<1000x128xf32>
    %max3A = arith.constant 0.000000e+00 : f32
    %max3A_30 = vector.broadcast %max3A : f32 to vector<1000x128xf32>
    %max3A_31 = arith.maximumf %add3A_29, %max3A_30 : vector<1000x128xf32>
    %get3A_32 = arith.constant 0 : index
    %get3A_33 = arith.constant 0 : index
    %get3A_34 = vector.load %arg5[%get3A_32, %get3A_33] : memref<1000x1xi32, #tpu.memory_space<vmem>>, vector<1000x1xi32>
    %iota3A = tpu.iota {dimensions = array<i32: 1>} : vector<1x64xi32>
    %eq3A = vector.broadcast %get3A_34 : vector<1000x1xi32> to vector<1000x64xi32>
    %eq3A_35 = vector.broadcast %iota3A : vector<1x64xi32> to vector<1000x64xi32>
    %eq3A_36 = arith.cmpi eq, %eq3A, %eq3A_35 : vector<1000x64xi32>
    %convert_element_type3A = arith.extui %eq3A_36 : vector<1000x64xi1> to vector<1000x64xi32>
    %convert_element_type3A_37 = arith.sitofp %convert_element_type3A : vector<1000x64xi32> to vector<1000x64xf32>
    %dot_general3A = arith.constant dense<0.000000e+00> : vector<64x128xf32>
    %dot_general3A_38 = tpu.matmul %convert_element_type3A_37, %max3A_31, %dot_general3A {dimension_numbers = #tpu.dot_dimension_numbers<[0], [0], [1], [1], [0, 1, 1, 1], [], []>, transpose_lhs_hint = false} : vector<1000x64xf32>, vector<1000x128xf32>, vector<64x128xf32> -> vector<64x128xf32>
    %eq3A_39 = arith.constant 0 : i32
    %eq3A_40 = arith.cmpi eq, %arg0, %eq3A_39 : i32
    %convert_element_type3A_41 = arith.extui %eq3A_40 : i1 to i32
    %cond3A = arith.constant 0 : i32
    %cond3A_42 = arith.cmpi ne, %convert_element_type3A_41, %cond3A : i32
    scf.if %cond3A_42 {
      %swap3A = arith.constant 0 : index
      %swap3A_47 = arith.constant 0 : index
      %swap3A_48 = vector.load %arg6[%swap3A, %swap3A_47] : memref<64x128xf32, #tpu.memory_space<vmem>>, vector<64x128xf32>
      tpu.vector_store %arg6[%swap3A, %swap3A_47], %dot_general3A_38 {strides = array<i32>} : memref<64x128xf32, #tpu.memory_space<vmem>>, vector<64x128xf32>,
    } else {
    }
    %gt3A = arith.constant 0 : i32
    %gt3A_43 = arith.cmpi sgt, %arg0, %gt3A : i32
    %convert_element_type3A_44 = arith.extui %gt3A_43 : i1 to i32
    %cond3A_45 = arith.constant 0 : i32
    %cond3A_46 = arith.cmpi ne, %convert_element_type3A_44, %cond3A_45 : i32
    scf.if %cond3A_46 {
      %get3A_47 = arith.constant 0 : index
      %get3A_48 = arith.constant 0 : index
      %get3A_49 = vector.load %arg6[%get3A_47, %get3A_48] : memref<64x128xf32, #tpu.memory_space<vmem>>, vector<64x128xf32>
      %add3A_50 = arith.addf %get3A_49, %dot_general3A_38 : vector<64x128xf32>
      %swap3A = arith.constant 0 : index
      %swap3A_51 = arith.constant 0 : index
      %swap3A_52 = vector.load %arg6[%swap3A, %swap3A_51] : memref<64x128xf32, #tpu.memory_space<vmem>>, vector<64x128xf32>
      tpu.vector_store %arg6[%swap3A, %swap3A_51], %add3A_50 {strides = array<i32>} : memref<64x128xf32, #tpu.memory_space<vmem>>, vector<64x128xf32>,
    } else {
    }
    return
  }
  func.func @transform_0(%arg0: i32) -> (i32, i32) {
    %c0_i32 = arith.constant 0 : i32
    %c0_i32_0 = arith.constant 0 : i32
    return %arg0, %c0_i32 : i32, i32
  }
  func.func @transform_1(%arg0: i32) -> (i32, i32) {
    %c0_i32 = arith.constant 0 : i32
    %c0_i32_0 = arith.constant 0 : i32
    %c0_i32_1 = arith.constant 0 : i32
    return %c0_i32, %c0_i32_0 : i32, i32
  }
  func.func @transform_2(%arg0: i32) -> (i32, i32) {
    %c0_i32 = arith.constant 0 : i32
    %c0_i32_0 = arith.constant 0 : i32
    %c0_i32_1 = arith.constant 0 : i32
    return %c0_i32, %c0_i32_0 : i32, i32
  }
  func.func @transform_3(%arg0: i32) -> (i32, i32) {
    %c0_i32 = arith.constant 0 : i32
    %c0_i32_0 = arith.constant 0 : i32
    %c0_i32_1 = arith.constant 0 : i32
    return %c0_i32, %c0_i32_0 : i32, i32
  }
  func.func @transform_4(%arg0: i32) -> (i32, i32) {
    %c0_i32 = arith.constant 0 : i32
    %c0_i32_0 = arith.constant 0 : i32
    return %arg0, %c0_i32 : i32, i32
  }
  func.func @transform_5(%arg0: i32) -> (i32, i32) {
    %c0_i32 = arith.constant 0 : i32
    %c0_i32_0 = arith.constant 0 : i32
    %c0_i32_1 = arith.constant 0 : i32
    return %c0_i32, %c0_i32_0 : i32, i32
  }
}

module attributes {stable_mosaic.version = 14 : i64} {
  func.func @body(%arg0: i32, %arg1: memref<1000x128xf32, #tpu.memory_space<vmem>>, %arg2: memref<8x128xf32, #tpu.memory_space<vmem>>, %arg3: memref<1x128xf32, #tpu.memory_space<vmem>>, %arg4: memref<1x128xf32, #tpu.memory_space<vmem>>, %arg5: memref<1000x1xi32, #tpu.memory_space<vmem>>, %arg6: memref<64x128xf32, #tpu.memory_space<vmem>>, %arg7: memref<64x128xf32, #tpu.memory_space<vmem>>, %arg8: memref<128x128xf32, #tpu.memory_space<vmem>>, %arg9: memref<128x128xf32, #tpu.memory_space<vmem>>, %arg10: memref<128x128xf32, #tpu.memory_space<vmem>>, %arg11: memref<1x128xf32, #tpu.memory_space<vmem>>, %arg12: memref<1x128xf32, #tpu.memory_space<vmem>>, %arg13: memref<1x128xf32, #tpu.memory_space<vmem>>, %arg14: memref<64x128xf32, #tpu.memory_space<vmem>>, %arg15: memref<64x128xf32, #tpu.memory_space<vmem>>) attributes {dimension_semantics = [#tpu.dimension_semantics<arbitrary>], iteration_bounds = array<i64: 10>, scalar_prefetch = 0 : i64, scratch_operands = 1 : i64, tpu.core_type = #tpu.core_type<tc>, window_params = [{transform_indices = @transform_0, window_bounds = array<i64: 1000, 128>}, {pipeline_mode = #tpu.pipeline_mode<synchronous>, transform_indices = @transform_1, window_bounds = array<i64: 8, 128>}, {pipeline_mode = #tpu.pipeline_mode<synchronous>, transform_indices = @transform_2, window_bounds = array<i64: 1, 128>}, {pipeline_mode = #tpu.pipeline_mode<synchronous>, transform_indices = @transform_3, window_bounds = array<i64: 1, 128>}, {transform_indices = @transform_4, window_bounds = array<i64: 1000, 1>}, {pipeline_mode = #tpu.pipeline_mode<synchronous>, transform_indices = @transform_5, window_bounds = array<i64: 64, 128>}, {pipeline_mode = #tpu.pipeline_mode<synchronous>, transform_indices = @transform_6, window_bounds = array<i64: 64, 128>}, {pipeline_mode = #tpu.pipeline_mode<synchronous>, transform_indices = @transform_7, window_bounds = array<i64: 128, 128>}, {pipeline_mode = #tpu.pipeline_mode<synchronous>, transform_indices = @transform_8, window_bounds = array<i64: 128, 128>}, {pipeline_mode = #tpu.pipeline_mode<synchronous>, transform_indices = @transform_9, window_bounds = array<i64: 128, 128>}, {pipeline_mode = #tpu.pipeline_mode<synchronous>, transform_indices = @transform_10, window_bounds = array<i64: 1, 128>}, {pipeline_mode = #tpu.pipeline_mode<synchronous>, transform_indices = @transform_11, window_bounds = array<i64: 1, 128>}, {pipeline_mode = #tpu.pipeline_mode<synchronous>, transform_indices = @transform_12, window_bounds = array<i64: 1, 128>}, {pipeline_mode = #tpu.pipeline_mode<synchronous>, transform_indices = @transform_13, window_bounds = array<i64: 64, 128>}]} {
    %get3A = arith.constant 0 : index
    %get3A_0 = arith.constant 0 : index
    %get3A_1 = vector.load %arg2[%get3A, %get3A_0] : memref<8x128xf32, #tpu.memory_space<vmem>>, vector<1x128xf32>
    %mul3A = arith.constant 9.99999974E-5 : f32
    %mul3A_2 = vector.broadcast %mul3A : f32 to vector<1x128xf32>
    %mul3A_3 = arith.mulf %get3A_1, %mul3A_2 : vector<1x128xf32>
    %get3A_4 = arith.constant 1 : index
    %get3A_5 = arith.constant 0 : index
    %get3A_6 = vector.load %arg2[%get3A_4, %get3A_5] : memref<8x128xf32, #tpu.memory_space<vmem>>, vector<1x128xf32>
    %mul3A_7 = arith.constant 9.99999974E-5 : f32
    %mul3A_8 = vector.broadcast %mul3A_7 : f32 to vector<1x128xf32>
    %mul3A_9 = arith.mulf %get3A_6, %mul3A_8 : vector<1x128xf32>
    %mul3A_10 = arith.mulf %mul3A_3, %mul3A_3 : vector<1x128xf32>
    %sub3A = arith.subf %mul3A_9, %mul3A_10 : vector<1x128xf32>
    %add3A = arith.constant 9.99999974E-6 : f32
    %add3A_11 = vector.broadcast %add3A : f32 to vector<1x128xf32>
    %add3A_12 = arith.addf %sub3A, %add3A_11 : vector<1x128xf32>
    %rsqrt3A = math.rsqrt %add3A_12 : vector<1x128xf32>
    %get3A_13 = arith.constant 0 : index
    %get3A_14 = arith.constant 0 : index
    %get3A_15 = vector.load %arg1[%get3A_13, %get3A_14] : memref<1000x128xf32, #tpu.memory_space<vmem>>, vector<1000x128xf32>
    %sub3A_16 = vector.broadcast %mul3A_3 : vector<1x128xf32> to vector<1000x128xf32>
    %sub3A_17 = arith.subf %get3A_15, %sub3A_16 : vector<1000x128xf32>
    %mul3A_18 = vector.broadcast %rsqrt3A : vector<1x128xf32> to vector<1000x128xf32>
    %mul3A_19 = arith.mulf %sub3A_17, %mul3A_18 : vector<1000x128xf32>
    %get3A_20 = arith.constant 0 : index
    %get3A_21 = arith.constant 0 : index
    %get3A_22 = vector.load %arg3[%get3A_20, %get3A_21] : memref<1x128xf32, #tpu.memory_space<vmem>>, vector<1x128xf32>
    %mul3A_23 = vector.broadcast %get3A_22 : vector<1x128xf32> to vector<1000x128xf32>
    %mul3A_24 = arith.mulf %mul3A_19, %mul3A_23 : vector<1000x128xf32>
    %get3A_25 = arith.constant 0 : index
    %get3A_26 = arith.constant 0 : index
    %get3A_27 = vector.load %arg4[%get3A_25, %get3A_26] : memref<1x128xf32, #tpu.memory_space<vmem>>, vector<1x128xf32>
    %add3A_28 = vector.broadcast %get3A_27 : vector<1x128xf32> to vector<1000x128xf32>
    %add3A_29 = arith.addf %mul3A_24, %add3A_28 : vector<1000x128xf32>
    %max3A = arith.constant 0.000000e+00 : f32
    %max3A_30 = vector.broadcast %max3A : f32 to vector<1000x128xf32>
    %max3A_31 = arith.maximumf %add3A_29, %max3A_30 : vector<1000x128xf32>
    %get3A_32 = arith.constant 0 : index
    %get3A_33 = arith.constant 0 : index
    %get3A_34 = vector.load %arg5[%get3A_32, %get3A_33] : memref<1000x1xi32, #tpu.memory_space<vmem>>, vector<1000x1xi32>
    %iota3A = tpu.iota {dimensions = array<i32: 1>} : vector<1x64xi32>
    %eq3A = vector.broadcast %get3A_34 : vector<1000x1xi32> to vector<1000x64xi32>
    %eq3A_35 = vector.broadcast %iota3A : vector<1x64xi32> to vector<1000x64xi32>
    %eq3A_36 = arith.cmpi eq, %eq3A, %eq3A_35 : vector<1000x64xi32>
    %convert_element_type3A = arith.extui %eq3A_36 : vector<1000x64xi1> to vector<1000x64xi32>
    %convert_element_type3A_37 = arith.sitofp %convert_element_type3A : vector<1000x64xi32> to vector<1000x64xf32>
    %dot_general3A = arith.constant dense<0.000000e+00> : vector<64x128xf32>
    %dot_general3A_38 = tpu.matmul %convert_element_type3A_37, %max3A_31, %dot_general3A {dimension_numbers = #tpu.dot_dimension_numbers<[0], [0], [1], [1], [0, 1, 1, 1], [], []>, transpose_lhs_hint = false} : vector<1000x64xf32>, vector<1000x128xf32>, vector<64x128xf32> -> vector<64x128xf32>
    %eq3A_39 = arith.constant 0 : i32
    %eq3A_40 = arith.cmpi eq, %arg0, %eq3A_39 : i32
    %convert_element_type3A_41 = arith.extui %eq3A_40 : i1 to i32
    %cond3A = arith.constant 0 : i32
    %cond3A_42 = arith.cmpi ne, %convert_element_type3A_41, %cond3A : i32
    scf.if %cond3A_42 {
      %swap3A = arith.constant 0 : index
      %swap3A_52 = arith.constant 0 : index
      %swap3A_53 = vector.load %arg15[%swap3A, %swap3A_52] : memref<64x128xf32, #tpu.memory_space<vmem>>, vector<64x128xf32>
      tpu.vector_store %arg15[%swap3A, %swap3A_52], %dot_general3A_38 {strides = array<i32>} : memref<64x128xf32, #tpu.memory_space<vmem>>, vector<64x128xf32>,
    } else {
    }
    %gt3A = arith.constant 0 : i32
    %gt3A_43 = arith.cmpi sgt, %arg0, %gt3A : i32
    %convert_element_type3A_44 = arith.extui %gt3A_43 : i1 to i32
    %cond3A_45 = arith.constant 0 : i32
    %cond3A_46 = arith.cmpi ne, %convert_element_type3A_44, %cond3A_45 : i32
    scf.if %cond3A_46 {
      %get3A_52 = arith.constant 0 : index
      %get3A_53 = arith.constant 0 : index
      %get3A_54 = vector.load %arg15[%get3A_52, %get3A_53] : memref<64x128xf32, #tpu.memory_space<vmem>>, vector<64x128xf32>
      %add3A_55 = arith.addf %get3A_54, %dot_general3A_38 : vector<64x128xf32>
      %swap3A = arith.constant 0 : index
      %swap3A_56 = arith.constant 0 : index
      %swap3A_57 = vector.load %arg15[%swap3A, %swap3A_56] : memref<64x128xf32, #tpu.memory_space<vmem>>, vector<64x128xf32>
      tpu.vector_store %arg15[%swap3A, %swap3A_56], %add3A_55 {strides = array<i32>} : memref<64x128xf32, #tpu.memory_space<vmem>>, vector<64x128xf32>,
    } else {
    }
    %eq3A_47 = arith.constant 9 : i32
    %eq3A_48 = arith.cmpi eq, %arg0, %eq3A_47 : i32
    %convert_element_type3A_49 = arith.extui %eq3A_48 : i1 to i32
    %cond3A_50 = arith.constant 0 : i32
    %cond3A_51 = arith.cmpi ne, %convert_element_type3A_49, %cond3A_50 : i32
    scf.if %cond3A_51 {
      %get3A_52 = arith.constant 0 : index
      %get3A_53 = arith.constant 0 : index
      %get3A_54 = vector.load %arg6[%get3A_52, %get3A_53] : memref<64x128xf32, #tpu.memory_space<vmem>>, vector<64x128xf32>
      %get3A_55 = arith.constant 0 : index
      %get3A_56 = arith.constant 0 : index
      %get3A_57 = vector.load %arg8[%get3A_55, %get3A_56] : memref<128x128xf32, #tpu.memory_space<vmem>>, vector<128x128xf32>
      %dot_general3A_58 = arith.constant dense<0.000000e+00> : vector<64x128xf32>
      %dot_general3A_59 = tpu.matmul %get3A_54, %get3A_57, %dot_general3A_58 {dimension_numbers = #tpu.dot_dimension_numbers<[1], [0], [0], [1], [0, 0, 1, 1], [], []>, transpose_lhs_hint = false} : vector<64x128xf32>, vector<128x128xf32>, vector<64x128xf32> -> vector<64x128xf32>
      %get3A_60 = arith.constant 0 : index
      %get3A_61 = arith.constant 0 : index
      %get3A_62 = vector.load %arg7[%get3A_60, %get3A_61] : memref<64x128xf32, #tpu.memory_space<vmem>>, vector<64x128xf32>
      %get3A_63 = arith.constant 0 : index
      %get3A_64 = arith.constant 0 : index
      %get3A_65 = vector.load %arg9[%get3A_63, %get3A_64] : memref<128x128xf32, #tpu.memory_space<vmem>>, vector<128x128xf32>
      %dot_general3A_66 = arith.constant dense<0.000000e+00> : vector<64x128xf32>
      %dot_general3A_67 = tpu.matmul %get3A_62, %get3A_65, %dot_general3A_66 {dimension_numbers = #tpu.dot_dimension_numbers<[1], [0], [0], [1], [0, 0, 1, 1], [], []>, transpose_lhs_hint = false} : vector<64x128xf32>, vector<128x128xf32>, vector<64x128xf32> -> vector<64x128xf32>
      %add3A_68 = arith.addf %dot_general3A_59, %dot_general3A_67 : vector<64x128xf32>
      %get3A_69 = arith.constant 0 : index
      %get3A_70 = arith.constant 0 : index
      %get3A_71 = vector.load %arg15[%get3A_69, %get3A_70] : memref<64x128xf32, #tpu.memory_space<vmem>>, vector<64x128xf32>
      %get3A_72 = arith.constant 0 : index
      %get3A_73 = arith.constant 0 : index
      %get3A_74 = vector.load %arg10[%get3A_72, %get3A_73] : memref<128x128xf32, #tpu.memory_space<vmem>>, vector<128x128xf32>
      %dot_general3A_75 = arith.constant dense<0.000000e+00> : vector<64x128xf32>
      %dot_general3A_76 = tpu.matmul %get3A_71, %get3A_74, %dot_general3A_75 {dimension_numbers = #tpu.dot_dimension_numbers<[1], [0], [0], [1], [0, 0, 1, 1], [], []>, transpose_lhs_hint = false} : vector<64x128xf32>, vector<128x128xf32>, vector<64x128xf32> -> vector<64x128xf32>
      %add3A_77 = arith.addf %add3A_68, %dot_general3A_76 : vector<64x128xf32>
      %get3A_78 = arith.constant 0 : index
      %get3A_79 = arith.constant 0 : index
      %get3A_80 = vector.load %arg11[%get3A_78, %get3A_79] : memref<1x128xf32, #tpu.memory_space<vmem>>, vector<1x128xf32>
      %add3A_81 = vector.broadcast %get3A_80 : vector<1x128xf32> to vector<64x128xf32>
      %add3A_82 = arith.addf %add3A_77, %add3A_81 : vector<64x128xf32>
      %get3A_83 = arith.constant 0 : index
      %get3A_84 = arith.constant 0 : index
      %get3A_85 = vector.load %arg12[%get3A_83, %get3A_84] : memref<1x128xf32, #tpu.memory_space<vmem>>, vector<1x128xf32>
      %add3A_86 = vector.broadcast %get3A_85 : vector<1x128xf32> to vector<64x128xf32>
      %add3A_87 = arith.addf %add3A_82, %add3A_86 : vector<64x128xf32>
      %get3A_88 = arith.constant 0 : index
      %get3A_89 = arith.constant 0 : index
      %get3A_90 = vector.load %arg13[%get3A_88, %get3A_89] : memref<1x128xf32, #tpu.memory_space<vmem>>, vector<1x128xf32>
      %add3A_91 = vector.broadcast %get3A_90 : vector<1x128xf32> to vector<64x128xf32>
      %add3A_92 = arith.addf %add3A_87, %add3A_91 : vector<64x128xf32>
      %swap3A = arith.constant 0 : index
      %swap3A_93 = arith.constant 0 : index
      %swap3A_94 = vector.load %arg14[%swap3A, %swap3A_93] : memref<64x128xf32, #tpu.memory_space<vmem>>, vector<64x128xf32>
      tpu.vector_store %arg14[%swap3A, %swap3A_93], %add3A_92 {strides = array<i32>} : memref<64x128xf32, #tpu.memory_space<vmem>>, vector<64x128xf32>,
    } else {
    }
    return
  }
  func.func @transform_0(%arg0: i32) -> (i32, i32) {
    %c0_i32 = arith.constant 0 : i32
    %c0_i32_0 = arith.constant 0 : i32
    return %arg0, %c0_i32 : i32, i32
  }
  func.func @transform_1(%arg0: i32) -> (i32, i32) {
    %c0_i32 = arith.constant 0 : i32
    %c0_i32_0 = arith.constant 0 : i32
    %c0_i32_1 = arith.constant 0 : i32
    return %c0_i32, %c0_i32_0 : i32, i32
  }
  func.func @transform_2(%arg0: i32) -> (i32, i32) {
    %c0_i32 = arith.constant 0 : i32
    %c0_i32_0 = arith.constant 0 : i32
    %c0_i32_1 = arith.constant 0 : i32
    return %c0_i32, %c0_i32_0 : i32, i32
  }
  func.func @transform_3(%arg0: i32) -> (i32, i32) {
    %c0_i32 = arith.constant 0 : i32
    %c0_i32_0 = arith.constant 0 : i32
    %c0_i32_1 = arith.constant 0 : i32
    return %c0_i32, %c0_i32_0 : i32, i32
  }
  func.func @transform_4(%arg0: i32) -> (i32, i32) {
    %c0_i32 = arith.constant 0 : i32
    %c0_i32_0 = arith.constant 0 : i32
    return %arg0, %c0_i32 : i32, i32
  }
  func.func @transform_5(%arg0: i32) -> (i32, i32) {
    %c0_i32 = arith.constant 0 : i32
    %c0_i32_0 = arith.constant 0 : i32
    %c0_i32_1 = arith.constant 0 : i32
    return %c0_i32, %c0_i32_0 : i32, i32
  }
  func.func @transform_6(%arg0: i32) -> (i32, i32) {
    %c0_i32 = arith.constant 0 : i32
    %c0_i32_0 = arith.constant 0 : i32
    %c0_i32_1 = arith.constant 0 : i32
    return %c0_i32, %c0_i32_0 : i32, i32
  }
  func.func @transform_7(%arg0: i32) -> (i32, i32) {
    %c0_i32 = arith.constant 0 : i32
    %c0_i32_0 = arith.constant 0 : i32
    %c0_i32_1 = arith.constant 0 : i32
    return %c0_i32, %c0_i32_0 : i32, i32
  }
  func.func @transform_8(%arg0: i32) -> (i32, i32) {
    %c0_i32 = arith.constant 0 : i32
    %c0_i32_0 = arith.constant 0 : i32
    %c0_i32_1 = arith.constant 0 : i32
    return %c0_i32, %c0_i32_0 : i32, i32
  }
  func.func @transform_9(%arg0: i32) -> (i32, i32) {
    %c0_i32 = arith.constant 0 : i32
    %c0_i32_0 = arith.constant 0 : i32
    %c0_i32_1 = arith.constant 0 : i32
    return %c0_i32, %c0_i32_0 : i32, i32
  }
  func.func @transform_10(%arg0: i32) -> (i32, i32) {
    %c0_i32 = arith.constant 0 : i32
    %c0_i32_0 = arith.constant 0 : i32
    %c0_i32_1 = arith.constant 0 : i32
    return %c0_i32, %c0_i32_0 : i32, i32
  }
  func.func @transform_11(%arg0: i32) -> (i32, i32) {
    %c0_i32 = arith.constant 0 : i32
    %c0_i32_0 = arith.constant 0 : i32
    %c0_i32_1 = arith.constant 0 : i32
    return %c0_i32, %c0_i32_0 : i32, i32
  }
  func.func @transform_12(%arg0: i32) -> (i32, i32) {
    %c0_i32 = arith.constant 0 : i32
    %c0_i32_0 = arith.constant 0 : i32
    %c0_i32_1 = arith.constant 0 : i32
    return %c0_i32, %c0_i32_0 : i32, i32
  }
  func.func @transform_13(%arg0: i32) -> (i32, i32) {
    %c0_i32 = arith.constant 0 : i32
    %c0_i32_0 = arith.constant 0 : i32
    %c0_i32_1 = arith.constant 0 : i32
    return %c0_i32, %c0_i32_0 : i32, i32
  }
}

</mosaic_0001>

<sc_bundles>
// kernel: kernel.12.cloned.1.call-start
scs
__scs_entry_jumppad:
0x0: {  	(pc) =	sbr.rel $0x88, $3  }
0x1: {  	(tag) =	ssettag $0x0;
	lr =	simm.s32 $0x1  }
0x2: {  	[smem:$0x3F90] =	sst lr;
	_ =	strace $0xD0000000  }
0x3: {  	_ = 	snop  }
0x4: {  	_ = 	snop  }
0x5: {  	_ = 	snop  }
0x6: {  	_ = 	snop  }
0x7: {  	_ = 	snop  }
__scs_overlays_trampoline_lowered:
0x8: {  	[smem:$0x3F9F] =	sst s0  }
0x9: {  	[smem:$0x3FA0] =	sst s1  }
0xa: {  	[smem:$0x3FA1] =	sst s2  }
0xb: {  	[smem:$0x3FA2] =	sst s3  }
0xc: {  	[smem:$0x3FA3] =	sst s4  }
0xd: {  	[smem:$0x3FA4] =	sst s5  }
0xe: {  	[smem:$0x3FA5] =	sst s6  }
0xf: {  	[smem:$0x3FA6] =	sst s7  }
0x10: {  	[smem:$0x3FA7] =	sst s8  }
0x11: {  	[smem:$0x3FA8] =	sst s9;
	s0 =	simm.s32 @!p0 $0x0  }
0x12: {  	s1 =	sld [smem:$0x3F8E];
	s0 =	simm.s32 @p0 $0x1  }
0x13: {  	[smem:$0x3FA9] =	sst s0;
	s0 =	simm.s32 @!p1 $0x0  }
0x14: {  	s2 =	sld [smem:$0x3F8D];
	s0 =	simm.s32 @p1 $0x1  }
0x15: {  	[smem:$0x3FAA] =	sst s0;
	s0 =	simm.s32 @!p2 $0x0  }
0x16: {  	s3 =	sld [smem:$0x3FDB];
	s0 =	simm.s32 @p2 $0x1  }
0x17: {  	s4 =	simm.s32 $0x1BF5;
	[smem:$0x3FAC] =	sst s0  }
0x18: {  	s0 =	sld [smem:$0x3F8F];
	_ =	swait.ge [sflag:s4], $0x0  }
0x19: {  	s7 =	sld [smem:$0x3F90]  }
0x1a: {  	s8 =	sadd.s32 $0xFFFFE003, lr  }
0x1b: {  	s9 =	sadd.s32 $0xFFFFFEF7, lr;
	s5 =	simm.s32 $0xFFFFFFFF;
	p2 =	slt.u32 s8, $0xFFFFF086  }
0x1c: {  	p1 =	slt.u32 s9, $0xF7A;
	s5 =	simm.s32 @!p2 $0x0  }
0x1d: {  	s5 =	simm.s32 @p1 $0x1;
	p0 =	seq.s32 s7, s2  }
0x1e: {  	s7 =	smul.u32 @!p0 $0xF7A, s2;
	p2 =	seq.s32 @!p0 s5, $0x0  }
0x1f: {  	s9 =	smul.u32 $0xF7A, s1;
	s8 =	simm.s32 @!p0 $0x1BF5;
	p2 =	por !p2, p0  }
0x20: {  	[sflag:s8] =	ssyncset.s32 @!p0 $0xFFFFF086;
	s6 =	sadd.s32 @!p0 s3, s7;
	s7 =	simm.s32 @!p0 $0x108  }
0x21: {  	s3 =	sadd.s32 s3, s9;
	s6 =	sadd.s32 @!p0 $0x88, s6;
	s7 =	simm.s32 @p2 $0x1082  }
0x22: {  	[simem:s7], [sflag:s8] =	dma.local @!p0 [hbm:s6], $0xF7A  }
0x23: {  	s9 =	sor.u32 $0xD0000000, s2;
	s6 =	simm.s32 $0x108;
	_ =	swait.ge @!p0 [sflag:s8], $0x0  }
0x24: {  	s3 =	sadd.s32 $0x88, s3;
	s6 =	simm.s32 @!p1 $0x1082;
	[sflag:s4] =	ssyncset.s32 $0xFFFFF086  }
0x25: {  	[simem:s6], [sflag:s4] =	dma.local [hbm:s3], $0xF7A  }
0x26: {  	[smem:$0x3F90] =	sst s1;
	(tag) =	ssettag s2;
	_ =	strace s9  }
0x27: {  	s1 =	sld [smem:$0x3FA0]  }
0x28: {  	s2 =	sld [smem:$0x3FA1]  }
0x29: {  	s4 =	sld [smem:$0x3FA3]  }
0x2a: {  	p0 =	seq.s32 s5, $0x0;
	s5 =	sld [smem:$0x3FA4]  }
0x2b: {  	s6 =	sld [smem:$0x3FA5]  }
0x2c: {  	s7 =	sld [smem:$0x3FA6]  }
0x2d: {  	s3 =	simm.s32 $0x108;
	s8 =	sld [smem:$0x3FA7]  }
0x2e: {  	s3 =	simm.s32 @!p0 $0x1082;
	s9 =	sld [smem:$0x3FA8]  }
0x2f: {  	lr =	sadd.s32 s0, s3;
	s0 =	sld [smem:$0x3F9F]  }
0x30: {  	s3 =	sld [smem:$0x3FA2]  }
0x31: {  	[smem:$0x3FAB] =	sst s10  }
0x32: {  	s10 =	sld [smem:$0x3FA9];
	_ =	sdelay $0x3  }
0x33: {  	p0 =	seq.s32 s10, $0x1;
	s10 =	sld [smem:$0x3FAB];
	_ =	sdelay $0x3  }
0x34: {  	[smem:$0x3FAB] =	sst s10  }
0x35: {  	s10 =	sld [smem:$0x3FAA];
	_ =	sdelay $0x3  }
0x36: {  	p1 =	seq.s32 s10, $0x1;
	s10 =	sld [smem:$0x3FAB];
	_ =	sdelay $0x3  }
0x37: {  	[smem:$0x3FAB] =	sst s10  }
0x38: {  	s10 =	sld [smem:$0x3FAC]  }
0x39: {  	_ = 	snop;
	(pc) =	sbr.ind lr, $3  }
0x3a: {  	_ = 	snop  }
0x3b: {  	_ = 	snop  }
0x3c: {  	p2 =	seq.s32 s10, $0x1;
	s10 =	sld [smem:$0x3FAB]  }
0x3d: {  	_ =	shalt  }
0x3e: {  	_ =	shalt  }
0x3f: {  	_ =	shalt  }
0x40: {  	_ =	shalt  }
0x41: {  	_ =	shalt  }
0x42: {  	_ =	shalt  }
0x43: {  	_ =	shalt  }
0x44: {  	_ =	shalt  }
0x45: {  	_ =	shalt  }
0x46: {  	_ =	shalt  }
0x47: {  	_ =	shalt  }
0x48: {  	_ =	shalt  }
0x49: {  	_ =	shalt  }
0x4a: {  	_ =	shalt  }
0x4b: {  	_ =	shalt  }
0x4c: {  	_ =	shalt  }
0x4d: {  	_ =	shalt  }
0x4e: {  	_ =	shalt  }
0x4f: {  	_ =	shalt  }
0x50: {  	_ =	shalt  }
0x51: {  	_ =	shalt  }
0x52: {  	_ =	shalt  }
0x53: {  	_ =	shalt  }
0x54: {  	_ =	shalt  }
0x55: {  	_ =	shalt  }
0x56: {  	_ =	shalt  }
0x57: {  	_ =	shalt  }
0x58: {  	_ =	shalt  }
0x59: {  	_ =	shalt  }
0x5a: {  	_ =	shalt  }
0x5b: {  	_ =	shalt  }
0x5c: {  	_ =	shalt  }
0x5d: {  	_ =	shalt  }
0x5e: {  	_ =	shalt  }
0x5f: {  	_ =	shalt  }
0x60: {  	_ =	shalt  }
0x61: {  	_ =	shalt  }
0x62: {  	_ =	shalt  }
0x63: {  	_ =	shalt  }
0x64: {  	_ =	shalt  }
0x65: {  	_ =	shalt  }
0x66: {  	_ =	shalt  }
0x67: {  	_ =	shalt  }
0x68: {  	_ =	shalt  }
0x69: {  	_ =	shalt  }
0x6a: {  	_ =	shalt  }
0x6b: {  	_ =	shalt  }
0x6c: {  	_ =	shalt  }
0x6d: {  	_ =	shalt  }
0x6e: {  	_ =	shalt  }
0x6f: {  	_ =	shalt  }
0x70: {  	_ =	shalt  }
0x71: {  	_ =	shalt  }
0x72: {  	_ =	shalt  }
0x73: {  	_ =	shalt  }
0x74: {  	_ =	shalt  }
0x75: {  	_ =	shalt  }
0x76: {  	_ =	shalt  }
0x77: {  	_ =	shalt  }
0x78: {  	_ =	shalt  }
0x79: {  	_ =	shalt  }
0x7a: {  	_ =	shalt  }
0x7b: {  	_ =	shalt  }
0x7c: {  	_ =	shalt  }
0x7d: {  	_ =	shalt  }
0x7e: {  	_ =	shalt  }
0x7f: {  	_ =	shalt  }
0x80: {  	_ =	shalt  }
0x81: {  	_ =	shalt  }
0x82: {  	_ =	shalt  }
0x83: {  	_ =	shalt  }
0x84: {  	_ =	shalt  }
0x85: {  	_ =	shalt  }
0x86: {  	_ =	shalt  }
0x87: {  	_ =	shalt  }
.Lfunc_end0:
.L_simem_size_0:
called_computation_lowered:
.L_overlay_start_0:
0x88: {  	s2 =	sld [smem:$0x3FD9]  }
0x89: {  	s3 =	sld [smem:$0x3FFE];
	_ =	sdelay $0x1  }
0x8a: {  	s1 =	srdreg.scid  }
0x8b: {  	s0 =	sand.u32 $0x1, s1  }
0x8c: {  	s16 =	sshll.u32 s0, $0xA;
	s2 =	sadd.s32 s3, s2  }
0x8d: {  	s2 =	sadd.s32 s2, s16  }
0x8e: {  	[smem:$0x3FB7] =	sst s2  }
0x8f: {  	_ = 	snop  }
0x90: {  	(tm) =	ssettm $0x1  }
0x91: {  	s17 =	sld [smem:$0x3FFB];
	_ =	sdelay $0x3  }
0x92: {  	_ =	strace s17  }
0x93: {  	s2 =	sld [smem:$0x3FFC];
	_ =	sdelay $0x3  }
0x94: {  	_ =	strace s2  }
0x95: {  	s2 =	sld [smem:$0x3FFD];
	_ =	sdelay $0x3  }
0x96: {  	_ =	strace s2  }
0x97: {  	_ =	strace $0x8FFFFFFF  }
0x98: {  	s18 =	sld [smem:$0x3FDB];
	_ =	sdelay $0x1  }
0x99: {  	s19 =	simm.s32 $_scs_section_size  }
0x9a: {  	s4 =	simm.s32 $_size__tile_overlayer_lowered;
	s5 =	simm.s32 $_tile_overlayer_lowered  }
0x9b: {  	s22 =	simm.s32 $0x1BFF;
	s21 =	sshll.u32 s5, $0x1;
	s2 =	sadd.s32 s19, s18  }
0x9c: {  	s6 =	simm.s32 $0x0;
	s20 =	sshll.u32 s4, $0x1;
	s4 =	sadd.s32 s21, s2  }
0x9d: {  	[timem:s6], [sflag:s22] =	dma.local [hbm:s4], s20  }
0x9e: {  	_ =	swait.ge [sflag:s22], s20  }
0x9f: {  	s3 =	ssub.s32 $0x0, s20;
	[sflag:s22] =	ssyncset.done $0x0  }
0xa0: {  	[sflag:s22] =	ssyncadd.s32 s3;
	_ =	sdelay $0x1  }
0xa1: {  	s23 =	simm.s32 $0x1B8B  }
0xa2: {  	_ =	swait.ge [sflag:s23], $0x1  }
0xa3: {  	[sflag:s23] =	ssyncset.done $0x0  }
0xa4: {  	s25 =	simm.s32 $0x1B8E;
	s24 =	sld [smem:$0x3FFE];
	[sflag:s23] =	ssyncadd.s32 $0xFFFFFFFF  }
0xa5: {  	s26 =	simm.s32 $execute0_lowered;
	[smem:$0x3FD2] =	sst s25  }
0xa6: {  	s4 =	sshll.u32 s26, $0x1;
	_ =	strace $0x80000046;
	[dreg:$0x1] =	wrdreg $0xFFFFFFFF  }
0xa7: {  	s28 =	simm.s32 $_size_execute0_lowered;
	s2 =	sadd.s32 s2, s4;
	[dreg:$0x0] =	wrdreg $0x0  }
0xa8: {  	s4 =	sshll.u32 s28, $0x1;
	[dreg:$0x2] =	wrdreg s2  }
0xa9: {  	[dreg:$0x3] =	wrdreg s4  }
0xaa: {  	[dreg:$0x4] =	wrdreg $0xC0  }
0xab: {  	_ =	task [dreg:s6], $0x5FFFF  }
0xac: {  	[dreg:$0x1] =	wrdreg $0xFFFFFFFF  }
0xad: {  	[dreg:$0x0] =	wrdreg $0x60  }
0xae: {  	[dreg:$0x2] =	wrdreg s24  }
0xaf: {  	[dreg:$0x3] =	wrdreg $0x2F000  }
0xb0: {  	[dreg:$0x4] =	wrdreg $0x9  }
0xb1: {  	_ =	task.clear_ibuf [dreg:s6], $0x5FFFF;
	_ =	strace $0x90000046  }
0xb2: {  	s29 =	simm.s32 $0x9;
	_ =	strace $0x80000048  }
0xb3: {  	_ =	swait.ge [sflag:s29], $0x1  }
0xb4: {  	[sflag:s29] =	ssyncadd.s32 $0xFFFFFFFF  }
0xb5: {  	_ =	strace $0x90000048  }
0xb6: {  	_ =	sfence  }
0xb7: {  	s30 =	sld [smem:$0x0];
	_ =	sdelay $0x2  }
0xb8: {  	s31 =	sshll.u32 s1, $0xD;
	s1 =	sshrl.u32 s1, $0x2  }
0xb9: {  	s3 =	sand.u32 $0x4000, s31;
	s1 =	sadd.s32 s1, s30  }
0xba: {  	s0 =	sor.u32 s3, s0;
	s1 =	sshll.u32 s1, $0x11  }
0xbb: {  	s0 =	sor.u32 s1, s0  }
0xbc: {  	s0 =	sadd.s32 $0x8F2B, s0  }
0xbd: {  	[sflag:s0] =	ssyncadd.remote.s32 $0x1  }
0xbe: {  	_ =	sfence.sel $0xFFFF  }
0xbf: {  	[dreg:$0x0] =	wrdreg $0xFFFFFFFF;
	(pc) =	sbr.abs _section_cstart, $3  }
0xc0: {  	[dreg:$0x1] =	wrdreg $0xFFFFFFFF  }
0xc1: {  	_ =	task.clear_ibuf [dreg:s6], $0x2FFFF;
	_ =	strace $0x9FFFFFFF  }
0xc2: {  	(tm) =	ssettm $0x7FFFFFFF  }
0xc3: {  	_ =	shalt  }
tec
execute0_lowered:
.L_overlay_start_1:
0x0: {  	(tag) =	ssettag $0x1  }
0x1: {  	s4 =	rddreg [dreg:$0x0];
	s0 =	srdreg.scid  }
0x2: {  	s2 =	rddreg [dreg:$0x1];
	s1 =	stileid.u32  }
0x3: {  	s3 =	simm.s32 $0x0;
	s10 =	simm.s32 $0x80;
	s11 =	simm.s32 $0x2C00  }
0x4: {  	s14 =	simm.s32 $0x20;
	s15 =	simm.s32 $0x10;
	s16 =	simm.s32 $0x0  }
0x5: {  	s5 =	sand.u32 $0x1, s0;
	s0 =	rddreg [dreg:$0x2];
	s7 =	smul.u32 $0x500, s1  }
0x6: {  	[smem:$0x7FF] =	sst s3;
	s30 =	smul.u32 $0xA00, s1;
	s12 =	sshll.u32 s1, $0x6  }
0x7: {  	s6 =	sshll.u32 s5, $0x4;
	s8 =	sshll.u32 s5, $0x7;
	_ =	strace $0x80000047  }
0x8: {  	s5 =	ssub.s32 $0x2, s5;
	s12 =	sor.u32 $0x1C01, s12;
	s6 =	sor.u32 s1, s6  }
0x9: {  	s7 =	sor.u32 s8, s7;
	s31 =	sshrl.u32 s5, $0x1;
	s6 =	smul.u32 $0x580, s6  }
0xa: {  	s8 =	sshrl.u32 s30, $0x2;
	s7 =	sshrl.u32 s7, $0x3;
	s9 =	ssub.s32 s5, s31  }
0xb: {  	s5 =	sadd.s32 s8, s2;
	s8 =	simm.s32 $0x1;
	s6 =	sadd.s32 s6, s4  }
0xc: {  	s7 =	sadd.s32 s7, s4;
	s13 =	sshrl.u32 s5, $0x3;
	s4 =	sadd.s32 $0x4400, s6  }
0xd: {  	v0 =	vimm.f32 $1.000000000e+00;
	v1 =	vimm.f32 $0.0e+00;
	s6 =	sadd.s32 $0xF400, s7;
	s7 =	smax.u32 s9, $0x1;
	s9 =	simm.s32 $0x2C80  }
.LBB2_1:
0xe: {  	[tilespmem:s3], [sflag:$0x1] =	stream.linear.gather [hbm4b:s4+s3], $0x2880, $0x38;
	[tilespmem:$0x3180] =	vst v63  }
0xf: {  	_ =	swait.ge [sflag:s8], $0x2880  }
0x10: {  	[sflag:s8] =	ssyncset.done $0x0  }
0x11: {  	[sflag:s8] =	ssyncadd.s32 $0xFFFFD780  }
0x12: {  	[tilespmem:$0x2C00] =	vst v0  }
0x13: {  	[tilespmem:$0x2C10] =	vst v0  }
0x14: {  	[tilespmem:$0x2C20] =	vst v0  }
0x15: {  	[tilespmem:$0x2C30] =	vst v0  }
0x16: {  	[tilespmem:$0x2C40] =	vst v0  }
0x17: {  	[tilespmem:$0x2C50] =	vst v0  }
0x18: {  	[tilespmem:$0x2C60] =	vst v0  }
0x19: {  	[tilespmem:$0x2C70] =	vst v0  }
0x1a: {  	[tilespmem:$0x2C80] =	vst v1  }
0x1b: {  	[tilespmem:$0x2C90] =	vst v1  }
0x1c: {  	[tilespmem:$0x2CA0] =	vst v1  }
0x1d: {  	[tilespmem:$0x2CB0] =	vst v1  }
0x1e: {  	[tilespmem:$0x2CC0] =	vst v1  }
0x1f: {  	[tilespmem:$0x2CD0] =	vst v1  }
0x20: {  	[tilespmem:$0x2CE0] =	vst v1  }
0x21: {  	[tilespmem:$0x2CF0] =	vst v1  }
0x22: {  	[tilespmem:$0x2D00] =	vst v1  }
0x23: {  	[tilespmem:$0x2D10] =	vst v1  }
0x24: {  	[tilespmem:$0x2D20] =	vst v1  }
0x25: {  	[tilespmem:$0x2D30] =	vst v1  }
0x26: {  	[tilespmem:$0x2D40] =	vst v1  }
0x27: {  	[tilespmem:$0x2D50] =	vst v1  }
0x28: {  	[tilespmem:$0x2D60] =	vst v1  }
0x29: {  	[tilespmem:$0x2D70] =	vst v1  }
0x2a: {  	[tilespmem:$0x2D80] =	vst v1  }
0x2b: {  	[tilespmem:$0x2D90] =	vst v1  }
0x2c: {  	[tilespmem:$0x2DA0] =	vst v1  }
0x2d: {  	[tilespmem:$0x2DB0] =	vst v1  }
0x2e: {  	[tilespmem:$0x2DC0] =	vst v1  }
0x2f: {  	[tilespmem:$0x2DD0] =	vst v1  }
0x30: {  	[tilespmem:$0x2DE0] =	vst v1  }
0x31: {  	[tilespmem:$0x2DF0] =	vst v1  }
0x32: {  	[tilespmem:$0x2E00] =	vst v1  }
0x33: {  	[tilespmem:$0x2E10] =	vst v1  }
0x34: {  	[tilespmem:$0x2E20] =	vst v1  }
0x35: {  	[tilespmem:$0x2E30] =	vst v1  }
0x36: {  	[tilespmem:$0x2E40] =	vst v1  }
0x37: {  	[tilespmem:$0x2E50] =	vst v1  }
0x38: {  	[tilespmem:$0x2E60] =	vst v1  }
0x39: {  	[tilespmem:$0x2E70] =	vst v1  }
0x3a: {  	[tilespmem:$0x2E80] =	vst v1  }
0x3b: {  	[tilespmem:$0x2E90] =	vst v1  }
0x3c: {  	[tilespmem:$0x2EA0] =	vst v1  }
0x3d: {  	[tilespmem:$0x2EB0] =	vst v1  }
0x3e: {  	[tilespmem:$0x2EC0] =	vst v1  }
0x3f: {  	[tilespmem:$0x2ED0] =	vst v1  }
0x40: {  	[tilespmem:$0x2EE0] =	vst v1  }
0x41: {  	[tilespmem:$0x2EF0] =	vst v1  }
0x42: {  	[spmem:s5] =	stream.linear.scatter [tilespmem:s9], [sflag:$0x1], $0x280, $0x38;
	[tilespmem:$0x3180] =	vst v63  }
0x43: {  	_ =	swait.ge [sflag:s8], $0x280  }
0x44: {  	[sflag:s8] =	ssyncset.done $0x0  }
0x45: {  	[sflag:s8] =	ssyncadd.s32 $0xFFFFFD80  }
0x46: {  	s17 =	simm.s32 $0x0;
	[bflag:$0x0] =	sbarrier.arrive $0xFFFF  }
0x47: {  	[spmem:s2] =	stream.indirect.scatter.add.f32 [tilespmem:s11], [sflag:$0x1], $0x1, s17, s10, $0xb8;
	[tilespmem:$0x3180] =	vst v63  }
0x48: {  	_ =	swait.ge [sflag:s8], $0x80  }
0x49: {  	s17 =	simm.s32 $0x200;
	[sflag:s8] =	ssyncset.done $0x0  }
.LBB2_2:
0x4a: {  	s18 =	sshra.s32 s17, $0x2;
	[sflag:s8] =	ssyncadd.s32 $0xFFFFFF80;
	p0 =	sne.s32 s17, $0xA000  }
0x4b: {  	[spmem:s2] =	stream.indirect.scatter.add.f32 [tilespmem:s11], [sflag:$0x1], $0x1, s18, s10, $0xb8;
	[tilespmem:$0x3180] =	vst v63  }
.Ltmp0:
0x4c: {  	_ = 	snop;
	(pc) =	sbr.rel @p0 .LBB2_2-.Ltmp0, $4  }
0x4d: {  	_ = 	snop  }
0x4e: {  	s17 =	sadd.s32 $0x200, s17  }
0x4f: {  	_ =	swait.ge [sflag:s8], $0x80  }
0x50: {  	[sflag:s8] =	ssyncset.done $0x0  }
0x51: {  	s16 =	sadd.s32 $0x1, s16  }
0x52: {  	[sflag:s8] =	ssyncadd.s32 $0xFFFFFF80;
	p0 =	sne.s32 s16, s7  }
.Ltmp1:
0x53: {  	[bflag:$0x0] =	sbarrier.arrive $0xFFFF;
	(pc) =	sbr.rel @p0 .LBB2_1-.Ltmp1, $4  }
0x54: {  	[hbm:s6@s14], [sflag:s12] =	dma.strided [spmem:s13@s15], $0x50, s8, $0x10   }
0x55: {  	_ =	swait.ge [sflag:s8], $0x50  }
0x56: {  	[sflag:s8] =	ssyncset.done $0x0  }
0x57: {  	[sflag:s8] =	ssyncadd.s32 $0xFFFFFFB0  }
0x58: {  	_ =	sfence.sel $0x180000  }
0x59: {  	[bflag:$0x0] =	sbarrier.arrive $0xFFFF  }
0x5a: {  	p0 =	sne.s32 s1, $0x0;
	_ =	strace $0x90000047  }
0x5b: {  	s0 =	sadd.s32 @!p0 $0x100000, s0;
	[bflag:$0x2] =	sbarrier.arrive $0xFFFF  }
0x5c: {  	[sflag:s0] =	ssyncadd.tile.s32 @!p0 $0x1;
	_ =	shalt  }
.Lfunc_end2:
_tile_overlayer_lowered:
.L_overlay_start_2:
0x5d: {  	(tag) =	ssettag $0x2  }
0x5e: {  	s0 =	rddreg [dreg:$0x0];
	s2 =	stileid.u32  }
0x5f: {  	s1 =	rddreg [dreg:$0x1];
	p0 =	sne.s32 s2, $0x0  }
0x60: {  	s3 =	rddreg [dreg:$0x2];
	[bflag:$0x3] =	sbarrier.arrive $0xFFFF;
	s2 =	simm.s32 @!p0 $0x1C01  }
0x61: {  	[timem:s3], [sflag:s2] =	dma.local @!p0 [hbm:s0], s1  }
0x62: {  	s0 =	simm.s32 @!p0 $0x1  }
0x63: {  	_ =	swait.ge @!p0 [sflag:s0], s1  }
0x64: {  	s1 =	ssub.s32 @!p0 $0x0, s1;
	[sflag:s0] =	ssyncset.done @!p0 $0x0  }
0x65: {  	[sflag:s0] =	ssyncadd.s32 @!p0 s1  }
0x66: {  	[bflag:$0x3] =	sbarrier.arrive $0xFFFF  }
0x67: {  	_ =	shalt  }

// kernel: kernel.15.cloned.1.call-start
scs
__scs_entry_jumppad:
0x0: {  	(pc) =	sbr.rel $0x88, $3  }
0x1: {  	(tag) =	ssettag $0x0;
	lr =	simm.s32 $0x1  }
0x2: {  	[smem:$0x3F90] =	sst lr;
	_ =	strace $0xD0000000  }
0x3: {  	_ = 	snop  }
0x4: {  	_ = 	snop  }
0x5: {  	_ = 	snop  }
0x6: {  	_ = 	snop  }
0x7: {  	_ = 	snop  }
__scs_overlays_trampoline_lowered:
0x8: {  	[smem:$0x3F9F] =	sst s0  }
0x9: {  	[smem:$0x3FA0] =	sst s1  }
0xa: {  	[smem:$0x3FA1] =	sst s2  }
0xb: {  	[smem:$0x3FA2] =	sst s3  }
0xc: {  	[smem:$0x3FA3] =	sst s4  }
0xd: {  	[smem:$0x3FA4] =	sst s5  }
0xe: {  	[smem:$0x3FA5] =	sst s6  }
0xf: {  	[smem:$0x3FA6] =	sst s7  }
0x10: {  	[smem:$0x3FA7] =	sst s8  }
0x11: {  	[smem:$0x3FA8] =	sst s9;
	s0 =	simm.s32 @!p0 $0x0  }
0x12: {  	s1 =	sld [smem:$0x3F8E];
	s0 =	simm.s32 @p0 $0x1  }
0x13: {  	[smem:$0x3FA9] =	sst s0;
	s0 =	simm.s32 @!p1 $0x0  }
0x14: {  	s2 =	sld [smem:$0x3F8D];
	s0 =	simm.s32 @p1 $0x1  }
0x15: {  	[smem:$0x3FAA] =	sst s0;
	s0 =	simm.s32 @!p2 $0x0  }
0x16: {  	s3 =	sld [smem:$0x3FDB];
	s0 =	simm.s32 @p2 $0x1  }
0x17: {  	s4 =	simm.s32 $0x1BF5;
	[smem:$0x3FAC] =	sst s0  }
0x18: {  	s0 =	sld [smem:$0x3F8F];
	_ =	swait.ge [sflag:s4], $0x0  }
0x19: {  	s7 =	sld [smem:$0x3F90]  }
0x1a: {  	s8 =	sadd.s32 $0xFFFFE003, lr  }
0x1b: {  	s9 =	sadd.s32 $0xFFFFFEF7, lr;
	s5 =	simm.s32 $0xFFFFFFFF;
	p2 =	slt.u32 s8, $0xFFFFF086  }
0x1c: {  	p1 =	slt.u32 s9, $0xF7A;
	s5 =	simm.s32 @!p2 $0x0  }
0x1d: {  	s5 =	simm.s32 @p1 $0x1;
	p0 =	seq.s32 s7, s2  }
0x1e: {  	s7 =	smul.u32 @!p0 $0xF7A, s2;
	p2 =	seq.s32 @!p0 s5, $0x0  }
0x1f: {  	s9 =	smul.u32 $0xF7A, s1;
	s8 =	simm.s32 @!p0 $0x1BF5;
	p2 =	por !p2, p0  }
0x20: {  	[sflag:s8] =	ssyncset.s32 @!p0 $0xFFFFF086;
	s6 =	sadd.s32 @!p0 s3, s7;
	s7 =	simm.s32 @!p0 $0x108  }
0x21: {  	s3 =	sadd.s32 s3, s9;
	s6 =	sadd.s32 @!p0 $0x88, s6;
	s7 =	simm.s32 @p2 $0x1082  }
0x22: {  	[simem:s7], [sflag:s8] =	dma.local @!p0 [hbm:s6], $0xF7A  }
0x23: {  	s9 =	sor.u32 $0xD0000000, s2;
	s6 =	simm.s32 $0x108;
	_ =	swait.ge @!p0 [sflag:s8], $0x0  }
0x24: {  	s3 =	sadd.s32 $0x88, s3;
	s6 =	simm.s32 @!p1 $0x1082;
	[sflag:s4] =	ssyncset.s32 $0xFFFFF086  }
0x25: {  	[simem:s6], [sflag:s4] =	dma.local [hbm:s3], $0xF7A  }
0x26: {  	[smem:$0x3F90] =	sst s1;
	(tag) =	ssettag s2;
	_ =	strace s9  }
0x27: {  	s1 =	sld [smem:$0x3FA0]  }
0x28: {  	s2 =	sld [smem:$0x3FA1]  }
0x29: {  	s4 =	sld [smem:$0x3FA3]  }
0x2a: {  	p0 =	seq.s32 s5, $0x0;
	s5 =	sld [smem:$0x3FA4]  }
0x2b: {  	s6 =	sld [smem:$0x3FA5]  }
0x2c: {  	s7 =	sld [smem:$0x3FA6]  }
0x2d: {  	s3 =	simm.s32 $0x108;
	s8 =	sld [smem:$0x3FA7]  }
0x2e: {  	s3 =	simm.s32 @!p0 $0x1082;
	s9 =	sld [smem:$0x3FA8]  }
0x2f: {  	lr =	sadd.s32 s0, s3;
	s0 =	sld [smem:$0x3F9F]  }
0x30: {  	s3 =	sld [smem:$0x3FA2]  }
0x31: {  	[smem:$0x3FAB] =	sst s10  }
0x32: {  	s10 =	sld [smem:$0x3FA9];
	_ =	sdelay $0x3  }
0x33: {  	p0 =	seq.s32 s10, $0x1;
	s10 =	sld [smem:$0x3FAB];
	_ =	sdelay $0x3  }
0x34: {  	[smem:$0x3FAB] =	sst s10  }
0x35: {  	s10 =	sld [smem:$0x3FAA];
	_ =	sdelay $0x3  }
0x36: {  	p1 =	seq.s32 s10, $0x1;
	s10 =	sld [smem:$0x3FAB];
	_ =	sdelay $0x3  }
0x37: {  	[smem:$0x3FAB] =	sst s10  }
0x38: {  	s10 =	sld [smem:$0x3FAC]  }
0x39: {  	_ = 	snop;
	(pc) =	sbr.ind lr, $3  }
0x3a: {  	_ = 	snop  }
0x3b: {  	_ = 	snop  }
0x3c: {  	p2 =	seq.s32 s10, $0x1;
	s10 =	sld [smem:$0x3FAB]  }
0x3d: {  	_ =	shalt  }
0x3e: {  	_ =	shalt  }
0x3f: {  	_ =	shalt  }
0x40: {  	_ =	shalt  }
0x41: {  	_ =	shalt  }
0x42: {  	_ =	shalt  }
0x43: {  	_ =	shalt  }
0x44: {  	_ =	shalt  }
0x45: {  	_ =	shalt  }
0x46: {  	_ =	shalt  }
0x47: {  	_ =	shalt  }
0x48: {  	_ =	shalt  }
0x49: {  	_ =	shalt  }
0x4a: {  	_ =	shalt  }
0x4b: {  	_ =	shalt  }
0x4c: {  	_ =	shalt  }
0x4d: {  	_ =	shalt  }
0x4e: {  	_ =	shalt  }
0x4f: {  	_ =	shalt  }
0x50: {  	_ =	shalt  }
0x51: {  	_ =	shalt  }
0x52: {  	_ =	shalt  }
0x53: {  	_ =	shalt  }
0x54: {  	_ =	shalt  }
0x55: {  	_ =	shalt  }
0x56: {  	_ =	shalt  }
0x57: {  	_ =	shalt  }
0x58: {  	_ =	shalt  }
0x59: {  	_ =	shalt  }
0x5a: {  	_ =	shalt  }
0x5b: {  	_ =	shalt  }
0x5c: {  	_ =	shalt  }
0x5d: {  	_ =	shalt  }
0x5e: {  	_ =	shalt  }
0x5f: {  	_ =	shalt  }
0x60: {  	_ =	shalt  }
0x61: {  	_ =	shalt  }
0x62: {  	_ =	shalt  }
0x63: {  	_ =	shalt  }
0x64: {  	_ =	shalt  }
0x65: {  	_ =	shalt  }
0x66: {  	_ =	shalt  }
0x67: {  	_ =	shalt  }
0x68: {  	_ =	shalt  }
0x69: {  	_ =	shalt  }
0x6a: {  	_ =	shalt  }
0x6b: {  	_ =	shalt  }
0x6c: {  	_ =	shalt  }
0x6d: {  	_ =	shalt  }
0x6e: {  	_ =	shalt  }
0x6f: {  	_ =	shalt  }
0x70: {  	_ =	shalt  }
0x71: {  	_ =	shalt  }
0x72: {  	_ =	shalt  }
0x73: {  	_ =	shalt  }
0x74: {  	_ =	shalt  }
0x75: {  	_ =	shalt  }
0x76: {  	_ =	shalt  }
0x77: {  	_ =	shalt  }
0x78: {  	_ =	shalt  }
0x79: {  	_ =	shalt  }
0x7a: {  	_ =	shalt  }
0x7b: {  	_ =	shalt  }
0x7c: {  	_ =	shalt  }
0x7d: {  	_ =	shalt  }
0x7e: {  	_ =	shalt  }
0x7f: {  	_ =	shalt  }
0x80: {  	_ =	shalt  }
0x81: {  	_ =	shalt  }
0x82: {  	_ =	shalt  }
0x83: {  	_ =	shalt  }
0x84: {  	_ =	shalt  }
0x85: {  	_ =	shalt  }
0x86: {  	_ =	shalt  }
0x87: {  	_ =	shalt  }
.Lfunc_end0:
.L_simem_size_0:
called_computation.1_lowered:
.L_overlay_start_0:
0x88: {  	s2 =	sld [smem:$0x3FD9]  }
0x89: {  	s3 =	sld [smem:$0x3FFE];
	_ =	sdelay $0x1  }
0x8a: {  	s1 =	srdreg.scid  }
0x8b: {  	s0 =	sand.u32 $0x1, s1  }
0x8c: {  	s16 =	sshll.u32 s0, $0xA;
	s2 =	sadd.s32 s3, s2  }
0x8d: {  	s2 =	sadd.s32 s2, s16  }
0x8e: {  	[smem:$0x3FB7] =	sst s2  }
0x8f: {  	_ = 	snop  }
0x90: {  	(tm) =	ssettm $0x1  }
0x91: {  	s17 =	sld [smem:$0x3FFB];
	_ =	sdelay $0x3  }
0x92: {  	_ =	strace s17  }
0x93: {  	s2 =	sld [smem:$0x3FFC];
	_ =	sdelay $0x3  }
0x94: {  	_ =	strace s2  }
0x95: {  	s2 =	sld [smem:$0x3FFD];
	_ =	sdelay $0x3  }
0x96: {  	_ =	strace s2  }
0x97: {  	_ =	strace $0x8FFFFFFF  }
0x98: {  	s18 =	sld [smem:$0x3FDB];
	_ =	sdelay $0x1  }
0x99: {  	s19 =	simm.s32 $_scs_section_size  }
0x9a: {  	s4 =	simm.s32 $_size__tile_overlayer_lowered;
	s5 =	simm.s32 $_tile_overlayer_lowered  }
0x9b: {  	s22 =	simm.s32 $0x1BFF;
	s21 =	sshll.u32 s5, $0x1;
	s2 =	sadd.s32 s19, s18  }
0x9c: {  	s6 =	simm.s32 $0x0;
	s20 =	sshll.u32 s4, $0x1;
	s4 =	sadd.s32 s21, s2  }
0x9d: {  	[timem:s6], [sflag:s22] =	dma.local [hbm:s4], s20  }
0x9e: {  	_ =	swait.ge [sflag:s22], s20  }
0x9f: {  	s3 =	ssub.s32 $0x0, s20;
	[sflag:s22] =	ssyncset.done $0x0  }
0xa0: {  	[sflag:s22] =	ssyncadd.s32 s3;
	_ =	sdelay $0x1  }
0xa1: {  	s23 =	simm.s32 $0x1B8B  }
0xa2: {  	_ =	swait.ge [sflag:s23], $0x1  }
0xa3: {  	[sflag:s23] =	ssyncset.done $0x0  }
0xa4: {  	s25 =	simm.s32 $0x1B8E;
	s24 =	sld [smem:$0x3FFE];
	[sflag:s23] =	ssyncadd.s32 $0xFFFFFFFF  }
0xa5: {  	s26 =	simm.s32 $execute0_lowered;
	[smem:$0x3FD2] =	sst s25  }
0xa6: {  	s4 =	sshll.u32 s26, $0x1;
	_ =	strace $0x80000049;
	[dreg:$0x1] =	wrdreg $0xFFFFFFFF  }
0xa7: {  	s28 =	simm.s32 $_size_execute0_lowered;
	s2 =	sadd.s32 s2, s4;
	[dreg:$0x0] =	wrdreg $0x0  }
0xa8: {  	s4 =	sshll.u32 s28, $0x1;
	[dreg:$0x2] =	wrdreg s2  }
0xa9: {  	[dreg:$0x3] =	wrdreg s4  }
0xaa: {  	[dreg:$0x4] =	wrdreg $0xC0  }
0xab: {  	_ =	task [dreg:s6], $0x5FFFF  }
0xac: {  	[dreg:$0x1] =	wrdreg $0xFFFFFFFF  }
0xad: {  	[dreg:$0x0] =	wrdreg $0x60  }
0xae: {  	[dreg:$0x2] =	wrdreg s24  }
0xaf: {  	[dreg:$0x3] =	wrdreg $0x75000  }
0xb0: {  	[dreg:$0x4] =	wrdreg $0x9  }
0xb1: {  	_ =	task.clear_ibuf [dreg:s6], $0x5FFFF;
	_ =	strace $0x90000049  }
0xb2: {  	s29 =	simm.s32 $0x9;
	_ =	strace $0x8000004B  }
0xb3: {  	_ =	swait.ge [sflag:s29], $0x1  }
0xb4: {  	[sflag:s29] =	ssyncadd.s32 $0xFFFFFFFF  }
0xb5: {  	_ =	strace $0x9000004B  }
0xb6: {  	_ =	sfence  }
0xb7: {  	s30 =	sld [smem:$0x0];
	_ =	sdelay $0x2  }
0xb8: {  	s31 =	sshll.u32 s1, $0xD;
	s1 =	sshrl.u32 s1, $0x2  }
0xb9: {  	s3 =	sand.u32 $0x4000, s31;
	s1 =	sadd.s32 s1, s30  }
0xba: {  	s0 =	sor.u32 s3, s0;
	s1 =	sshll.u32 s1, $0x11  }
0xbb: {  	s0 =	sor.u32 s1, s0  }
0xbc: {  	s0 =	sadd.s32 $0x8F2B, s0  }
0xbd: {  	[sflag:s0] =	ssyncadd.remote.s32 $0x1  }
0xbe: {  	_ =	sfence.sel $0xFFFF  }
0xbf: {  	[dreg:$0x0] =	wrdreg $0xFFFFFFFF;
	(pc) =	sbr.abs _section_cstart, $3  }
0xc0: {  	[dreg:$0x1] =	wrdreg $0xFFFFFFFF  }
0xc1: {  	_ =	task.clear_ibuf [dreg:s6], $0x2FFFF;
	_ =	strace $0x9FFFFFFF  }
0xc2: {  	(tm) =	ssettm $0x7FFFFFFF  }
0xc3: {  	_ =	shalt  }
tec
execute0_lowered:
.L_overlay_start_1:
0x0: {  	(tag) =	ssettag $0x1  }
0x1: {  	s5 =	rddreg [dreg:$0x0]  }
0x2: {  	s1 =	rddreg [dreg:$0x1];
	s2 =	srdreg.scid  }
0x3: {  	s0 =	rddreg [dreg:$0x2];
	s3 =	simm.s32 $0x0;
	s10 =	simm.s32 $0x65  }
0x4: {  	s16 =	simm.s32 $0x80;
	s17 =	simm.s32 $0x3400;
	s18 =	simm.s32 $0x1  }
0x5: {  	s19 =	simm.s32 $0x3480;
	s6 =	sand.u32 $0x1, s2;
	s2 =	stileid.u32  }
0x6: {  	s22 =	simm.s32 $0x0;
	[smem:$0x7FF] =	sst s3;
	s7 =	smul.u32 $0x140000, s6  }
0x7: {  	s4 =	sadd.s32 $0x1CE00, s5;
	s12 =	sadd.s32 $0xFE00, s5;
	s8 =	smul.u32 $0x14000, s2  }
0x8: {  	s13 =	sadd.s32 $0x16600, s5;
	_ =	strace $0x8000004A;
	s29 =	smul.u32 $0x50000, s2  }
0x9: {  	s9 =	ssub.s32 $0x2, s6;
	p0 =	seq.s32 s6, $0x0;
	s15 =	smul.u32 $0x680, s2  }
0xa: {  	s20 =	sshll.u32 s2, $0x6;
	s30 =	sshrl.u32 s9, $0x1;
	s10 =	simm.s32 @!p0 $0x3D  }
0xb: {  	s13 =	smov.u32 @p0 s12;
	s20 =	sor.u32 $0x1C02, s20;
	s7 =	sadd.s32 s8, s7  }
0xc: {  	s31 =	sshrl.u32 s29, $0x2;
	s14 =	ssub.s32 s9, s30;
	s13 =	sadd.s32 s13, s15  }
0xd: {  	s15 =	simm.s32 $0x3500;
	s7 =	sshrl.u32 s7, $0x3;
	s12 =	smax.u32 s14, $0x1  }
0xe: {  	s14 =	simm.s32 $0x2;
	s11 =	sadd.s32 s7, s5;
	s5 =	sadd.s32 s31, s1  }
0xf: {  	s6 =	sadd.s32 $0x4000, s5;
	s7 =	sadd.s32 $0x8000, s5;
	s8 =	sadd.s32 $0xC000, s5  }
0x10: {  	v0 =	vimm.f32 $0.0e+00;
	s9 =	sadd.s32 $0x10000, s5;
	s11 =	sadd.s32 $0x44000, s11;
	s21 =	sshrl.u32 s5, $0x3  }
.LBB2_1:
0x11: {  	[tilespmem:s3], [sflag:$0x2] =	stream.linear.gather [hbm4b:s13+s3], $0x3280, $0x38;
	[tilespmem:$0x1B500] =	vst v63  }
0x12: {  	_ =	swait.ge [sflag:s14], $0x3280  }
0x13: {  	[sflag:s14] =	ssyncset.done $0x0  }
0x14: {  	s23 =	simm.s32 $0x0;
	s24 =	simm.s32 $0x200;
	[sflag:s14] =	ssyncadd.s32 $0xFFFFCD80  }
.LBB2_2:
0x15: {  	p0 =	sne.s32 s24, $0xFE00;
	[tilespmem:s23+$0x3570] =	vst v0  }
0x16: {  	[tilespmem:s23+$0x3500] =	vst v0  }
0x17: {  	[tilespmem:s23+$0x3510] =	vst v0  }
.Ltmp0:
0x18: {  	[tilespmem:s23+$0x3520] =	vst v0;
	(pc) =	sbr.rel @p0 .LBB2_2-.Ltmp0, $4  }
0x19: {  	[tilespmem:s23+$0x3530] =	vst v0  }
0x1a: {  	[tilespmem:s23+$0x3540] =	vst v0  }
0x1b: {  	[tilespmem:s23+$0x3550] =	vst v0  }
0x1c: {  	[tilespmem:s23+$0x3560] =	vst v0;
	s23 =	sshra.s32 s24, $0x2;
	s24 =	sadd.s32 $0x200, s24  }
0x1d: {  	[tilespmem:s23+$0x3570] =	vst v0  }
0x1e: {  	[tilespmem:s23+$0x3500] =	vst v0  }
0x1f: {  	[tilespmem:s23+$0x3510] =	vst v0  }
0x20: {  	[tilespmem:s23+$0x3520] =	vst v0  }
0x21: {  	[tilespmem:s23+$0x3530] =	vst v0  }
0x22: {  	[tilespmem:s23+$0x3540] =	vst v0  }
0x23: {  	[tilespmem:s23+$0x3550] =	vst v0  }
0x24: {  	[tilespmem:s23+$0x3560] =	vst v0  }
0x25: {  	[spmem:s5] =	stream.linear.scatter [tilespmem:s15], [sflag:$0x2], $0x4000, $0x38;
	[tilespmem:$0x1B500] =	vst v63  }
0x26: {  	_ =	swait.ge [sflag:s14], $0x4000  }
0x27: {  	[sflag:s14] =	ssyncset.done $0x0  }
0x28: {  	[sflag:s14] =	ssyncadd.s32 $0xFFFFC000  }
0x29: {  	[spmem:s6] =	stream.linear.scatter [tilespmem:s15], [sflag:$0x2], $0x4000, $0x38;
	[tilespmem:$0x1B500] =	vst v63  }
0x2a: {  	_ =	swait.ge [sflag:s14], $0x4000  }
0x2b: {  	[sflag:s14] =	ssyncset.done $0x0  }
0x2c: {  	[sflag:s14] =	ssyncadd.s32 $0xFFFFC000  }
0x2d: {  	[spmem:s7] =	stream.linear.scatter [tilespmem:s15], [sflag:$0x2], $0x4000, $0x38;
	[tilespmem:$0x1B500] =	vst v63  }
0x2e: {  	_ =	swait.ge [sflag:s14], $0x4000  }
0x2f: {  	[sflag:s14] =	ssyncset.done $0x0  }
0x30: {  	[sflag:s14] =	ssyncadd.s32 $0xFFFFC000  }
0x31: {  	[spmem:s8] =	stream.linear.scatter [tilespmem:s15], [sflag:$0x2], $0x4000, $0x38;
	[tilespmem:$0x1B500] =	vst v63  }
0x32: {  	_ =	swait.ge [sflag:s14], $0x4000  }
0x33: {  	[sflag:s14] =	ssyncset.done $0x0  }
0x34: {  	[sflag:s14] =	ssyncadd.s32 $0xFFFFC000  }
0x35: {  	[spmem:s9] =	stream.linear.scatter [tilespmem:s15], [sflag:$0x2], $0x4000, $0x38;
	[tilespmem:$0x1B500] =	vst v63  }
0x36: {  	_ =	swait.ge [sflag:s14], $0x4000  }
0x37: {  	[sflag:s14] =	ssyncset.done $0x0  }
0x38: {  	[sflag:s14] =	ssyncadd.s32 $0xFFFFC000  }
0x39: {  	s23 =	simm.s32 $0x40;
	[bflag:$0x0] =	sbarrier.arrive $0xFFFF  }
0x3a: {  	v1 =	vld [tilespmem:s23+$0xFFFFFFC0];
	_ =	sdelay $0x4  }
0x3b: {  	v2 =	vand.u32 $0xFFFF, v1  }
0x3c: {  	v1 =	vshra.s32 v1, $0x10;
	[tilespmem:$0x3400] =	vst v2  }
0x3d: {  	[tilespmem:$0x3480] =	vst v1  }
0x3e: {  	v1 =	vld [tilespmem:s23+$0xFFFFFFD0];
	_ =	sdelay $0x4  }
0x3f: {  	v2 =	vand.u32 $0xFFFF, v1  }
0x40: {  	v1 =	vshra.s32 v1, $0x10;
	[tilespmem:$0x3410] =	vst v2  }
0x41: {  	[tilespmem:$0x3490] =	vst v1  }
0x42: {  	v1 =	vld [tilespmem:s23+$0xFFFFFFE0];
	_ =	sdelay $0x4  }
0x43: {  	v2 =	vand.u32 $0xFFFF, v1  }
0x44: {  	v1 =	vshra.s32 v1, $0x10;
	[tilespmem:$0x3420] =	vst v2  }
0x45: {  	[tilespmem:$0x34A0] =	vst v1  }
0x46: {  	v1 =	vld [tilespmem:s23+$0xFFFFFFF0];
	_ =	sdelay $0x4  }
0x47: {  	v2 =	vand.u32 $0xFFFF, v1  }
0x48: {  	v1 =	vshra.s32 v1, $0x10;
	[tilespmem:$0x3430] =	vst v2  }
0x49: {  	[tilespmem:$0x34B0] =	vst v1  }
0x4a: {  	v1 =	vld [tilespmem:s23+$0x0];
	_ =	sdelay $0x4  }
0x4b: {  	v2 =	vand.u32 $0xFFFF, v1  }
0x4c: {  	v1 =	vshra.s32 v1, $0x10;
	[tilespmem:$0x3440] =	vst v2  }
0x4d: {  	[tilespmem:$0x34C0] =	vst v1  }
0x4e: {  	v1 =	vld [tilespmem:s23+$0x10];
	_ =	sdelay $0x4  }
0x4f: {  	v2 =	vand.u32 $0xFFFF, v1  }
0x50: {  	v1 =	vshra.s32 v1, $0x10;
	[tilespmem:$0x3450] =	vst v2  }
0x51: {  	[tilespmem:$0x34D0] =	vst v1  }
0x52: {  	v1 =	vld [tilespmem:s23+$0x20];
	_ =	sdelay $0x4  }
0x53: {  	v2 =	vand.u32 $0xFFFF, v1  }
0x54: {  	v1 =	vshra.s32 v1, $0x10;
	[tilespmem:$0x3460] =	vst v2  }
0x55: {  	[tilespmem:$0x34E0] =	vst v1  }
0x56: {  	v1 =	vld [tilespmem:s23+$0x30]  }
0x57: {  	p0 =	sne.s32 s10, $0x1  }
.Ltmp1:
0x58: {  	_ = 	snop;
	(pc) =	sbr.rel @!p0 .LBB2_5-.Ltmp1, $3  }
0x59: {  	_ =	sdelay $0x1  }
0x5a: {  	v2 =	vand.u32 $0xFFFF, v1  }
0x5b: {  	s24 =	sadd.s32 $0xFFFFFFFF, s10;
	v1 =	vshra.s32 v1, $0x10;
	[tilespmem:$0x3470] =	vst v2  }
.LBB2_4:
0x5c: {  	p0 =	sne.s32 s24, $0x1;
	s24 =	sadd.s32 $0xFFFFFFFF, s24;
	[tilespmem:$0x34F0] =	vst v1;
	s23 =	sadd.s32 $0x80, s23  }
0x5d: {  	[tilespmem:s15], [sflag:$0x1] =	stream.indirect.gather [hbm4b:s4+s16], $0x80, s17, s16, $0xb8;
	[tilespmem:$0x1B500] =	vst v63  }
0x5e: {  	_ =	swait.ge [sflag:s18], $0x4000  }
0x5f: {  	[sflag:s18] =	ssyncset.done $0x0  }
0x60: {  	[sflag:s18] =	ssyncadd.s32 $0xFFFFC000  }
0x61: {  	[spmem:s1] =	stream.indirect.scatter.add.f32 [tilespmem:s15], [sflag:$0x2], $0x80, s19, s16, $0xb8;
	[tilespmem:$0x1B500] =	vst v63  }
0x62: {  	_ =	swait.ge [sflag:s14], $0x4000  }
0x63: {  	[sflag:s14] =	ssyncset.done $0x0  }
0x64: {  	[sflag:s14] =	ssyncadd.s32 $0xFFFFC000  }
0x65: {  	v1 =	vld [tilespmem:s23+$0xFFFFFFC0];
	_ =	sdelay $0x4  }
0x66: {  	v2 =	vand.u32 $0xFFFF, v1;
	v1 =	vshra.s32 v1, $0x10  }
0x67: {  	[tilespmem:$0x3400] =	vst v2  }
0x68: {  	[tilespmem:$0x3480] =	vst v1  }
0x69: {  	v1 =	vld [tilespmem:s23+$0xFFFFFFD0];
	_ =	sdelay $0x4  }
0x6a: {  	v2 =	vand.u32 $0xFFFF, v1;
	v1 =	vshra.s32 v1, $0x10  }
0x6b: {  	[tilespmem:$0x3410] =	vst v2  }
0x6c: {  	[tilespmem:$0x3490] =	vst v1  }
0x6d: {  	v1 =	vld [tilespmem:s23+$0xFFFFFFE0];
	_ =	sdelay $0x4  }
0x6e: {  	v2 =	vand.u32 $0xFFFF, v1;
	v1 =	vshra.s32 v1, $0x10  }
0x6f: {  	[tilespmem:$0x3420] =	vst v2  }
0x70: {  	[tilespmem:$0x34A0] =	vst v1  }
0x71: {  	v1 =	vld [tilespmem:s23+$0xFFFFFFF0];
	_ =	sdelay $0x4  }
0x72: {  	v2 =	vand.u32 $0xFFFF, v1;
	v1 =	vshra.s32 v1, $0x10  }
0x73: {  	[tilespmem:$0x3430] =	vst v2  }
0x74: {  	[tilespmem:$0x34B0] =	vst v1  }
0x75: {  	v1 =	vld [tilespmem:s23+$0x0];
	_ =	sdelay $0x4  }
0x76: {  	v2 =	vand.u32 $0xFFFF, v1;
	v1 =	vshra.s32 v1, $0x10  }
0x77: {  	[tilespmem:$0x3440] =	vst v2  }
0x78: {  	[tilespmem:$0x34C0] =	vst v1  }
0x79: {  	v1 =	vld [tilespmem:s23+$0x10];
	_ =	sdelay $0x4  }
0x7a: {  	v2 =	vand.u32 $0xFFFF, v1;
	v1 =	vshra.s32 v1, $0x10  }
0x7b: {  	[tilespmem:$0x3450] =	vst v2  }
0x7c: {  	[tilespmem:$0x34D0] =	vst v1  }
0x7d: {  	v1 =	vld [tilespmem:s23+$0x20];
	_ =	sdelay $0x4  }
0x7e: {  	v2 =	vand.u32 $0xFFFF, v1;
	v1 =	vshra.s32 v1, $0x10  }
0x7f: {  	[tilespmem:$0x3460] =	vst v2  }
0x80: {  	[tilespmem:$0x34E0] =	vst v1  }
0x81: {  	v1 =	vld [tilespmem:s23+$0x30];
	_ =	sdelay $0x1  }
.Ltmp2:
0x82: {  	(pc) =	sbr.rel @p0 .LBB2_4-.Ltmp2, $3  }
0x83: {  	_ =	sdelay $0x1  }
0x84: {  	v2 =	vand.u32 $0xFFFF, v1;
	v1 =	vshra.s32 v1, $0x10  }
0x85: {  	[tilespmem:$0x3470] =	vst v2  }
.LBB2_5:
0x86: {  	[tilespmem:$0x34F0] =	vst v1  }
0x87: {  	[tilespmem:s15], [sflag:$0x1] =	stream.indirect.gather [hbm4b:s4+s16], $0x80, s17, s16, $0xb8;
	[tilespmem:$0x1B500] =	vst v63  }
0x88: {  	_ =	swait.ge [sflag:s18], $0x4000  }
0x89: {  	[sflag:s18] =	ssyncset.done $0x0  }
0x8a: {  	[sflag:s18] =	ssyncadd.s32 $0xFFFFC000  }
0x8b: {  	[spmem:s1] =	stream.indirect.scatter.add.f32 [tilespmem:s15], [sflag:$0x2], $0x80, s19, s16, $0xb8;
	[tilespmem:$0x1B500] =	vst v63  }
0x8c: {  	_ =	swait.ge [sflag:s14], $0x4000  }
0x8d: {  	s22 =	sadd.s32 $0x1, s22;
	[sflag:s14] =	ssyncset.done $0x0  }
0x8e: {  	p0 =	sne.s32 s22, s12;
	[sflag:s14] =	ssyncadd.s32 $0xFFFFC000  }
.Ltmp3:
0x8f: {  	[bflag:$0x0] =	sbarrier.arrive $0xFFFF;
	(pc) =	sbr.rel @p0 .LBB2_1-.Ltmp3, $4  }
0x90: {  	[hbm:s11], [sflag:s20] =	dma.local [spmem:s21], $0x2800  }
0x91: {  	_ =	swait.ge [sflag:s14], $0x2800  }
0x92: {  	[sflag:s14] =	ssyncset.done $0x0  }
0x93: {  	[sflag:s14] =	ssyncadd.s32 $0xFFFFD800  }
0x94: {  	_ =	sfence.sel $0x180000  }
0x95: {  	[bflag:$0x0] =	sbarrier.arrive $0xFFFF  }
0x96: {  	p0 =	sne.s32 s2, $0x0;
	_ =	strace $0x9000004A  }
0x97: {  	s0 =	sadd.s32 @!p0 $0x100000, s0;
	[bflag:$0x2] =	sbarrier.arrive $0xFFFF  }
0x98: {  	[sflag:s0] =	ssyncadd.tile.s32 @!p0 $0x1;
	_ =	shalt  }
.Lfunc_end2:
_tile_overlayer_lowered:
.L_overlay_start_2:
0x99: {  	(tag) =	ssettag $0x2  }
0x9a: {  	s0 =	rddreg [dreg:$0x0];
	s2 =	stileid.u32  }
0x9b: {  	s1 =	rddreg [dreg:$0x1];
	p0 =	sne.s32 s2, $0x0  }
0x9c: {  	s3 =	rddreg [dreg:$0x2];
	[bflag:$0x3] =	sbarrier.arrive $0xFFFF;
	s2 =	simm.s32 @!p0 $0x1C02  }
0x9d: {  	[timem:s3], [sflag:s2] =	dma.local @!p0 [hbm:s0], s1  }
0x9e: {  	s0 =	simm.s32 @!p0 $0x2  }
0x9f: {  	_ =	swait.ge @!p0 [sflag:s0], s1  }
0xa0: {  	s1 =	ssub.s32 @!p0 $0x0, s1;
	[sflag:s0] =	ssyncset.done @!p0 $0x0  }
0xa1: {  	[sflag:s0] =	ssyncadd.s32 @!p0 s1  }
0xa2: {  	[bflag:$0x3] =	sbarrier.arrive $0xFFFF  }
0xa3: {  	_ =	shalt  }

// kernel: kernel.18.cloned.1.call-start
scs
__scs_entry_jumppad:
0x0: {  	(pc) =	sbr.rel $0x88, $3  }
0x1: {  	(tag) =	ssettag $0x0;
	lr =	simm.s32 $0x1  }
0x2: {  	[smem:$0x3F90] =	sst lr;
	_ =	strace $0xD0000000  }
0x3: {  	_ = 	snop  }
0x4: {  	_ = 	snop  }
0x5: {  	_ = 	snop  }
0x6: {  	_ = 	snop  }
0x7: {  	_ = 	snop  }
__scs_overlays_trampoline_lowered:
0x8: {  	[smem:$0x3F9F] =	sst s0  }
0x9: {  	[smem:$0x3FA0] =	sst s1  }
0xa: {  	[smem:$0x3FA1] =	sst s2  }
0xb: {  	[smem:$0x3FA2] =	sst s3  }
0xc: {  	[smem:$0x3FA3] =	sst s4  }
0xd: {  	[smem:$0x3FA4] =	sst s5  }
0xe: {  	[smem:$0x3FA5] =	sst s6  }
0xf: {  	[smem:$0x3FA6] =	sst s7  }
0x10: {  	[smem:$0x3FA7] =	sst s8  }
0x11: {  	[smem:$0x3FA8] =	sst s9;
	s0 =	simm.s32 @!p0 $0x0  }
0x12: {  	s1 =	sld [smem:$0x3F8E];
	s0 =	simm.s32 @p0 $0x1  }
0x13: {  	[smem:$0x3FA9] =	sst s0;
	s0 =	simm.s32 @!p1 $0x0  }
0x14: {  	s2 =	sld [smem:$0x3F8D];
	s0 =	simm.s32 @p1 $0x1  }
0x15: {  	[smem:$0x3FAA] =	sst s0;
	s0 =	simm.s32 @!p2 $0x0  }
0x16: {  	s3 =	sld [smem:$0x3FDB];
	s0 =	simm.s32 @p2 $0x1  }
0x17: {  	s4 =	simm.s32 $0x1BF5;
	[smem:$0x3FAC] =	sst s0  }
0x18: {  	s0 =	sld [smem:$0x3F8F];
	_ =	swait.ge [sflag:s4], $0x0  }
0x19: {  	s7 =	sld [smem:$0x3F90]  }
0x1a: {  	s8 =	sadd.s32 $0xFFFFE003, lr  }
0x1b: {  	s9 =	sadd.s32 $0xFFFFFEF7, lr;
	s5 =	simm.s32 $0xFFFFFFFF;
	p2 =	slt.u32 s8, $0xFFFFF086  }
0x1c: {  	p1 =	slt.u32 s9, $0xF7A;
	s5 =	simm.s32 @!p2 $0x0  }
0x1d: {  	s5 =	simm.s32 @p1 $0x1;
	p0 =	seq.s32 s7, s2  }
0x1e: {  	s7 =	smul.u32 @!p0 $0xF7A, s2;
	p2 =	seq.s32 @!p0 s5, $0x0  }
0x1f: {  	s9 =	smul.u32 $0xF7A, s1;
	s8 =	simm.s32 @!p0 $0x1BF5;
	p2 =	por !p2, p0  }
0x20: {  	[sflag:s8] =	ssyncset.s32 @!p0 $0xFFFFF086;
	s6 =	sadd.s32 @!p0 s3, s7;
	s7 =	simm.s32 @!p0 $0x108  }
0x21: {  	s3 =	sadd.s32 s3, s9;
	s6 =	sadd.s32 @!p0 $0x88, s6;
	s7 =	simm.s32 @p2 $0x1082  }
0x22: {  	[simem:s7], [sflag:s8] =	dma.local @!p0 [hbm:s6], $0xF7A  }
0x23: {  	s9 =	sor.u32 $0xD0000000, s2;
	s6 =	simm.s32 $0x108;
	_ =	swait.ge @!p0 [sflag:s8], $0x0  }
0x24: {  	s3 =	sadd.s32 $0x88, s3;
	s6 =	simm.s32 @!p1 $0x1082;
	[sflag:s4] =	ssyncset.s32 $0xFFFFF086  }
0x25: {  	[simem:s6], [sflag:s4] =	dma.local [hbm:s3], $0xF7A  }
0x26: {  	[smem:$0x3F90] =	sst s1;
	(tag) =	ssettag s2;
	_ =	strace s9  }
0x27: {  	s1 =	sld [smem:$0x3FA0]  }
0x28: {  	s2 =	sld [smem:$0x3FA1]  }
0x29: {  	s4 =	sld [smem:$0x3FA3]  }
0x2a: {  	p0 =	seq.s32 s5, $0x0;
	s5 =	sld [smem:$0x3FA4]  }
0x2b: {  	s6 =	sld [smem:$0x3FA5]  }
0x2c: {  	s7 =	sld [smem:$0x3FA6]  }
0x2d: {  	s3 =	simm.s32 $0x108;
	s8 =	sld [smem:$0x3FA7]  }
0x2e: {  	s3 =	simm.s32 @!p0 $0x1082;
	s9 =	sld [smem:$0x3FA8]  }
0x2f: {  	lr =	sadd.s32 s0, s3;
	s0 =	sld [smem:$0x3F9F]  }
0x30: {  	s3 =	sld [smem:$0x3FA2]  }
0x31: {  	[smem:$0x3FAB] =	sst s10  }
0x32: {  	s10 =	sld [smem:$0x3FA9];
	_ =	sdelay $0x3  }
0x33: {  	p0 =	seq.s32 s10, $0x1;
	s10 =	sld [smem:$0x3FAB];
	_ =	sdelay $0x3  }
0x34: {  	[smem:$0x3FAB] =	sst s10  }
0x35: {  	s10 =	sld [smem:$0x3FAA];
	_ =	sdelay $0x3  }
0x36: {  	p1 =	seq.s32 s10, $0x1;
	s10 =	sld [smem:$0x3FAB];
	_ =	sdelay $0x3  }
0x37: {  	[smem:$0x3FAB] =	sst s10  }
0x38: {  	s10 =	sld [smem:$0x3FAC]  }
0x39: {  	_ = 	snop;
	(pc) =	sbr.ind lr, $3  }
0x3a: {  	_ = 	snop  }
0x3b: {  	_ = 	snop  }
0x3c: {  	p2 =	seq.s32 s10, $0x1;
	s10 =	sld [smem:$0x3FAB]  }
0x3d: {  	_ =	shalt  }
0x3e: {  	_ =	shalt  }
0x3f: {  	_ =	shalt  }
0x40: {  	_ =	shalt  }
0x41: {  	_ =	shalt  }
0x42: {  	_ =	shalt  }
0x43: {  	_ =	shalt  }
0x44: {  	_ =	shalt  }
0x45: {  	_ =	shalt  }
0x46: {  	_ =	shalt  }
0x47: {  	_ =	shalt  }
0x48: {  	_ =	shalt  }
0x49: {  	_ =	shalt  }
0x4a: {  	_ =	shalt  }
0x4b: {  	_ =	shalt  }
0x4c: {  	_ =	shalt  }
0x4d: {  	_ =	shalt  }
0x4e: {  	_ =	shalt  }
0x4f: {  	_ =	shalt  }
0x50: {  	_ =	shalt  }
0x51: {  	_ =	shalt  }
0x52: {  	_ =	shalt  }
0x53: {  	_ =	shalt  }
0x54: {  	_ =	shalt  }
0x55: {  	_ =	shalt  }
0x56: {  	_ =	shalt  }
0x57: {  	_ =	shalt  }
0x58: {  	_ =	shalt  }
0x59: {  	_ =	shalt  }
0x5a: {  	_ =	shalt  }
0x5b: {  	_ =	shalt  }
0x5c: {  	_ =	shalt  }
0x5d: {  	_ =	shalt  }
0x5e: {  	_ =	shalt  }
0x5f: {  	_ =	shalt  }
0x60: {  	_ =	shalt  }
0x61: {  	_ =	shalt  }
0x62: {  	_ =	shalt  }
0x63: {  	_ =	shalt  }
0x64: {  	_ =	shalt  }
0x65: {  	_ =	shalt  }
0x66: {  	_ =	shalt  }
0x67: {  	_ =	shalt  }
0x68: {  	_ =	shalt  }
0x69: {  	_ =	shalt  }
0x6a: {  	_ =	shalt  }
0x6b: {  	_ =	shalt  }
0x6c: {  	_ =	shalt  }
0x6d: {  	_ =	shalt  }
0x6e: {  	_ =	shalt  }
0x6f: {  	_ =	shalt  }
0x70: {  	_ =	shalt  }
0x71: {  	_ =	shalt  }
0x72: {  	_ =	shalt  }
0x73: {  	_ =	shalt  }
0x74: {  	_ =	shalt  }
0x75: {  	_ =	shalt  }
0x76: {  	_ =	shalt  }
0x77: {  	_ =	shalt  }
0x78: {  	_ =	shalt  }
0x79: {  	_ =	shalt  }
0x7a: {  	_ =	shalt  }
0x7b: {  	_ =	shalt  }
0x7c: {  	_ =	shalt  }
0x7d: {  	_ =	shalt  }
0x7e: {  	_ =	shalt  }
0x7f: {  	_ =	shalt  }
0x80: {  	_ =	shalt  }
0x81: {  	_ =	shalt  }
0x82: {  	_ =	shalt  }
0x83: {  	_ =	shalt  }
0x84: {  	_ =	shalt  }
0x85: {  	_ =	shalt  }
0x86: {  	_ =	shalt  }
0x87: {  	_ =	shalt  }
.Lfunc_end0:
.L_simem_size_0:
called_computation.2_lowered:
.L_overlay_start_0:
0x88: {  	s2 =	sld [smem:$0x3FD9]  }
0x89: {  	s3 =	sld [smem:$0x3FFE];
	_ =	sdelay $0x1  }
0x8a: {  	s1 =	srdreg.scid  }
0x8b: {  	s0 =	sand.u32 $0x1, s1  }
0x8c: {  	s16 =	sshll.u32 s0, $0xA;
	s2 =	sadd.s32 s3, s2  }
0x8d: {  	s2 =	sadd.s32 s2, s16  }
0x8e: {  	[smem:$0x3FB7] =	sst s2  }
0x8f: {  	_ = 	snop  }
0x90: {  	(tm) =	ssettm $0x1  }
0x91: {  	s17 =	sld [smem:$0x3FFB];
	_ =	sdelay $0x3  }
0x92: {  	_ =	strace s17  }
0x93: {  	s2 =	sld [smem:$0x3FFC];
	_ =	sdelay $0x3  }
0x94: {  	_ =	strace s2  }
0x95: {  	s2 =	sld [smem:$0x3FFD];
	_ =	sdelay $0x3  }
0x96: {  	_ =	strace s2  }
0x97: {  	_ =	strace $0x8FFFFFFF  }
0x98: {  	s18 =	sld [smem:$0x3FDB];
	_ =	sdelay $0x1  }
0x99: {  	s19 =	simm.s32 $_scs_section_size  }
0x9a: {  	s4 =	simm.s32 $_size__tile_overlayer_lowered;
	s5 =	simm.s32 $_tile_overlayer_lowered  }
0x9b: {  	s22 =	simm.s32 $0x1BFF;
	s21 =	sshll.u32 s5, $0x1;
	s2 =	sadd.s32 s19, s18  }
0x9c: {  	s6 =	simm.s32 $0x0;
	s20 =	sshll.u32 s4, $0x1;
	s4 =	sadd.s32 s21, s2  }
0x9d: {  	[timem:s6], [sflag:s22] =	dma.local [hbm:s4], s20  }
0x9e: {  	_ =	swait.ge [sflag:s22], s20  }
0x9f: {  	s3 =	ssub.s32 $0x0, s20;
	[sflag:s22] =	ssyncset.done $0x0  }
0xa0: {  	[sflag:s22] =	ssyncadd.s32 s3;
	_ =	sdelay $0x1  }
0xa1: {  	s23 =	simm.s32 $0x1B8B  }
0xa2: {  	_ =	swait.ge [sflag:s23], $0x1  }
0xa3: {  	[sflag:s23] =	ssyncset.done $0x0  }
0xa4: {  	s25 =	simm.s32 $0x1B8E;
	s24 =	sld [smem:$0x3FFE];
	[sflag:s23] =	ssyncadd.s32 $0xFFFFFFFF  }
0xa5: {  	s26 =	simm.s32 $execute0_lowered;
	[smem:$0x3FD2] =	sst s25  }
0xa6: {  	s4 =	sshll.u32 s26, $0x1;
	_ =	strace $0x8000004C;
	[dreg:$0x1] =	wrdreg $0xFFFFFFFF  }
0xa7: {  	s28 =	simm.s32 $_size_execute0_lowered;
	s2 =	sadd.s32 s2, s4;
	[dreg:$0x0] =	wrdreg $0x0  }
0xa8: {  	s4 =	sshll.u32 s28, $0x1;
	[dreg:$0x2] =	wrdreg s2  }
0xa9: {  	[dreg:$0x3] =	wrdreg s4  }
0xaa: {  	[dreg:$0x4] =	wrdreg $0xC0  }
0xab: {  	_ =	task [dreg:s6], $0x5FFFF  }
0xac: {  	[dreg:$0x1] =	wrdreg $0xFFFFFFFF  }
0xad: {  	[dreg:$0x0] =	wrdreg $0x60  }
0xae: {  	[dreg:$0x2] =	wrdreg s24  }
0xaf: {  	[dreg:$0x3] =	wrdreg $0x75000  }
0xb0: {  	[dreg:$0x4] =	wrdreg $0x9  }
0xb1: {  	_ =	task.clear_ibuf [dreg:s6], $0x5FFFF;
	_ =	strace $0x9000004C  }
0xb2: {  	s29 =	simm.s32 $0x9;
	_ =	strace $0x8000004E  }
0xb3: {  	_ =	swait.ge [sflag:s29], $0x1  }
0xb4: {  	[sflag:s29] =	ssyncadd.s32 $0xFFFFFFFF  }
0xb5: {  	_ =	strace $0x9000004E  }
0xb6: {  	_ =	sfence  }
0xb7: {  	s30 =	sld [smem:$0x0];
	_ =	sdelay $0x2  }
0xb8: {  	s31 =	sshll.u32 s1, $0xD;
	s1 =	sshrl.u32 s1, $0x2  }
0xb9: {  	s3 =	sand.u32 $0x4000, s31;
	s1 =	sadd.s32 s1, s30  }
0xba: {  	s0 =	sor.u32 s3, s0;
	s1 =	sshll.u32 s1, $0x11  }
0xbb: {  	s0 =	sor.u32 s1, s0  }
0xbc: {  	s0 =	sadd.s32 $0x8F2B, s0  }
0xbd: {  	[sflag:s0] =	ssyncadd.remote.s32 $0x1  }
0xbe: {  	_ =	sfence.sel $0xFFFF  }
0xbf: {  	[dreg:$0x0] =	wrdreg $0xFFFFFFFF;
	(pc) =	sbr.abs _section_cstart, $3  }
0xc0: {  	[dreg:$0x1] =	wrdreg $0xFFFFFFFF  }
0xc1: {  	_ =	task.clear_ibuf [dreg:s6], $0x2FFFF;
	_ =	strace $0x9FFFFFFF  }
0xc2: {  	(tm) =	ssettm $0x7FFFFFFF  }
0xc3: {  	_ =	shalt  }
tec
execute0_lowered:
.L_overlay_start_1:
0x0: {  	(tag) =	ssettag $0x1  }
0x1: {  	s5 =	rddreg [dreg:$0x0]  }
0x2: {  	s1 =	rddreg [dreg:$0x1];
	s2 =	srdreg.scid  }
0x3: {  	s0 =	rddreg [dreg:$0x2];
	s3 =	simm.s32 $0x0;
	s10 =	simm.s32 $0x65  }
0x4: {  	s16 =	simm.s32 $0x80;
	s17 =	simm.s32 $0x3400;
	s18 =	simm.s32 $0x1  }
0x5: {  	s19 =	simm.s32 $0x3480;
	s6 =	sand.u32 $0x1, s2;
	s2 =	stileid.u32  }
0x6: {  	s22 =	simm.s32 $0x0;
	[smem:$0x7FF] =	sst s3;
	s7 =	smul.u32 $0x140000, s6  }
0x7: {  	s4 =	sadd.s32 $0x44000, s5;
	s12 =	sadd.s32 $0xFE00, s5;
	s8 =	smul.u32 $0x14000, s2  }
0x8: {  	s13 =	sadd.s32 $0x16600, s5;
	_ =	strace $0x8000004D;
	s29 =	smul.u32 $0x50000, s2  }
0x9: {  	s9 =	ssub.s32 $0x2, s6;
	p0 =	seq.s32 s6, $0x0;
	s15 =	smul.u32 $0x680, s2  }
0xa: {  	s20 =	sshll.u32 s2, $0x6;
	s30 =	sshrl.u32 s9, $0x1;
	s10 =	simm.s32 @!p0 $0x3D  }
0xb: {  	s13 =	smov.u32 @p0 s12;
	s20 =	sor.u32 $0x1C02, s20;
	s7 =	sadd.s32 s8, s7  }
0xc: {  	s31 =	sshrl.u32 s29, $0x2;
	s14 =	ssub.s32 s9, s30;
	s13 =	sadd.s32 s13, s15  }
0xd: {  	s15 =	simm.s32 $0x3500;
	s7 =	sshrl.u32 s7, $0x3;
	s12 =	smax.u32 s14, $0x1  }
0xe: {  	s14 =	simm.s32 $0x2;
	s11 =	sadd.s32 s7, s5;
	s5 =	sadd.s32 s31, s1  }
0xf: {  	s6 =	sadd.s32 $0x4000, s5;
	s7 =	sadd.s32 $0x8000, s5;
	s8 =	sadd.s32 $0xC000, s5  }
0x10: {  	v0 =	vimm.f32 $0.0e+00;
	s9 =	sadd.s32 $0x10000, s5;
	s11 =	sadd.s32 $0x6B200, s11;
	s21 =	sshrl.u32 s5, $0x3  }
.LBB2_1:
0x11: {  	[tilespmem:s3], [sflag:$0x2] =	stream.linear.gather [hbm4b:s13+s3], $0x3280, $0x38;
	[tilespmem:$0x1B500] =	vst v63  }
0x12: {  	_ =	swait.ge [sflag:s14], $0x3280  }
0x13: {  	[sflag:s14] =	ssyncset.done $0x0  }
0x14: {  	s23 =	simm.s32 $0x0;
	s24 =	simm.s32 $0x200;
	[sflag:s14] =	ssyncadd.s32 $0xFFFFCD80  }
.LBB2_2:
0x15: {  	p0 =	sne.s32 s24, $0xFE00;
	[tilespmem:s23+$0x3570] =	vst v0  }
0x16: {  	[tilespmem:s23+$0x3500] =	vst v0  }
0x17: {  	[tilespmem:s23+$0x3510] =	vst v0  }
.Ltmp0:
0x18: {  	[tilespmem:s23+$0x3520] =	vst v0;
	(pc) =	sbr.rel @p0 .LBB2_2-.Ltmp0, $4  }
0x19: {  	[tilespmem:s23+$0x3530] =	vst v0  }
0x1a: {  	[tilespmem:s23+$0x3540] =	vst v0  }
0x1b: {  	[tilespmem:s23+$0x3550] =	vst v0  }
0x1c: {  	[tilespmem:s23+$0x3560] =	vst v0;
	s23 =	sshra.s32 s24, $0x2;
	s24 =	sadd.s32 $0x200, s24  }
0x1d: {  	[tilespmem:s23+$0x3570] =	vst v0  }
0x1e: {  	[tilespmem:s23+$0x3500] =	vst v0  }
0x1f: {  	[tilespmem:s23+$0x3510] =	vst v0  }
0x20: {  	[tilespmem:s23+$0x3520] =	vst v0  }
0x21: {  	[tilespmem:s23+$0x3530] =	vst v0  }
0x22: {  	[tilespmem:s23+$0x3540] =	vst v0  }
0x23: {  	[tilespmem:s23+$0x3550] =	vst v0  }
0x24: {  	[tilespmem:s23+$0x3560] =	vst v0  }
0x25: {  	[spmem:s5] =	stream.linear.scatter [tilespmem:s15], [sflag:$0x2], $0x4000, $0x38;
	[tilespmem:$0x1B500] =	vst v63  }
0x26: {  	_ =	swait.ge [sflag:s14], $0x4000  }
0x27: {  	[sflag:s14] =	ssyncset.done $0x0  }
0x28: {  	[sflag:s14] =	ssyncadd.s32 $0xFFFFC000  }
0x29: {  	[spmem:s6] =	stream.linear.scatter [tilespmem:s15], [sflag:$0x2], $0x4000, $0x38;
	[tilespmem:$0x1B500] =	vst v63  }
0x2a: {  	_ =	swait.ge [sflag:s14], $0x4000  }
0x2b: {  	[sflag:s14] =	ssyncset.done $0x0  }
0x2c: {  	[sflag:s14] =	ssyncadd.s32 $0xFFFFC000  }
0x2d: {  	[spmem:s7] =	stream.linear.scatter [tilespmem:s15], [sflag:$0x2], $0x4000, $0x38;
	[tilespmem:$0x1B500] =	vst v63  }
0x2e: {  	_ =	swait.ge [sflag:s14], $0x4000  }
0x2f: {  	[sflag:s14] =	ssyncset.done $0x0  }
0x30: {  	[sflag:s14] =	ssyncadd.s32 $0xFFFFC000  }
0x31: {  	[spmem:s8] =	stream.linear.scatter [tilespmem:s15], [sflag:$0x2], $0x4000, $0x38;
	[tilespmem:$0x1B500] =	vst v63  }
0x32: {  	_ =	swait.ge [sflag:s14], $0x4000  }
0x33: {  	[sflag:s14] =	ssyncset.done $0x0  }
0x34: {  	[sflag:s14] =	ssyncadd.s32 $0xFFFFC000  }
0x35: {  	[spmem:s9] =	stream.linear.scatter [tilespmem:s15], [sflag:$0x2], $0x4000, $0x38;
	[tilespmem:$0x1B500] =	vst v63  }
0x36: {  	_ =	swait.ge [sflag:s14], $0x4000  }
0x37: {  	[sflag:s14] =	ssyncset.done $0x0  }
0x38: {  	[sflag:s14] =	ssyncadd.s32 $0xFFFFC000  }
0x39: {  	s23 =	simm.s32 $0x40;
	[bflag:$0x0] =	sbarrier.arrive $0xFFFF  }
0x3a: {  	v1 =	vld [tilespmem:s23+$0xFFFFFFC0];
	_ =	sdelay $0x4  }
0x3b: {  	v2 =	vand.u32 $0xFFFF, v1  }
0x3c: {  	v1 =	vshra.s32 v1, $0x10;
	[tilespmem:$0x3400] =	vst v2  }
0x3d: {  	[tilespmem:$0x3480] =	vst v1  }
0x3e: {  	v1 =	vld [tilespmem:s23+$0xFFFFFFD0];
	_ =	sdelay $0x4  }
0x3f: {  	v2 =	vand.u32 $0xFFFF, v1  }
0x40: {  	v1 =	vshra.s32 v1, $0x10;
	[tilespmem:$0x3410] =	vst v2  }
0x41: {  	[tilespmem:$0x3490] =	vst v1  }
0x42: {  	v1 =	vld [tilespmem:s23+$0xFFFFFFE0];
	_ =	sdelay $0x4  }
0x43: {  	v2 =	vand.u32 $0xFFFF, v1  }
0x44: {  	v1 =	vshra.s32 v1, $0x10;
	[tilespmem:$0x3420] =	vst v2  }
0x45: {  	[tilespmem:$0x34A0] =	vst v1  }
0x46: {  	v1 =	vld [tilespmem:s23+$0xFFFFFFF0];
	_ =	sdelay $0x4  }
0x47: {  	v2 =	vand.u32 $0xFFFF, v1  }
0x48: {  	v1 =	vshra.s32 v1, $0x10;
	[tilespmem:$0x3430] =	vst v2  }
0x49: {  	[tilespmem:$0x34B0] =	vst v1  }
0x4a: {  	v1 =	vld [tilespmem:s23+$0x0];
	_ =	sdelay $0x4  }
0x4b: {  	v2 =	vand.u32 $0xFFFF, v1  }
0x4c: {  	v1 =	vshra.s32 v1, $0x10;
	[tilespmem:$0x3440] =	vst v2  }
0x4d: {  	[tilespmem:$0x34C0] =	vst v1  }
0x4e: {  	v1 =	vld [tilespmem:s23+$0x10];
	_ =	sdelay $0x4  }
0x4f: {  	v2 =	vand.u32 $0xFFFF, v1  }
0x50: {  	v1 =	vshra.s32 v1, $0x10;
	[tilespmem:$0x3450] =	vst v2  }
0x51: {  	[tilespmem:$0x34D0] =	vst v1  }
0x52: {  	v1 =	vld [tilespmem:s23+$0x20];
	_ =	sdelay $0x4  }
0x53: {  	v2 =	vand.u32 $0xFFFF, v1  }
0x54: {  	v1 =	vshra.s32 v1, $0x10;
	[tilespmem:$0x3460] =	vst v2  }
0x55: {  	[tilespmem:$0x34E0] =	vst v1  }
0x56: {  	v1 =	vld [tilespmem:s23+$0x30]  }
0x57: {  	p0 =	sne.s32 s10, $0x1  }
.Ltmp1:
0x58: {  	_ = 	snop;
	(pc) =	sbr.rel @!p0 .LBB2_5-.Ltmp1, $3  }
0x59: {  	_ =	sdelay $0x1  }
0x5a: {  	v2 =	vand.u32 $0xFFFF, v1  }
0x5b: {  	s24 =	sadd.s32 $0xFFFFFFFF, s10;
	v1 =	vshra.s32 v1, $0x10;
	[tilespmem:$0x3470] =	vst v2  }
.LBB2_4:
0x5c: {  	p0 =	sne.s32 s24, $0x1;
	s24 =	sadd.s32 $0xFFFFFFFF, s24;
	[tilespmem:$0x34F0] =	vst v1;
	s23 =	sadd.s32 $0x80, s23  }
0x5d: {  	[tilespmem:s15], [sflag:$0x1] =	stream.indirect.gather [hbm4b:s4+s16], $0x80, s17, s16, $0xb8;
	[tilespmem:$0x1B500] =	vst v63  }
0x5e: {  	_ =	swait.ge [sflag:s18], $0x4000  }
0x5f: {  	[sflag:s18] =	ssyncset.done $0x0  }
0x60: {  	[sflag:s18] =	ssyncadd.s32 $0xFFFFC000  }
0x61: {  	[spmem:s1] =	stream.indirect.scatter.add.f32 [tilespmem:s15], [sflag:$0x2], $0x80, s19, s16, $0xb8;
	[tilespmem:$0x1B500] =	vst v63  }
0x62: {  	_ =	swait.ge [sflag:s14], $0x4000  }
0x63: {  	[sflag:s14] =	ssyncset.done $0x0  }
0x64: {  	[sflag:s14] =	ssyncadd.s32 $0xFFFFC000  }
0x65: {  	v1 =	vld [tilespmem:s23+$0xFFFFFFC0];
	_ =	sdelay $0x4  }
0x66: {  	v2 =	vand.u32 $0xFFFF, v1;
	v1 =	vshra.s32 v1, $0x10  }
0x67: {  	[tilespmem:$0x3400] =	vst v2  }
0x68: {  	[tilespmem:$0x3480] =	vst v1  }
0x69: {  	v1 =	vld [tilespmem:s23+$0xFFFFFFD0];
	_ =	sdelay $0x4  }
0x6a: {  	v2 =	vand.u32 $0xFFFF, v1;
	v1 =	vshra.s32 v1, $0x10  }
0x6b: {  	[tilespmem:$0x3410] =	vst v2  }
0x6c: {  	[tilespmem:$0x3490] =	vst v1  }
0x6d: {  	v1 =	vld [tilespmem:s23+$0xFFFFFFE0];
	_ =	sdelay $0x4  }
0x6e: {  	v2 =	vand.u32 $0xFFFF, v1;
	v1 =	vshra.s32 v1, $0x10  }
0x6f: {  	[tilespmem:$0x3420] =	vst v2  }
0x70: {  	[tilespmem:$0x34A0] =	vst v1  }
0x71: {  	v1 =	vld [tilespmem:s23+$0xFFFFFFF0];
	_ =	sdelay $0x4  }
0x72: {  	v2 =	vand.u32 $0xFFFF, v1;
	v1 =	vshra.s32 v1, $0x10  }
0x73: {  	[tilespmem:$0x3430] =	vst v2  }
0x74: {  	[tilespmem:$0x34B0] =	vst v1  }
0x75: {  	v1 =	vld [tilespmem:s23+$0x0];
	_ =	sdelay $0x4  }
0x76: {  	v2 =	vand.u32 $0xFFFF, v1;
	v1 =	vshra.s32 v1, $0x10  }
0x77: {  	[tilespmem:$0x3440] =	vst v2  }
0x78: {  	[tilespmem:$0x34C0] =	vst v1  }
0x79: {  	v1 =	vld [tilespmem:s23+$0x10];
	_ =	sdelay $0x4  }
0x7a: {  	v2 =	vand.u32 $0xFFFF, v1;
	v1 =	vshra.s32 v1, $0x10  }
0x7b: {  	[tilespmem:$0x3450] =	vst v2  }
0x7c: {  	[tilespmem:$0x34D0] =	vst v1  }
0x7d: {  	v1 =	vld [tilespmem:s23+$0x20];
	_ =	sdelay $0x4  }
0x7e: {  	v2 =	vand.u32 $0xFFFF, v1;
	v1 =	vshra.s32 v1, $0x10  }
0x7f: {  	[tilespmem:$0x3460] =	vst v2  }
0x80: {  	[tilespmem:$0x34E0] =	vst v1  }
0x81: {  	v1 =	vld [tilespmem:s23+$0x30];
	_ =	sdelay $0x1  }
.Ltmp2:
0x82: {  	(pc) =	sbr.rel @p0 .LBB2_4-.Ltmp2, $3  }
0x83: {  	_ =	sdelay $0x1  }
0x84: {  	v2 =	vand.u32 $0xFFFF, v1;
	v1 =	vshra.s32 v1, $0x10  }
0x85: {  	[tilespmem:$0x3470] =	vst v2  }
.LBB2_5:
0x86: {  	[tilespmem:$0x34F0] =	vst v1  }
0x87: {  	[tilespmem:s15], [sflag:$0x1] =	stream.indirect.gather [hbm4b:s4+s16], $0x80, s17, s16, $0xb8;
	[tilespmem:$0x1B500] =	vst v63  }
0x88: {  	_ =	swait.ge [sflag:s18], $0x4000  }
0x89: {  	[sflag:s18] =	ssyncset.done $0x0  }
0x8a: {  	[sflag:s18] =	ssyncadd.s32 $0xFFFFC000  }
0x8b: {  	[spmem:s1] =	stream.indirect.scatter.add.f32 [tilespmem:s15], [sflag:$0x2], $0x80, s19, s16, $0xb8;
	[tilespmem:$0x1B500] =	vst v63  }
0x8c: {  	_ =	swait.ge [sflag:s14], $0x4000  }
0x8d: {  	s22 =	sadd.s32 $0x1, s22;
	[sflag:s14] =	ssyncset.done $0x0  }
0x8e: {  	p0 =	sne.s32 s22, s12;
	[sflag:s14] =	ssyncadd.s32 $0xFFFFC000  }
.Ltmp3:
0x8f: {  	[bflag:$0x0] =	sbarrier.arrive $0xFFFF;
	(pc) =	sbr.rel @p0 .LBB2_1-.Ltmp3, $4  }
0x90: {  	[hbm:s11], [sflag:s20] =	dma.local [spmem:s21], $0x2800  }
0x91: {  	_ =	swait.ge [sflag:s14], $0x2800  }
0x92: {  	[sflag:s14] =	ssyncset.done $0x0  }
0x93: {  	[sflag:s14] =	ssyncadd.s32 $0xFFFFD800  }
0x94: {  	_ =	sfence.sel $0x180000  }
0x95: {  	[bflag:$0x0] =	sbarrier.arrive $0xFFFF  }
0x96: {  	p0 =	sne.s32 s2, $0x0;
	_ =	strace $0x9000004D  }
0x97: {  	s0 =	sadd.s32 @!p0 $0x100000, s0;
	[bflag:$0x2] =	sbarrier.arrive $0xFFFF  }
0x98: {  	[sflag:s0] =	ssyncadd.tile.s32 @!p0 $0x1;
	_ =	shalt  }
.Lfunc_end2:
_tile_overlayer_lowered:
.L_overlay_start_2:
0x99: {  	(tag) =	ssettag $0x2  }
0x9a: {  	s0 =	rddreg [dreg:$0x0];
	s2 =	stileid.u32  }
0x9b: {  	s1 =	rddreg [dreg:$0x1];
	p0 =	sne.s32 s2, $0x0  }
0x9c: {  	s3 =	rddreg [dreg:$0x2];
	[bflag:$0x3] =	sbarrier.arrive $0xFFFF;
	s2 =	simm.s32 @!p0 $0x1C02  }
0x9d: {  	[timem:s3], [sflag:s2] =	dma.local @!p0 [hbm:s0], s1  }
0x9e: {  	s0 =	simm.s32 @!p0 $0x2  }
0x9f: {  	_ =	swait.ge @!p0 [sflag:s0], s1  }
0xa0: {  	s1 =	ssub.s32 @!p0 $0x0, s1;
	[sflag:s0] =	ssyncset.done @!p0 $0x0  }
0xa1: {  	[sflag:s0] =	ssyncadd.s32 @!p0 s1  }
0xa2: {  	[bflag:$0x3] =	sbarrier.arrive $0xFFFF  }
0xa3: {  	_ =	shalt  }

</sc_bundles>
